<compile_context>
chip_gen: v7x
topology: tpu7x:2x2x1
jax: 0.10.2.dev20260603
libtpu: 0.0.44.dev20260713+nightly
codegen_flags: <defaults>
</compile_context>

<pallas_src>
import functools

import jax
import jax.numpy as jnp
from jax import lax
from jax.experimental import pallas as pl
from jax.experimental.pallas import tpu as pltpu
from jax.experimental.pallas import tpu_sc as plsc

N = 10000
E = 320000
D = 128
H = 128

NC = 2
NS = 16
NW = NC * NS
E_PER_W = E // NW
CHUNK = 128
NCHM = 78
TAIL = E_PER_W - NCHM * CHUNK
NP = 10240
ROWS_PER_TILE = NP // NS


def _fill_f32(ref, rows, val):
    v = jnp.full((16,), val, jnp.float32)
    cols = ref.shape[1] // 16

    def body(i, c):
        for j in range(cols):
            ref[i, pl.ds(j * 16, 16)] = v
        return c

    lax.fori_loop(0, rows, body, 0)


def _make_sc_agg(with_cnt: bool):
    mesh = plsc.VectorSubcoreMesh(
        core_axis_name="c", subcore_axis_name="s", num_cores=NC, num_subcores=NS
    )
    out_type = [jax.ShapeDtypeStruct((NC, NP, D), jnp.float32)]
    scratch = [
        pltpu.VMEM_SHARED((NP, D), jnp.float32),
        pltpu.VMEM((3, 2, CHUNK), jnp.int32),
        pltpu.VMEM((2, TAIL), jnp.int32),
        pltpu.VMEM((CHUNK, D), jnp.float32),
        pltpu.VMEM((CHUNK, D), jnp.float32),
        pltpu.SemaphoreType.DMA,
        pltpu.SemaphoreType.DMA,
    ]
    if with_cnt:
        out_type.append(jax.ShapeDtypeStruct((NC, NP, D), jnp.float32))

    def body(x_hbm, em_hbm, et_hbm, acc_out, *rest):
        if with_cnt:
            cnt_out, acc_sh, ibuf, itail, rows, rowsb, gsm, ssm = rest
        else:
            acc_sh, ibuf, itail, rows, rowsb, gsm, ssm = rest
        cid = lax.axis_index("c")
        sid = lax.axis_index("s")
        wid = sid * NC + cid
        t0 = sid * ROWS_PER_TILE

        def zero_own_slice():
            for z in range(ROWS_PER_TILE // CHUNK):
                pltpu.sync_copy(rows, acc_sh.at[pl.ds(t0 + z * CHUNK, CHUNK)])

        def load_idx(k, b):
            pltpu.sync_copy(em_hbm.at[wid, jnp.minimum(k, NCHM - 1)],
                            ibuf.at[b])

        _fill_f32(rows, CHUNK, 0.0)

        if with_cnt:
            zero_own_slice()
            plsc.subcore_barrier()
            _fill_f32(rows, CHUNK, 1.0)
            load_idx(0, 0)

            def cstep(i, c):
                for b in range(2):
                    k = 2 * i + b
                    s = pltpu.async_copy(rows, acc_sh.at[ibuf.at[b, 1]],
                                         ssm, add=True)
                    load_idx(k + 1, 1 - b)
                    s.wait()
                return c

            lax.fori_loop(0, NCHM // 2, cstep, 0)
            pltpu.sync_copy(et_hbm.at[wid], itail)
            pltpu.sync_copy(rows.at[pl.ds(0, TAIL)],
                            acc_sh.at[itail.at[1]], add=True)
            plsc.subcore_barrier()
            pltpu.sync_copy(
                acc_sh.at[pl.ds(t0, ROWS_PER_TILE)],
                cnt_out.at[cid, pl.ds(t0, ROWS_PER_TILE)],
            )
            _fill_f32(rows, CHUNK, 0.0)

        zero_own_slice()
        plsc.subcore_barrier()
        load_idx(0, 0)

        def step(i, c):
            k = 3 * i
            g0 = pltpu.async_copy(x_hbm.at[ibuf.at[0, 0]], rows, gsm)
            load_idx(k + 1, 1)
            g0.wait()
            g1 = pltpu.async_copy(x_hbm.at[ibuf.at[1, 0]], rowsb, gsm)
            s0 = pltpu.async_copy(rows, acc_sh.at[ibuf.at[0, 1]], ssm,
                                  add=True)
            load_idx(k + 2, 2)
            g1.wait()
            s0.wait()
            g2 = pltpu.async_copy(x_hbm.at[ibuf.at[2, 0]], rows, gsm)
            s1 = pltpu.async_copy(rowsb, acc_sh.at[ibuf.at[1, 1]], ssm,
                                  add=True)
            load_idx(k + 3, 0)
            g2.wait()
            s1.wait()
            s2 = pltpu.async_copy(rows, acc_sh.at[ibuf.at[2, 1]], ssm,
                                  add=True)
            s2.wait()
            return c

        lax.fori_loop(0, NCHM // 3, step, 0)
        pltpu.sync_copy(et_hbm.at[wid], itail)
        pltpu.async_copy(x_hbm.at[itail.at[0]], rows.at[pl.ds(0, TAIL)],
                         gsm).wait()
        pltpu.sync_copy(rows.at[pl.ds(0, TAIL)],
                        acc_sh.at[itail.at[1]], add=True)
        plsc.subcore_barrier()

        pltpu.sync_copy(
            acc_sh.at[pl.ds(t0, ROWS_PER_TILE)],
            acc_out.at[cid, pl.ds(t0, ROWS_PER_TILE)],
        )

    return pl.kernel(body, out_type=tuple(out_type), mesh=mesh,
                     scratch_types=tuple(scratch))


_make_sc_agg = functools.cache(_make_sc_agg)


def _sc_agg_cnt(x, em, et):
    return _make_sc_agg(True)(x, em, et)


def _sc_agg(x, em, et):
    return _make_sc_agg(False)(x, em, et)

R = 400
GRID = N // R


def _tc_body(last, acc_ref, cnt_ref, x_ref, wl_ref, b_ref, wr_ref, o_ref):
    agg = acc_ref[0] + acc_ref[1]
    cnt = cnt_ref[0][:, :1] + cnt_ref[1][:, :1]
    agg = agg / jnp.maximum(cnt, 1.0)
    dn = (((1,), (1,)), ((), ()))
    y = (
        lax.dot_general(agg, wl_ref[...], dn,
                        preferred_element_type=jnp.float32)
        + b_ref[...]
        + lax.dot_general(x_ref[...], wr_ref[...], dn,
                          preferred_element_type=jnp.float32)
    )
    h = jnp.where(y > 0, y, jnp.exp(jnp.minimum(y, 0.0)) - 1.0)
    if last:
        m = jnp.max(h, axis=-1, keepdims=True)
        h = (h - m) - jnp.log(jnp.sum(jnp.exp(h - m), axis=-1, keepdims=True))
    o_ref[...] = h


def _tc_layer(acc, cnt, x, wl, b, wr, last):
    return pl.pallas_call(
        functools.partial(_tc_body, last),
        grid=(GRID,),
        in_specs=[
            pl.BlockSpec((NC, R, D), lambda i: (0, i, 0)),
            pl.BlockSpec((NC, R, D), lambda i: (0, i, 0)),
            pl.BlockSpec((R, D), lambda i: (i, 0)),
            pl.BlockSpec((D, H), lambda i: (0, 0)),
            pl.BlockSpec((1, H), lambda i: (0, 0)),
            pl.BlockSpec((D, H), lambda i: (0, 0)),
        ],
        out_specs=pl.BlockSpec((R, H), lambda i: (i, 0)),
        out_shape=jax.ShapeDtypeStruct((N, H), jnp.float32),
    )(acc, cnt, x, wl, b, wr)


def _prep_edges(edge_index):
    per_w = edge_index.reshape(2, NW, E_PER_W)
    main = per_w[:, :, : NCHM * CHUNK].reshape(2, NW, NCHM, CHUNK)
    em = jnp.stack([main[0], main[1]], axis=2)
    tail = per_w[:, :, NCHM * CHUNK:]
    et = jnp.stack([tail[0], tail[1]], axis=1)
    return em, et


def kernel(x, edge_index, W_l1, b_l1, W_r1, W_l2, b_l2, W_r2):
    em, et = _prep_edges(edge_index)
    acc1, cnt = _sc_agg_cnt(x, em, et)
    h = _tc_layer(acc1, cnt, x, W_l1, b_l1.reshape(1, H), W_r1, last=False)
    (acc2,) = _sc_agg(h, em, et)
    return _tc_layer(acc2, cnt, h, W_l2, b_l2.reshape(1, H), W_r2, last=True)

# --- scband reference (transcript-rebuilt; emitter-appended) ---
"""Pipeline reference for scband-graph-sage-43920335569400 (READ-ONLY COPY).

The authoritative reference and input builder live on the scoring server;
editing this copy changes nothing except your own understanding.
"""

import jax, jax.numpy as jnp
import numpy as np

N = 10000
E = 320000
D = 128
H = 128


def setup_inputs(seed: int = 0) -> dict:
    key = jax.random.key(seed)
    ks = jax.random.split(key, 10)
    x = jax.random.normal(ks[0], (N, D), dtype=jnp.float32)
    edge_index = jax.random.randint(ks[1], (2, E), 0, N, dtype=jnp.int32)
    s1 = 1.0 / np.sqrt(D)
    s2 = 1.0 / np.sqrt(H)
    W_l1 = jax.random.uniform(ks[2], (H, D), dtype=jnp.float32, minval=-s1, maxval=s1)
    b_l1 = jax.random.uniform(ks[3], (H,), dtype=jnp.float32, minval=-s1, maxval=s1)
    W_r1 = jax.random.uniform(ks[4], (H, D), dtype=jnp.float32, minval=-s1, maxval=s1)
    W_l2 = jax.random.uniform(ks[5], (H, H), dtype=jnp.float32, minval=-s2, maxval=s2)
    b_l2 = jax.random.uniform(ks[6], (H,), dtype=jnp.float32, minval=-s2, maxval=s2)
    W_r2 = jax.random.uniform(ks[7], (H, H), dtype=jnp.float32, minval=-s2, maxval=s2)
    return {"x": x, "edge_index": edge_index, "W_l1": W_l1, "b_l1": b_l1, "W_r1": W_r1, "W_l2": W_l2, "b_l2": b_l2, "W_r2": W_r2}


def _sage_conv(x, src, dst, W_l, b_l, W_r, num_nodes):
    # PyG SAGEConv (mean aggr): out = lin_l(mean_{j in N(i)} x_j) + lin_r(x_i)
    msg = jnp.take(x, src, axis=0)
    agg = jax.ops.segment_sum(msg, dst, num_segments=num_nodes)
    cnt = jax.ops.segment_sum(jnp.ones((src.shape[0],), dtype=x.dtype), dst, num_segments=num_nodes)
    agg = agg / jnp.clip(cnt, 1.0)[:, None]
    return agg @ W_l.T + b_l + x @ W_r.T


def reference(x, edge_index, W_l1, b_l1, W_r1, W_l2, b_l2, W_r2):
    src = edge_index[0]
    dst = edge_index[1]
    h = _sage_conv(x, src, dst, W_l1, b_l1, W_r1, N)
    h = jax.nn.elu(h)
    # dropout omitted (deterministic / eval-mode reference)
    h = _sage_conv(h, src, dst, W_l2, b_l2, W_r2, N)
    h = jax.nn.elu(h)
    return jax.nn.log_softmax(h, axis=-1)

if __name__ == "__main__":
    import jax
    _d = setup_inputs()
    print(jax.jit(kernel)(*tuple(_d.values())))

</pallas_src>

<mosaic_0001>
#map = affine_map<(d0, d1) -> (0, 0)>
#map1 = affine_map<(d0, d1) -> (0, 0, 0, 0)>
#map2 = affine_map<(d0, d1) -> (0, 0, 0)>
module attributes {stable_mosaic.version = 14 : i64} {
  func.func @body(%arg0: i32, %arg1: i32, %arg2: memref<10000x128xf32, #tpu.memory_space<hbm>>, %arg3: memref<32x78x2x128xi32, #tpu.memory_space<hbm>>, %arg4: memref<32x2x16xi32, #tpu.memory_space<hbm>>, %arg5: memref<2x10240x128xf32, #tpu.memory_space<hbm>>, %arg6: memref<10240x128xf32, #tpu.memory_space<vmem_shared>>, %arg7: memref<3x2x128xi32, #tpu.memory_space<vmem>>, %arg8: memref<2x16xi32, #tpu.memory_space<vmem>>, %arg9: memref<128x128xf32, #tpu.memory_space<vmem>>, %arg10: memref<128x128xf32, #tpu.memory_space<vmem>>, %arg11: memref<!tpu.dma_semaphore, #tpu.memory_space<semaphore_mem>>, %arg12: memref<!tpu.dma_semaphore, #tpu.memory_space<semaphore_mem>>) attributes {dimension_semantics = [#tpu.dimension_semantics<core_parallel>, #tpu.dimension_semantics<subcore_parallel>], iteration_bounds = array<i64: 2, 16>, scalar_prefetch = 0 : i64, scratch_operands = 7 : i64, tpu.core_type = #tpu.core_type<sc_vector_subcore>, window_params = [{transform_indices = #map}, {transform_indices = #map1}, {transform_indices = #map2}, {transform_indices = #map2}]} {
    %mul3A = arith.constant 2 : i32
    %mul3A_0 = arith.muli %arg1, %mul3A : i32
    %add3A = arith.addi %mul3A_0, %arg0 : i32
    %mul3A_1 = arith.constant 640 : i32
    %mul3A_2 = arith.muli %arg1, %mul3A_1 : i32
    %broadcast_in_dim3A = arith.constant 0.000000e+00 : f32
    %broadcast_in_dim3A_3 = vector.broadcast %broadcast_in_dim3A : f32 to vector<16xf32>
    %scan3A = arith.constant 0 : i32
    %scan3A_4 = arith.constant 0 : i32
    %scan3A_5 = arith.constant 128 : i32
    %scan3A_6 = arith.addi %scan3A_4, %scan3A_5 : i32
    %scan3A_7 = arith.constant 1 : i32
    scf.for %scan3A_47 = %scan3A_4 to %scan3A_6 step %scan3A_7  : i32 {
      %swap3A = arith.index_cast %scan3A_47 : i32 to index
      %swap3A_48 = arith.constant 0 : index
      %swap3A_49 = tpu.vector_load %arg9[%swap3A, %swap3A_48] {strides = array<i32>} : memref<128x128xf32, #tpu.memory_space<vmem>>, vector<1x16xf32>,
      %swap3A_50 = vector.shape_cast %swap3A_49 : vector<1x16xf32> to vector<16xf32>
      %swap3A_51 = vector.shape_cast %broadcast_in_dim3A_3 : vector<16xf32> to vector<1x16xf32>
      tpu.vector_store %arg9[%swap3A, %swap3A_48], %swap3A_51 {strides = array<i32>} : memref<128x128xf32, #tpu.memory_space<vmem>>, vector<1x16xf32>,
      %swap3A_52 = arith.index_cast %scan3A_47 : i32 to index
      %swap3A_53 = arith.constant 16 : index
      %swap3A_54 = tpu.vector_load %arg9[%swap3A_52, %swap3A_53] {strides = array<i32>} : memref<128x128xf32, #tpu.memory_space<vmem>>, vector<1x16xf32>,
      %swap3A_55 = vector.shape_cast %swap3A_54 : vector<1x16xf32> to vector<16xf32>
      %swap3A_56 = vector.shape_cast %broadcast_in_dim3A_3 : vector<16xf32> to vector<1x16xf32>
      tpu.vector_store %arg9[%swap3A_52, %swap3A_53], %swap3A_56 {strides = array<i32>} : memref<128x128xf32, #tpu.memory_space<vmem>>, vector<1x16xf32>,
      %swap3A_57 = arith.index_cast %scan3A_47 : i32 to index
      %swap3A_58 = arith.constant 32 : index
      %swap3A_59 = tpu.vector_load %arg9[%swap3A_57, %swap3A_58] {strides = array<i32>} : memref<128x128xf32, #tpu.memory_space<vmem>>, vector<1x16xf32>,
      %swap3A_60 = vector.shape_cast %swap3A_59 : vector<1x16xf32> to vector<16xf32>
      %swap3A_61 = vector.shape_cast %broadcast_in_dim3A_3 : vector<16xf32> to vector<1x16xf32>
      tpu.vector_store %arg9[%swap3A_57, %swap3A_58], %swap3A_61 {strides = array<i32>} : memref<128x128xf32, #tpu.memory_space<vmem>>, vector<1x16xf32>,
      %swap3A_62 = arith.index_cast %scan3A_47 : i32 to index
      %swap3A_63 = arith.constant 48 : index
      %swap3A_64 = tpu.vector_load %arg9[%swap3A_62, %swap3A_63] {strides = array<i32>} : memref<128x128xf32, #tpu.memory_space<vmem>>, vector<1x16xf32>,
      %swap3A_65 = vector.shape_cast %swap3A_64 : vector<1x16xf32> to vector<16xf32>
      %swap3A_66 = vector.shape_cast %broadcast_in_dim3A_3 : vector<16xf32> to vector<1x16xf32>
      tpu.vector_store %arg9[%swap3A_62, %swap3A_63], %swap3A_66 {strides = array<i32>} : memref<128x128xf32, #tpu.memory_space<vmem>>, vector<1x16xf32>,
      %swap3A_67 = arith.index_cast %scan3A_47 : i32 to index
      %swap3A_68 = arith.constant 64 : index
      %swap3A_69 = tpu.vector_load %arg9[%swap3A_67, %swap3A_68] {strides = array<i32>} : memref<128x128xf32, #tpu.memory_space<vmem>>, vector<1x16xf32>,
      %swap3A_70 = vector.shape_cast %swap3A_69 : vector<1x16xf32> to vector<16xf32>
      %swap3A_71 = vector.shape_cast %broadcast_in_dim3A_3 : vector<16xf32> to vector<1x16xf32>
      tpu.vector_store %arg9[%swap3A_67, %swap3A_68], %swap3A_71 {strides = array<i32>} : memref<128x128xf32, #tpu.memory_space<vmem>>, vector<1x16xf32>,
      %swap3A_72 = arith.index_cast %scan3A_47 : i32 to index
      %swap3A_73 = arith.constant 80 : index
      %swap3A_74 = tpu.vector_load %arg9[%swap3A_72, %swap3A_73] {strides = array<i32>} : memref<128x128xf32, #tpu.memory_space<vmem>>, vector<1x16xf32>,
      %swap3A_75 = vector.shape_cast %swap3A_74 : vector<1x16xf32> to vector<16xf32>
      %swap3A_76 = vector.shape_cast %broadcast_in_dim3A_3 : vector<16xf32> to vector<1x16xf32>
      tpu.vector_store %arg9[%swap3A_72, %swap3A_73], %swap3A_76 {strides = array<i32>} : memref<128x128xf32, #tpu.memory_space<vmem>>, vector<1x16xf32>,
      %swap3A_77 = arith.index_cast %scan3A_47 : i32 to index
      %swap3A_78 = arith.constant 96 : index
      %swap3A_79 = tpu.vector_load %arg9[%swap3A_77, %swap3A_78] {strides = array<i32>} : memref<128x128xf32, #tpu.memory_space<vmem>>, vector<1x16xf32>,
      %swap3A_80 = vector.shape_cast %swap3A_79 : vector<1x16xf32> to vector<16xf32>
      %swap3A_81 = vector.shape_cast %broadcast_in_dim3A_3 : vector<16xf32> to vector<1x16xf32>
      tpu.vector_store %arg9[%swap3A_77, %swap3A_78], %swap3A_81 {strides = array<i32>} : memref<128x128xf32, #tpu.memory_space<vmem>>, vector<1x16xf32>,
      %swap3A_82 = arith.index_cast %scan3A_47 : i32 to index
      %swap3A_83 = arith.constant 112 : index
      %swap3A_84 = tpu.vector_load %arg9[%swap3A_82, %swap3A_83] {strides = array<i32>} : memref<128x128xf32, #tpu.memory_space<vmem>>, vector<1x16xf32>,
      %swap3A_85 = vector.shape_cast %swap3A_84 : vector<1x16xf32> to vector<16xf32>
      %swap3A_86 = vector.shape_cast %broadcast_in_dim3A_3 : vector<16xf32> to vector<1x16xf32>
      tpu.vector_store %arg9[%swap3A_82, %swap3A_83], %swap3A_86 {strides = array<i32>} : memref<128x128xf32, #tpu.memory_space<vmem>>, vector<1x16xf32>,
    }
    %scan3A_8 = arith.constant 128 : i32
    %add3A_9 = arith.constant 0 : i32
    %add3A_10 = arith.addi %mul3A_2, %add3A_9 : i32
    "tpu.region"() ({
      %run_scoped3A_47 = tpu.sem_alloc : memref<!tpu.dma_semaphore, #tpu.memory_space<semaphore_mem>>
      %dma_start3A_48 = arith.constant 0 : i32
      %dma_start3A_49 = tpu.memref_slice %arg6[%add3A_10, %dma_start3A_48] : memref<10240x128xf32, #tpu.memory_space<vmem_shared>> -> memref<128x128xf32, #tpu.memory_space<vmem_shared>>
      %dma_start3A_50 = arith.constant 0 : i32
      %dma_start3A_51 = tpu.memref_slice %arg6[%add3A_10, %dma_start3A_50] : memref<10240x128xf32, #tpu.memory_space<vmem_shared>> -> memref<128x128xf32, #tpu.memory_space<vmem_shared>>
      tpu.enqueue_dma source(%arg9 : memref<128x128xf32, #tpu.memory_space<vmem>>) target(%dma_start3A_51 : memref<128x128xf32, #tpu.memory_space<vmem_shared>>) target_semaphore(%run_scoped3A_47 : memref<!tpu.dma_semaphore, #tpu.memory_space<semaphore_mem>>)
      %dma_wait3A_52 = arith.constant 0 : i32
      %dma_wait3A_53 = tpu.memref_slice %arg6[%add3A_10, %dma_wait3A_52] : memref<10240x128xf32, #tpu.memory_space<vmem_shared>> -> memref<128x128xf32, #tpu.memory_space<vmem_shared>>
      %dma_wait3A_54 = arith.constant 0 : i32
      %dma_wait3A_55 = tpu.memref_slice %arg6[%add3A_10, %dma_wait3A_54] : memref<10240x128xf32, #tpu.memory_space<vmem_shared>> -> memref<128x128xf32, #tpu.memory_space<vmem_shared>>
      tpu.wait_dma2 semaphore(%run_scoped3A_47 : memref<!tpu.dma_semaphore, #tpu.memory_space<semaphore_mem>>) src(%arg9 : memref<128x128xf32, #tpu.memory_space<vmem>>) dst(%dma_wait3A_55 : memref<128x128xf32, #tpu.memory_space<vmem_shared>>)
      tpu.yield
    }) : () -> ()
    %add3A_11 = arith.constant 128 : i32
    %add3A_12 = arith.addi %mul3A_2, %add3A_11 : i32
    "tpu.region"() ({
      %run_scoped3A_47 = tpu.sem_alloc : memref<!tpu.dma_semaphore, #tpu.memory_space<semaphore_mem>>
      %dma_start3A_48 = arith.constant 0 : i32
      %dma_start3A_49 = tpu.memref_slice %arg6[%add3A_12, %dma_start3A_48] : memref<10240x128xf32, #tpu.memory_space<vmem_shared>> -> memref<128x128xf32, #tpu.memory_space<vmem_shared>>
      %dma_start3A_50 = arith.constant 0 : i32
      %dma_start3A_51 = tpu.memref_slice %arg6[%add3A_12, %dma_start3A_50] : memref<10240x128xf32, #tpu.memory_space<vmem_shared>> -> memref<128x128xf32, #tpu.memory_space<vmem_shared>>
      tpu.enqueue_dma source(%arg9 : memref<128x128xf32, #tpu.memory_space<vmem>>) target(%dma_start3A_51 : memref<128x128xf32, #tpu.memory_space<vmem_shared>>) target_semaphore(%run_scoped3A_47 : memref<!tpu.dma_semaphore, #tpu.memory_space<semaphore_mem>>)
      %dma_wait3A_52 = arith.constant 0 : i32
      %dma_wait3A_53 = tpu.memref_slice %arg6[%add3A_12, %dma_wait3A_52] : memref<10240x128xf32, #tpu.memory_space<vmem_shared>> -> memref<128x128xf32, #tpu.memory_space<vmem_shared>>
      %dma_wait3A_54 = arith.constant 0 : i32
      %dma_wait3A_55 = tpu.memref_slice %arg6[%add3A_12, %dma_wait3A_54] : memref<10240x128xf32, #tpu.memory_space<vmem_shared>> -> memref<128x128xf32, #tpu.memory_space<vmem_shared>>
      tpu.wait_dma2 semaphore(%run_scoped3A_47 : memref<!tpu.dma_semaphore, #tpu.memory_space<semaphore_mem>>) src(%arg9 : memref<128x128xf32, #tpu.memory_space<vmem>>) dst(%dma_wait3A_55 : memref<128x128xf32, #tpu.memory_space<vmem_shared>>)
      tpu.yield
    }) : () -> ()
    %add3A_13 = arith.constant 256 : i32
    %add3A_14 = arith.addi %mul3A_2, %add3A_13 : i32
    "tpu.region"() ({
      %run_scoped3A_47 = tpu.sem_alloc : memref<!tpu.dma_semaphore, #tpu.memory_space<semaphore_mem>>
      %dma_start3A_48 = arith.constant 0 : i32
      %dma_start3A_49 = tpu.memref_slice %arg6[%add3A_14, %dma_start3A_48] : memref<10240x128xf32, #tpu.memory_space<vmem_shared>> -> memref<128x128xf32, #tpu.memory_space<vmem_shared>>
      %dma_start3A_50 = arith.constant 0 : i32
      %dma_start3A_51 = tpu.memref_slice %arg6[%add3A_14, %dma_start3A_50] : memref<10240x128xf32, #tpu.memory_space<vmem_shared>> -> memref<128x128xf32, #tpu.memory_space<vmem_shared>>
      tpu.enqueue_dma source(%arg9 : memref<128x128xf32, #tpu.memory_space<vmem>>) target(%dma_start3A_51 : memref<128x128xf32, #tpu.memory_space<vmem_shared>>) target_semaphore(%run_scoped3A_47 : memref<!tpu.dma_semaphore, #tpu.memory_space<semaphore_mem>>)
      %dma_wait3A_52 = arith.constant 0 : i32
      %dma_wait3A_53 = tpu.memref_slice %arg6[%add3A_14, %dma_wait3A_52] : memref<10240x128xf32, #tpu.memory_space<vmem_shared>> -> memref<128x128xf32, #tpu.memory_space<vmem_shared>>
      %dma_wait3A_54 = arith.constant 0 : i32
      %dma_wait3A_55 = tpu.memref_slice %arg6[%add3A_14, %dma_wait3A_54] : memref<10240x128xf32, #tpu.memory_space<vmem_shared>> -> memref<128x128xf32, #tpu.memory_space<vmem_shared>>
      tpu.wait_dma2 semaphore(%run_scoped3A_47 : memref<!tpu.dma_semaphore, #tpu.memory_space<semaphore_mem>>) src(%arg9 : memref<128x128xf32, #tpu.memory_space<vmem>>) dst(%dma_wait3A_55 : memref<128x128xf32, #tpu.memory_space<vmem_shared>>)
      tpu.yield
    }) : () -> ()
    %add3A_15 = arith.constant 384 : i32
    %add3A_16 = arith.addi %mul3A_2, %add3A_15 : i32
    "tpu.region"() ({
      %run_scoped3A_47 = tpu.sem_alloc : memref<!tpu.dma_semaphore, #tpu.memory_space<semaphore_mem>>
      %dma_start3A_48 = arith.constant 0 : i32
      %dma_start3A_49 = tpu.memref_slice %arg6[%add3A_16, %dma_start3A_48] : memref<10240x128xf32, #tpu.memory_space<vmem_shared>> -> memref<128x128xf32, #tpu.memory_space<vmem_shared>>
      %dma_start3A_50 = arith.constant 0 : i32
      %dma_start3A_51 = tpu.memref_slice %arg6[%add3A_16, %dma_start3A_50] : memref<10240x128xf32, #tpu.memory_space<vmem_shared>> -> memref<128x128xf32, #tpu.memory_space<vmem_shared>>
      tpu.enqueue_dma source(%arg9 : memref<128x128xf32, #tpu.memory_space<vmem>>) target(%dma_start3A_51 : memref<128x128xf32, #tpu.memory_space<vmem_shared>>) target_semaphore(%run_scoped3A_47 : memref<!tpu.dma_semaphore, #tpu.memory_space<semaphore_mem>>)
      %dma_wait3A_52 = arith.constant 0 : i32
      %dma_wait3A_53 = tpu.memref_slice %arg6[%add3A_16, %dma_wait3A_52] : memref<10240x128xf32, #tpu.memory_space<vmem_shared>> -> memref<128x128xf32, #tpu.memory_space<vmem_shared>>
      %dma_wait3A_54 = arith.constant 0 : i32
      %dma_wait3A_55 = tpu.memref_slice %arg6[%add3A_16, %dma_wait3A_54] : memref<10240x128xf32, #tpu.memory_space<vmem_shared>> -> memref<128x128xf32, #tpu.memory_space<vmem_shared>>
      tpu.wait_dma2 semaphore(%run_scoped3A_47 : memref<!tpu.dma_semaphore, #tpu.memory_space<semaphore_mem>>) src(%arg9 : memref<128x128xf32, #tpu.memory_space<vmem>>) dst(%dma_wait3A_55 : memref<128x128xf32, #tpu.memory_space<vmem_shared>>)
      tpu.yield
    }) : () -> ()
    %add3A_17 = arith.constant 512 : i32
    %add3A_18 = arith.addi %mul3A_2, %add3A_17 : i32
    "tpu.region"() ({
      %run_scoped3A_47 = tpu.sem_alloc : memref<!tpu.dma_semaphore, #tpu.memory_space<semaphore_mem>>
      %dma_start3A_48 = arith.constant 0 : i32
      %dma_start3A_49 = tpu.memref_slice %arg6[%add3A_18, %dma_start3A_48] : memref<10240x128xf32, #tpu.memory_space<vmem_shared>> -> memref<128x128xf32, #tpu.memory_space<vmem_shared>>
      %dma_start3A_50 = arith.constant 0 : i32
      %dma_start3A_51 = tpu.memref_slice %arg6[%add3A_18, %dma_start3A_50] : memref<10240x128xf32, #tpu.memory_space<vmem_shared>> -> memref<128x128xf32, #tpu.memory_space<vmem_shared>>
      tpu.enqueue_dma source(%arg9 : memref<128x128xf32, #tpu.memory_space<vmem>>) target(%dma_start3A_51 : memref<128x128xf32, #tpu.memory_space<vmem_shared>>) target_semaphore(%run_scoped3A_47 : memref<!tpu.dma_semaphore, #tpu.memory_space<semaphore_mem>>)
      %dma_wait3A_52 = arith.constant 0 : i32
      %dma_wait3A_53 = tpu.memref_slice %arg6[%add3A_18, %dma_wait3A_52] : memref<10240x128xf32, #tpu.memory_space<vmem_shared>> -> memref<128x128xf32, #tpu.memory_space<vmem_shared>>
      %dma_wait3A_54 = arith.constant 0 : i32
      %dma_wait3A_55 = tpu.memref_slice %arg6[%add3A_18, %dma_wait3A_54] : memref<10240x128xf32, #tpu.memory_space<vmem_shared>> -> memref<128x128xf32, #tpu.memory_space<vmem_shared>>
      tpu.wait_dma2 semaphore(%run_scoped3A_47 : memref<!tpu.dma_semaphore, #tpu.memory_space<semaphore_mem>>) src(%arg9 : memref<128x128xf32, #tpu.memory_space<vmem>>) dst(%dma_wait3A_55 : memref<128x128xf32, #tpu.memory_space<vmem_shared>>)
      tpu.yield
    }) : () -> ()
    %barrier3A = arith.constant 0 : index
    tpu.barrier barrier_id(%barrier3A)
    %min3A = arith.constant 0 : i32
    %min3A_19 = arith.constant 77 : i32
    %min3A_20 = arith.minsi %min3A, %min3A_19 : i32
    %run_scoped3A = arith.constant 0 : i32
    "tpu.region"() ({
      %run_scoped3A_47 = tpu.sem_alloc : memref<!tpu.dma_semaphore, #tpu.memory_space<semaphore_mem>>
      %dma_start3A_48 = arith.constant 0 : i32
      %dma_start3A_49 = arith.constant 0 : i32
      %dma_start3A_50 = tpu.memref_slice %arg7[%run_scoped3A, %dma_start3A_48, %dma_start3A_49] : memref<3x2x128xi32, #tpu.memory_space<vmem>> -> memref<1x2x128xi32, #tpu.memory_space<vmem>>
      %dma_start3A_51 = tpu.memref_squeeze %dma_start3A_50 : memref<1x2x128xi32, #tpu.memory_space<vmem>> -> memref<2x128xi32, #tpu.memory_space<vmem>>
      %dma_start3A_52 = arith.constant 0 : i32
      %dma_start3A_53 = arith.constant 0 : i32
      %dma_start3A_54 = tpu.memref_slice %arg3[%add3A, %min3A_20, %dma_start3A_52, %dma_start3A_53] : memref<32x78x2x128xi32, #tpu.memory_space<hbm>> -> memref<1x1x2x128xi32, #tpu.memory_space<hbm>>
      %dma_start3A_55 = tpu.memref_squeeze %dma_start3A_54 : memref<1x1x2x128xi32, #tpu.memory_space<hbm>> -> memref<2x128xi32, #tpu.memory_space<hbm>>
      %dma_start3A_56 = arith.constant 0 : i32
      %dma_start3A_57 = arith.constant 0 : i32
      %dma_start3A_58 = tpu.memref_slice %arg7[%run_scoped3A, %dma_start3A_56, %dma_start3A_57] : memref<3x2x128xi32, #tpu.memory_space<vmem>> -> memref<1x2x128xi32, #tpu.memory_space<vmem>>
      %dma_start3A_59 = tpu.memref_squeeze %dma_start3A_58 : memref<1x2x128xi32, #tpu.memory_space<vmem>> -> memref<2x128xi32, #tpu.memory_space<vmem>>
      %dma_start3A_60 = arith.constant 0 : i32
      %dma_start3A_61 = arith.constant 0 : i32
      %dma_start3A_62 = tpu.memref_slice %arg3[%add3A, %min3A_20, %dma_start3A_60, %dma_start3A_61] : memref<32x78x2x128xi32, #tpu.memory_space<hbm>> -> memref<1x1x2x128xi32, #tpu.memory_space<hbm>>
      %dma_start3A_63 = tpu.memref_squeeze %dma_start3A_62 : memref<1x1x2x128xi32, #tpu.memory_space<hbm>> -> memref<2x128xi32, #tpu.memory_space<hbm>>
      tpu.enqueue_dma source(%dma_start3A_63 : memref<2x128xi32, #tpu.memory_space<hbm>>) target(%dma_start3A_59 : memref<2x128xi32, #tpu.memory_space<vmem>>) target_semaphore(%run_scoped3A_47 : memref<!tpu.dma_semaphore, #tpu.memory_space<semaphore_mem>>)
      %dma_wait3A_64 = arith.constant 0 : i32
      %dma_wait3A_65 = arith.constant 0 : i32
      %dma_wait3A_66 = tpu.memref_slice %arg7[%run_scoped3A, %dma_wait3A_64, %dma_wait3A_65] : memref<3x2x128xi32, #tpu.memory_space<vmem>> -> memref<1x2x128xi32, #tpu.memory_space<vmem>>
      %dma_wait3A_67 = tpu.memref_squeeze %dma_wait3A_66 : memref<1x2x128xi32, #tpu.memory_space<vmem>> -> memref<2x128xi32, #tpu.memory_space<vmem>>
      %dma_wait3A_68 = arith.constant 0 : i32
      %dma_wait3A_69 = arith.constant 0 : i32
      %dma_wait3A_70 = tpu.memref_slice %arg3[%add3A, %min3A_20, %dma_wait3A_68, %dma_wait3A_69] : memref<32x78x2x128xi32, #tpu.memory_space<hbm>> -> memref<1x1x2x128xi32, #tpu.memory_space<hbm>>
      %dma_wait3A_71 = tpu.memref_squeeze %dma_wait3A_70 : memref<1x1x2x128xi32, #tpu.memory_space<hbm>> -> memref<2x128xi32, #tpu.memory_space<hbm>>
      %dma_wait3A_72 = arith.constant 0 : i32
      %dma_wait3A_73 = arith.constant 0 : i32
      %dma_wait3A_74 = tpu.memref_slice %arg7[%run_scoped3A, %dma_wait3A_72, %dma_wait3A_73] : memref<3x2x128xi32, #tpu.memory_space<vmem>> -> memref<1x2x128xi32, #tpu.memory_space<vmem>>
      %dma_wait3A_75 = tpu.memref_squeeze %dma_wait3A_74 : memref<1x2x128xi32, #tpu.memory_space<vmem>> -> memref<2x128xi32, #tpu.memory_space<vmem>>
      %dma_wait3A_76 = arith.constant 0 : i32
      %dma_wait3A_77 = arith.constant 0 : i32
      %dma_wait3A_78 = tpu.memref_slice %arg3[%add3A, %min3A_20, %dma_wait3A_76, %dma_wait3A_77] : memref<32x78x2x128xi32, #tpu.memory_space<hbm>> -> memref<1x1x2x128xi32, #tpu.memory_space<hbm>>
      %dma_wait3A_79 = tpu.memref_squeeze %dma_wait3A_78 : memref<1x1x2x128xi32, #tpu.memory_space<hbm>> -> memref<2x128xi32, #tpu.memory_space<hbm>>
      tpu.wait_dma2 semaphore(%run_scoped3A_47 : memref<!tpu.dma_semaphore, #tpu.memory_space<semaphore_mem>>) src(%dma_wait3A_79 : memref<2x128xi32, #tpu.memory_space<hbm>>) dst(%dma_wait3A_75 : memref<2x128xi32, #tpu.memory_space<vmem>>)
      tpu.yield
    }) : () -> ()
    %scan3A_21 = arith.constant 0 : i32
    %scan3A_22 = arith.constant 0 : i32
    %scan3A_23 = arith.constant 26 : i32
    %scan3A_24 = arith.addi %scan3A_22, %scan3A_23 : i32
    %scan3A_25 = arith.constant 1 : i32
    scf.for %scan3A_47 = %scan3A_22 to %scan3A_24 step %scan3A_25  : i32 {
      %mul3A_48 = arith.constant 3 : i32
      %mul3A_49 = arith.muli %mul3A_48, %scan3A_47 : i32
      %dma_start3A_50 = arith.constant 0 : i32
      %dma_start3A_51 = arith.constant 0 : i32
      %dma_start3A_52 = arith.constant 0 : i32
      %dma_start3A_53 = tpu.memref_slice %arg7[%dma_start3A_50, %dma_start3A_51, %dma_start3A_52] : memref<3x2x128xi32, #tpu.memory_space<vmem>> -> memref<1x1x128xi32, #tpu.memory_space<vmem>>
      %dma_start3A_54 = tpu.memref_squeeze %dma_start3A_53 : memref<1x1x128xi32, #tpu.memory_space<vmem>> -> memref<128xi32, #tpu.memory_space<vmem>>
      %dma_start3A_55 = arith.constant 0 : i32
      %dma_start3A_56 = arith.constant 0 : i32
      %dma_start3A_57 = tpu.memref_slice %arg2[%dma_start3A_55, %dma_start3A_56] : memref<10000x128xf32, #tpu.memory_space<hbm>> -> memref<10000x128xf32, #tpu.memory_space<hbm>>
      tpu.enqueue_indirect_dma source(%dma_start3A_57 : memref<10000x128xf32, #tpu.memory_space<hbm>>) target(%arg9 : memref<128x128xf32, #tpu.memory_space<vmem>>) offsets(%dma_start3A_54 : memref<128xi32, #tpu.memory_space<vmem>>) semaphore(%arg11 : memref<!tpu.dma_semaphore, #tpu.memory_space<semaphore_mem>>)
      %add3A_58 = arith.constant 1 : i32
      %add3A_59 = arith.addi %mul3A_49, %add3A_58 : i32
      %min3A_60 = arith.constant 77 : i32
      %min3A_61 = arith.minsi %add3A_59, %min3A_60 : i32
      %run_scoped3A_62 = arith.constant 1 : i32
      "tpu.region"() ({
        %run_scoped3A_161 = tpu.sem_alloc : memref<!tpu.dma_semaphore, #tpu.memory_space<semaphore_mem>>
        %dma_start3A_162 = arith.constant 0 : i32
        %dma_start3A_163 = arith.constant 0 : i32
        %dma_start3A_164 = tpu.memref_slice %arg7[%run_scoped3A_62, %dma_start3A_162, %dma_start3A_163] : memref<3x2x128xi32, #tpu.memory_space<vmem>> -> memref<1x2x128xi32, #tpu.memory_space<vmem>>
        %dma_start3A_165 = tpu.memref_squeeze %dma_start3A_164 : memref<1x2x128xi32, #tpu.memory_space<vmem>> -> memref<2x128xi32, #tpu.memory_space<vmem>>
        %dma_start3A_166 = arith.constant 0 : i32
        %dma_start3A_167 = arith.constant 0 : i32
        %dma_start3A_168 = tpu.memref_slice %arg3[%add3A, %min3A_61, %dma_start3A_166, %dma_start3A_167] : memref<32x78x2x128xi32, #tpu.memory_space<hbm>> -> memref<1x1x2x128xi32, #tpu.memory_space<hbm>>
        %dma_start3A_169 = tpu.memref_squeeze %dma_start3A_168 : memref<1x1x2x128xi32, #tpu.memory_space<hbm>> -> memref<2x128xi32, #tpu.memory_space<hbm>>
        %dma_start3A_170 = arith.constant 0 : i32
        %dma_start3A_171 = arith.constant 0 : i32
        %dma_start3A_172 = tpu.memref_slice %arg7[%run_scoped3A_62, %dma_start3A_170, %dma_start3A_171] : memref<3x2x128xi32, #tpu.memory_space<vmem>> -> memref<1x2x128xi32, #tpu.memory_space<vmem>>
        %dma_start3A_173 = tpu.memref_squeeze %dma_start3A_172 : memref<1x2x128xi32, #tpu.memory_space<vmem>> -> memref<2x128xi32, #tpu.memory_space<vmem>>
        %dma_start3A_174 = arith.constant 0 : i32
        %dma_start3A_175 = arith.constant 0 : i32
        %dma_start3A_176 = tpu.memref_slice %arg3[%add3A, %min3A_61, %dma_start3A_174, %dma_start3A_175] : memref<32x78x2x128xi32, #tpu.memory_space<hbm>> -> memref<1x1x2x128xi32, #tpu.memory_space<hbm>>
        %dma_start3A_177 = tpu.memref_squeeze %dma_start3A_176 : memref<1x1x2x128xi32, #tpu.memory_space<hbm>> -> memref<2x128xi32, #tpu.memory_space<hbm>>
        tpu.enqueue_dma source(%dma_start3A_177 : memref<2x128xi32, #tpu.memory_space<hbm>>) target(%dma_start3A_173 : memref<2x128xi32, #tpu.memory_space<vmem>>) target_semaphore(%run_scoped3A_161 : memref<!tpu.dma_semaphore, #tpu.memory_space<semaphore_mem>>)
        %dma_wait3A_178 = arith.constant 0 : i32
        %dma_wait3A_179 = arith.constant 0 : i32
        %dma_wait3A_180 = tpu.memref_slice %arg7[%run_scoped3A_62, %dma_wait3A_178, %dma_wait3A_179] : memref<3x2x128xi32, #tpu.memory_space<vmem>> -> memref<1x2x128xi32, #tpu.memory_space<vmem>>
        %dma_wait3A_181 = tpu.memref_squeeze %dma_wait3A_180 : memref<1x2x128xi32, #tpu.memory_space<vmem>> -> memref<2x128xi32, #tpu.memory_space<vmem>>
        %dma_wait3A_182 = arith.constant 0 : i32
        %dma_wait3A_183 = arith.constant 0 : i32
        %dma_wait3A_184 = tpu.memref_slice %arg3[%add3A, %min3A_61, %dma_wait3A_182, %dma_wait3A_183] : memref<32x78x2x128xi32, #tpu.memory_space<hbm>> -> memref<1x1x2x128xi32, #tpu.memory_space<hbm>>
        %dma_wait3A_185 = tpu.memref_squeeze %dma_wait3A_184 : memref<1x1x2x128xi32, #tpu.memory_space<hbm>> -> memref<2x128xi32, #tpu.memory_space<hbm>>
        %dma_wait3A_186 = arith.constant 0 : i32
        %dma_wait3A_187 = arith.constant 0 : i32
        %dma_wait3A_188 = tpu.memref_slice %arg7[%run_scoped3A_62, %dma_wait3A_186, %dma_wait3A_187] : memref<3x2x128xi32, #tpu.memory_space<vmem>> -> memref<1x2x128xi32, #tpu.memory_space<vmem>>
        %dma_wait3A_189 = tpu.memref_squeeze %dma_wait3A_188 : memref<1x2x128xi32, #tpu.memory_space<vmem>> -> memref<2x128xi32, #tpu.memory_space<vmem>>
        %dma_wait3A_190 = arith.constant 0 : i32
        %dma_wait3A_191 = arith.constant 0 : i32
        %dma_wait3A_192 = tpu.memref_slice %arg3[%add3A, %min3A_61, %dma_wait3A_190, %dma_wait3A_191] : memref<32x78x2x128xi32, #tpu.memory_space<hbm>> -> memref<1x1x2x128xi32, #tpu.memory_space<hbm>>
        %dma_wait3A_193 = tpu.memref_squeeze %dma_wait3A_192 : memref<1x1x2x128xi32, #tpu.memory_space<hbm>> -> memref<2x128xi32, #tpu.memory_space<hbm>>
        tpu.wait_dma2 semaphore(%run_scoped3A_161 : memref<!tpu.dma_semaphore, #tpu.memory_space<semaphore_mem>>) src(%dma_wait3A_193 : memref<2x128xi32, #tpu.memory_space<hbm>>) dst(%dma_wait3A_189 : memref<2x128xi32, #tpu.memory_space<vmem>>)
        tpu.yield
      }) : () -> ()
      %dma_wait3A_63 = arith.constant 0 : i32
      %dma_wait3A_64 = arith.constant 0 : i32
      %dma_wait3A_65 = arith.constant 0 : i32
      %dma_wait3A_66 = tpu.memref_slice %arg7[%dma_wait3A_63, %dma_wait3A_64, %dma_wait3A_65] : memref<3x2x128xi32, #tpu.memory_space<vmem>> -> memref<1x1x128xi32, #tpu.memory_space<vmem>>
      %dma_wait3A_67 = tpu.memref_squeeze %dma_wait3A_66 : memref<1x1x128xi32, #tpu.memory_space<vmem>> -> memref<128xi32, #tpu.memory_space<vmem>>
      %dma_wait3A_68 = arith.constant 0 : i32
      %dma_wait3A_69 = arith.constant 0 : i32
      %dma_wait3A_70 = tpu.memref_slice %arg2[%dma_wait3A_68, %dma_wait3A_69] : memref<10000x128xf32, #tpu.memory_space<hbm>> -> memref<10000x128xf32, #tpu.memory_space<hbm>>
      tpu.wait_indirect_dma semaphore(%arg11 : memref<!tpu.dma_semaphore, #tpu.memory_space<semaphore_mem>>) src(%dma_wait3A_70 : memref<10000x128xf32, #tpu.memory_space<hbm>>) dst(%arg9 : memref<128x128xf32, #tpu.memory_space<vmem>>)
      %dma_start3A_71 = arith.constant 1 : i32
      %dma_start3A_72 = arith.constant 0 : i32
      %dma_start3A_73 = arith.constant 0 : i32
      %dma_start3A_74 = tpu.memref_slice %arg7[%dma_start3A_71, %dma_start3A_72, %dma_start3A_73] : memref<3x2x128xi32, #tpu.memory_space<vmem>> -> memref<1x1x128xi32, #tpu.memory_space<vmem>>
      %dma_start3A_75 = tpu.memref_squeeze %dma_start3A_74 : memref<1x1x128xi32, #tpu.memory_space<vmem>> -> memref<128xi32, #tpu.memory_space<vmem>>
      %dma_start3A_76 = arith.constant 0 : i32
      %dma_start3A_77 = arith.constant 0 : i32
      %dma_start3A_78 = tpu.memref_slice %arg2[%dma_start3A_76, %dma_start3A_77] : memref<10000x128xf32, #tpu.memory_space<hbm>> -> memref<10000x128xf32, #tpu.memory_space<hbm>>
      tpu.enqueue_indirect_dma source(%dma_start3A_78 : memref<10000x128xf32, #tpu.memory_space<hbm>>) target(%arg10 : memref<128x128xf32, #tpu.memory_space<vmem>>) offsets(%dma_start3A_75 : memref<128xi32, #tpu.memory_space<vmem>>) semaphore(%arg11 : memref<!tpu.dma_semaphore, #tpu.memory_space<semaphore_mem>>)
      %dma_start3A_79 = arith.constant 0 : i32
      %dma_start3A_80 = arith.constant 1 : i32
      %dma_start3A_81 = arith.constant 0 : i32
      %dma_start3A_82 = tpu.memref_slice %arg7[%dma_start3A_79, %dma_start3A_80, %dma_start3A_81] : memref<3x2x128xi32, #tpu.memory_space<vmem>> -> memref<1x1x128xi32, #tpu.memory_space<vmem>>
      %dma_start3A_83 = tpu.memref_squeeze %dma_start3A_82 : memref<1x1x128xi32, #tpu.memory_space<vmem>> -> memref<128xi32, #tpu.memory_space<vmem>>
      %dma_start3A_84 = arith.constant 0 : i32
      %dma_start3A_85 = arith.constant 0 : i32
      %dma_start3A_86 = tpu.memref_slice %arg6[%dma_start3A_84, %dma_start3A_85] : memref<10240x128xf32, #tpu.memory_space<vmem_shared>> -> memref<10240x128xf32, #tpu.memory_space<vmem_shared>>
      tpu.enqueue_indirect_dma source(%arg9 : memref<128x128xf32, #tpu.memory_space<vmem>>) target(%dma_start3A_86 : memref<10240x128xf32, #tpu.memory_space<vmem_shared>>) offsets(%dma_start3A_83 : memref<128xi32, #tpu.memory_space<vmem>>) semaphore(%arg12 : memref<!tpu.dma_semaphore, #tpu.memory_space<semaphore_mem>>) {add = true}
      %add3A_87 = arith.constant 2 : i32
      %add3A_88 = arith.addi %mul3A_49, %add3A_87 : i32
      %min3A_89 = arith.constant 77 : i32
      %min3A_90 = arith.minsi %add3A_88, %min3A_89 : i32
      %run_scoped3A_91 = arith.constant 2 : i32
      "tpu.region"() ({
        %run_scoped3A_161 = tpu.sem_alloc : memref<!tpu.dma_semaphore, #tpu.memory_space<semaphore_mem>>
        %dma_start3A_162 = arith.constant 0 : i32
        %dma_start3A_163 = arith.constant 0 : i32
        %dma_start3A_164 = tpu.memref_slice %arg7[%run_scoped3A_91, %dma_start3A_162, %dma_start3A_163] : memref<3x2x128xi32, #tpu.memory_space<vmem>> -> memref<1x2x128xi32, #tpu.memory_space<vmem>>
        %dma_start3A_165 = tpu.memref_squeeze %dma_start3A_164 : memref<1x2x128xi32, #tpu.memory_space<vmem>> -> memref<2x128xi32, #tpu.memory_space<vmem>>
        %dma_start3A_166 = arith.constant 0 : i32
        %dma_start3A_167 = arith.constant 0 : i32
        %dma_start3A_168 = tpu.memref_slice %arg3[%add3A, %min3A_90, %dma_start3A_166, %dma_start3A_167] : memref<32x78x2x128xi32, #tpu.memory_space<hbm>> -> memref<1x1x2x128xi32, #tpu.memory_space<hbm>>
        %dma_start3A_169 = tpu.memref_squeeze %dma_start3A_168 : memref<1x1x2x128xi32, #tpu.memory_space<hbm>> -> memref<2x128xi32, #tpu.memory_space<hbm>>
        %dma_start3A_170 = arith.constant 0 : i32
        %dma_start3A_171 = arith.constant 0 : i32
        %dma_start3A_172 = tpu.memref_slice %arg7[%run_scoped3A_91, %dma_start3A_170, %dma_start3A_171] : memref<3x2x128xi32, #tpu.memory_space<vmem>> -> memref<1x2x128xi32, #tpu.memory_space<vmem>>
        %dma_start3A_173 = tpu.memref_squeeze %dma_start3A_172 : memref<1x2x128xi32, #tpu.memory_space<vmem>> -> memref<2x128xi32, #tpu.memory_space<vmem>>
        %dma_start3A_174 = arith.constant 0 : i32
        %dma_start3A_175 = arith.constant 0 : i32
        %dma_start3A_176 = tpu.memref_slice %arg3[%add3A, %min3A_90, %dma_start3A_174, %dma_start3A_175] : memref<32x78x2x128xi32, #tpu.memory_space<hbm>> -> memref<1x1x2x128xi32, #tpu.memory_space<hbm>>
        %dma_start3A_177 = tpu.memref_squeeze %dma_start3A_176 : memref<1x1x2x128xi32, #tpu.memory_space<hbm>> -> memref<2x128xi32, #tpu.memory_space<hbm>>
        tpu.enqueue_dma source(%dma_start3A_177 : memref<2x128xi32, #tpu.memory_space<hbm>>) target(%dma_start3A_173 : memref<2x128xi32, #tpu.memory_space<vmem>>) target_semaphore(%run_scoped3A_161 : memref<!tpu.dma_semaphore, #tpu.memory_space<semaphore_mem>>)
        %dma_wait3A_178 = arith.constant 0 : i32
        %dma_wait3A_179 = arith.constant 0 : i32
        %dma_wait3A_180 = tpu.memref_slice %arg7[%run_scoped3A_91, %dma_wait3A_178, %dma_wait3A_179] : memref<3x2x128xi32, #tpu.memory_space<vmem>> -> memref<1x2x128xi32, #tpu.memory_space<vmem>>
        %dma_wait3A_181 = tpu.memref_squeeze %dma_wait3A_180 : memref<1x2x128xi32, #tpu.memory_space<vmem>> -> memref<2x128xi32, #tpu.memory_space<vmem>>
        %dma_wait3A_182 = arith.constant 0 : i32
        %dma_wait3A_183 = arith.constant 0 : i32
        %dma_wait3A_184 = tpu.memref_slice %arg3[%add3A, %min3A_90, %dma_wait3A_182, %dma_wait3A_183] : memref<32x78x2x128xi32, #tpu.memory_space<hbm>> -> memref<1x1x2x128xi32, #tpu.memory_space<hbm>>
        %dma_wait3A_185 = tpu.memref_squeeze %dma_wait3A_184 : memref<1x1x2x128xi32, #tpu.memory_space<hbm>> -> memref<2x128xi32, #tpu.memory_space<hbm>>
        %dma_wait3A_186 = arith.constant 0 : i32
        %dma_wait3A_187 = arith.constant 0 : i32
        %dma_wait3A_188 = tpu.memref_slice %arg7[%run_scoped3A_91, %dma_wait3A_186, %dma_wait3A_187] : memref<3x2x128xi32, #tpu.memory_space<vmem>> -> memref<1x2x128xi32, #tpu.memory_space<vmem>>
        %dma_wait3A_189 = tpu.memref_squeeze %dma_wait3A_188 : memref<1x2x128xi32, #tpu.memory_space<vmem>> -> memref<2x128xi32, #tpu.memory_space<vmem>>
        %dma_wait3A_190 = arith.constant 0 : i32
        %dma_wait3A_191 = arith.constant 0 : i32
        %dma_wait3A_192 = tpu.memref_slice %arg3[%add3A, %min3A_90, %dma_wait3A_190, %dma_wait3A_191] : memref<32x78x2x128xi32, #tpu.memory_space<hbm>> -> memref<1x1x2x128xi32, #tpu.memory_space<hbm>>
        %dma_wait3A_193 = tpu.memref_squeeze %dma_wait3A_192 : memref<1x1x2x128xi32, #tpu.memory_space<hbm>> -> memref<2x128xi32, #tpu.memory_space<hbm>>
        tpu.wait_dma2 semaphore(%run_scoped3A_161 : memref<!tpu.dma_semaphore, #tpu.memory_space<semaphore_mem>>) src(%dma_wait3A_193 : memref<2x128xi32, #tpu.memory_space<hbm>>) dst(%dma_wait3A_189 : memref<2x128xi32, #tpu.memory_space<vmem>>)
        tpu.yield
      }) : () -> ()
      %dma_wait3A_92 = arith.constant 1 : i32
      %dma_wait3A_93 = arith.constant 0 : i32
      %dma_wait3A_94 = arith.constant 0 : i32
      %dma_wait3A_95 = tpu.memref_slice %arg7[%dma_wait3A_92, %dma_wait3A_93, %dma_wait3A_94] : memref<3x2x128xi32, #tpu.memory_space<vmem>> -> memref<1x1x128xi32, #tpu.memory_space<vmem>>
      %dma_wait3A_96 = tpu.memref_squeeze %dma_wait3A_95 : memref<1x1x128xi32, #tpu.memory_space<vmem>> -> memref<128xi32, #tpu.memory_space<vmem>>
      %dma_wait3A_97 = arith.constant 0 : i32
      %dma_wait3A_98 = arith.constant 0 : i32
      %dma_wait3A_99 = tpu.memref_slice %arg2[%dma_wait3A_97, %dma_wait3A_98] : memref<10000x128xf32, #tpu.memory_space<hbm>> -> memref<10000x128xf32, #tpu.memory_space<hbm>>
      tpu.wait_indirect_dma semaphore(%arg11 : memref<!tpu.dma_semaphore, #tpu.memory_space<semaphore_mem>>) src(%dma_wait3A_99 : memref<10000x128xf32, #tpu.memory_space<hbm>>) dst(%arg10 : memref<128x128xf32, #tpu.memory_space<vmem>>)
      %dma_wait3A_100 = arith.constant 0 : i32
      %dma_wait3A_101 = arith.constant 1 : i32
      %dma_wait3A_102 = arith.constant 0 : i32
      %dma_wait3A_103 = tpu.memref_slice %arg7[%dma_wait3A_100, %dma_wait3A_101, %dma_wait3A_102] : memref<3x2x128xi32, #tpu.memory_space<vmem>> -> memref<1x1x128xi32, #tpu.memory_space<vmem>>
      %dma_wait3A_104 = tpu.memref_squeeze %dma_wait3A_103 : memref<1x1x128xi32, #tpu.memory_space<vmem>> -> memref<128xi32, #tpu.memory_space<vmem>>
      %dma_wait3A_105 = arith.constant 0 : i32
      %dma_wait3A_106 = arith.constant 0 : i32
      %dma_wait3A_107 = tpu.memref_slice %arg6[%dma_wait3A_105, %dma_wait3A_106] : memref<10240x128xf32, #tpu.memory_space<vmem_shared>> -> memref<10240x128xf32, #tpu.memory_space<vmem_shared>>
      tpu.wait_indirect_dma semaphore(%arg12 : memref<!tpu.dma_semaphore, #tpu.memory_space<semaphore_mem>>) src(%arg9 : memref<128x128xf32, #tpu.memory_space<vmem>>) dst(%dma_wait3A_107 : memref<10240x128xf32, #tpu.memory_space<vmem_shared>>)
      %dma_start3A_108 = arith.constant 2 : i32
      %dma_start3A_109 = arith.constant 0 : i32
      %dma_start3A_110 = arith.constant 0 : i32
      %dma_start3A_111 = tpu.memref_slice %arg7[%dma_start3A_108, %dma_start3A_109, %dma_start3A_110] : memref<3x2x128xi32, #tpu.memory_space<vmem>> -> memref<1x1x128xi32, #tpu.memory_space<vmem>>
      %dma_start3A_112 = tpu.memref_squeeze %dma_start3A_111 : memref<1x1x128xi32, #tpu.memory_space<vmem>> -> memref<128xi32, #tpu.memory_space<vmem>>
      %dma_start3A_113 = arith.constant 0 : i32
      %dma_start3A_114 = arith.constant 0 : i32
      %dma_start3A_115 = tpu.memref_slice %arg2[%dma_start3A_113, %dma_start3A_114] : memref<10000x128xf32, #tpu.memory_space<hbm>> -> memref<10000x128xf32, #tpu.memory_space<hbm>>
      tpu.enqueue_indirect_dma source(%dma_start3A_115 : memref<10000x128xf32, #tpu.memory_space<hbm>>) target(%arg9 : memref<128x128xf32, #tpu.memory_space<vmem>>) offsets(%dma_start3A_112 : memref<128xi32, #tpu.memory_space<vmem>>) semaphore(%arg11 : memref<!tpu.dma_semaphore, #tpu.memory_space<semaphore_mem>>)
      %dma_start3A_116 = arith.constant 1 : i32
      %dma_start3A_117 = arith.constant 1 : i32
      %dma_start3A_118 = arith.constant 0 : i32
      %dma_start3A_119 = tpu.memref_slice %arg7[%dma_start3A_116, %dma_start3A_117, %dma_start3A_118] : memref<3x2x128xi32, #tpu.memory_space<vmem>> -> memref<1x1x128xi32, #tpu.memory_space<vmem>>
      %dma_start3A_120 = tpu.memref_squeeze %dma_start3A_119 : memref<1x1x128xi32, #tpu.memory_space<vmem>> -> memref<128xi32, #tpu.memory_space<vmem>>
      %dma_start3A_121 = arith.constant 0 : i32
      %dma_start3A_122 = arith.constant 0 : i32
      %dma_start3A_123 = tpu.memref_slice %arg6[%dma_start3A_121, %dma_start3A_122] : memref<10240x128xf32, #tpu.memory_space<vmem_shared>> -> memref<10240x128xf32, #tpu.memory_space<vmem_shared>>
      tpu.enqueue_indirect_dma source(%arg10 : memref<128x128xf32, #tpu.memory_space<vmem>>) target(%dma_start3A_123 : memref<10240x128xf32, #tpu.memory_space<vmem_shared>>) offsets(%dma_start3A_120 : memref<128xi32, #tpu.memory_space<vmem>>) semaphore(%arg12 : memref<!tpu.dma_semaphore, #tpu.memory_space<semaphore_mem>>) {add = true}
      %add3A_124 = arith.constant 3 : i32
      %add3A_125 = arith.addi %mul3A_49, %add3A_124 : i32
      %min3A_126 = arith.constant 77 : i32
      %min3A_127 = arith.minsi %add3A_125, %min3A_126 : i32
      %run_scoped3A_128 = arith.constant 0 : i32
      "tpu.region"() ({
        %run_scoped3A_161 = tpu.sem_alloc : memref<!tpu.dma_semaphore, #tpu.memory_space<semaphore_mem>>
        %dma_start3A_162 = arith.constant 0 : i32
        %dma_start3A_163 = arith.constant 0 : i32
        %dma_start3A_164 = tpu.memref_slice %arg7[%run_scoped3A_128, %dma_start3A_162, %dma_start3A_163] : memref<3x2x128xi32, #tpu.memory_space<vmem>> -> memref<1x2x128xi32, #tpu.memory_space<vmem>>
        %dma_start3A_165 = tpu.memref_squeeze %dma_start3A_164 : memref<1x2x128xi32, #tpu.memory_space<vmem>> -> memref<2x128xi32, #tpu.memory_space<vmem>>
        %dma_start3A_166 = arith.constant 0 : i32
        %dma_start3A_167 = arith.constant 0 : i32
        %dma_start3A_168 = tpu.memref_slice %arg3[%add3A, %min3A_127, %dma_start3A_166, %dma_start3A_167] : memref<32x78x2x128xi32, #tpu.memory_space<hbm>> -> memref<1x1x2x128xi32, #tpu.memory_space<hbm>>
        %dma_start3A_169 = tpu.memref_squeeze %dma_start3A_168 : memref<1x1x2x128xi32, #tpu.memory_space<hbm>> -> memref<2x128xi32, #tpu.memory_space<hbm>>
        %dma_start3A_170 = arith.constant 0 : i32
        %dma_start3A_171 = arith.constant 0 : i32
        %dma_start3A_172 = tpu.memref_slice %arg7[%run_scoped3A_128, %dma_start3A_170, %dma_start3A_171] : memref<3x2x128xi32, #tpu.memory_space<vmem>> -> memref<1x2x128xi32, #tpu.memory_space<vmem>>
        %dma_start3A_173 = tpu.memref_squeeze %dma_start3A_172 : memref<1x2x128xi32, #tpu.memory_space<vmem>> -> memref<2x128xi32, #tpu.memory_space<vmem>>
        %dma_start3A_174 = arith.constant 0 : i32
        %dma_start3A_175 = arith.constant 0 : i32
        %dma_start3A_176 = tpu.memref_slice %arg3[%add3A, %min3A_127, %dma_start3A_174, %dma_start3A_175] : memref<32x78x2x128xi32, #tpu.memory_space<hbm>> -> memref<1x1x2x128xi32, #tpu.memory_space<hbm>>
        %dma_start3A_177 = tpu.memref_squeeze %dma_start3A_176 : memref<1x1x2x128xi32, #tpu.memory_space<hbm>> -> memref<2x128xi32, #tpu.memory_space<hbm>>
        tpu.enqueue_dma source(%dma_start3A_177 : memref<2x128xi32, #tpu.memory_space<hbm>>) target(%dma_start3A_173 : memref<2x128xi32, #tpu.memory_space<vmem>>) target_semaphore(%run_scoped3A_161 : memref<!tpu.dma_semaphore, #tpu.memory_space<semaphore_mem>>)
        %dma_wait3A_178 = arith.constant 0 : i32
        %dma_wait3A_179 = arith.constant 0 : i32
        %dma_wait3A_180 = tpu.memref_slice %arg7[%run_scoped3A_128, %dma_wait3A_178, %dma_wait3A_179] : memref<3x2x128xi32, #tpu.memory_space<vmem>> -> memref<1x2x128xi32, #tpu.memory_space<vmem>>
        %dma_wait3A_181 = tpu.memref_squeeze %dma_wait3A_180 : memref<1x2x128xi32, #tpu.memory_space<vmem>> -> memref<2x128xi32, #tpu.memory_space<vmem>>
        %dma_wait3A_182 = arith.constant 0 : i32
        %dma_wait3A_183 = arith.constant 0 : i32
        %dma_wait3A_184 = tpu.memref_slice %arg3[%add3A, %min3A_127, %dma_wait3A_182, %dma_wait3A_183] : memref<32x78x2x128xi32, #tpu.memory_space<hbm>> -> memref<1x1x2x128xi32, #tpu.memory_space<hbm>>
        %dma_wait3A_185 = tpu.memref_squeeze %dma_wait3A_184 : memref<1x1x2x128xi32, #tpu.memory_space<hbm>> -> memref<2x128xi32, #tpu.memory_space<hbm>>
        %dma_wait3A_186 = arith.constant 0 : i32
        %dma_wait3A_187 = arith.constant 0 : i32
        %dma_wait3A_188 = tpu.memref_slice %arg7[%run_scoped3A_128, %dma_wait3A_186, %dma_wait3A_187] : memref<3x2x128xi32, #tpu.memory_space<vmem>> -> memref<1x2x128xi32, #tpu.memory_space<vmem>>
        %dma_wait3A_189 = tpu.memref_squeeze %dma_wait3A_188 : memref<1x2x128xi32, #tpu.memory_space<vmem>> -> memref<2x128xi32, #tpu.memory_space<vmem>>
        %dma_wait3A_190 = arith.constant 0 : i32
        %dma_wait3A_191 = arith.constant 0 : i32
        %dma_wait3A_192 = tpu.memref_slice %arg3[%add3A, %min3A_127, %dma_wait3A_190, %dma_wait3A_191] : memref<32x78x2x128xi32, #tpu.memory_space<hbm>> -> memref<1x1x2x128xi32, #tpu.memory_space<hbm>>
        %dma_wait3A_193 = tpu.memref_squeeze %dma_wait3A_192 : memref<1x1x2x128xi32, #tpu.memory_space<hbm>> -> memref<2x128xi32, #tpu.memory_space<hbm>>
        tpu.wait_dma2 semaphore(%run_scoped3A_161 : memref<!tpu.dma_semaphore, #tpu.memory_space<semaphore_mem>>) src(%dma_wait3A_193 : memref<2x128xi32, #tpu.memory_space<hbm>>) dst(%dma_wait3A_189 : memref<2x128xi32, #tpu.memory_space<vmem>>)
        tpu.yield
      }) : () -> ()
      %dma_wait3A_129 = arith.constant 2 : i32
      %dma_wait3A_130 = arith.constant 0 : i32
      %dma_wait3A_131 = arith.constant 0 : i32
      %dma_wait3A_132 = tpu.memref_slice %arg7[%dma_wait3A_129, %dma_wait3A_130, %dma_wait3A_131] : memref<3x2x128xi32, #tpu.memory_space<vmem>> -> memref<1x1x128xi32, #tpu.memory_space<vmem>>
      %dma_wait3A_133 = tpu.memref_squeeze %dma_wait3A_132 : memref<1x1x128xi32, #tpu.memory_space<vmem>> -> memref<128xi32, #tpu.memory_space<vmem>>
      %dma_wait3A_134 = arith.constant 0 : i32
      %dma_wait3A_135 = arith.constant 0 : i32
      %dma_wait3A_136 = tpu.memref_slice %arg2[%dma_wait3A_134, %dma_wait3A_135] : memref<10000x128xf32, #tpu.memory_space<hbm>> -> memref<10000x128xf32, #tpu.memory_space<hbm>>
      tpu.wait_indirect_dma semaphore(%arg11 : memref<!tpu.dma_semaphore, #tpu.memory_space<semaphore_mem>>) src(%dma_wait3A_136 : memref<10000x128xf32, #tpu.memory_space<hbm>>) dst(%arg9 : memref<128x128xf32, #tpu.memory_space<vmem>>)
      %dma_wait3A_137 = arith.constant 1 : i32
      %dma_wait3A_138 = arith.constant 1 : i32
      %dma_wait3A_139 = arith.constant 0 : i32
      %dma_wait3A_140 = tpu.memref_slice %arg7[%dma_wait3A_137, %dma_wait3A_138, %dma_wait3A_139] : memref<3x2x128xi32, #tpu.memory_space<vmem>> -> memref<1x1x128xi32, #tpu.memory_space<vmem>>
      %dma_wait3A_141 = tpu.memref_squeeze %dma_wait3A_140 : memref<1x1x128xi32, #tpu.memory_space<vmem>> -> memref<128xi32, #tpu.memory_space<vmem>>
      %dma_wait3A_142 = arith.constant 0 : i32
      %dma_wait3A_143 = arith.constant 0 : i32
      %dma_wait3A_144 = tpu.memref_slice %arg6[%dma_wait3A_142, %dma_wait3A_143] : memref<10240x128xf32, #tpu.memory_space<vmem_shared>> -> memref<10240x128xf32, #tpu.memory_space<vmem_shared>>
      tpu.wait_indirect_dma semaphore(%arg12 : memref<!tpu.dma_semaphore, #tpu.memory_space<semaphore_mem>>) src(%arg10 : memref<128x128xf32, #tpu.memory_space<vmem>>) dst(%dma_wait3A_144 : memref<10240x128xf32, #tpu.memory_space<vmem_shared>>)
      %dma_start3A_145 = arith.constant 2 : i32
      %dma_start3A_146 = arith.constant 1 : i32
      %dma_start3A_147 = arith.constant 0 : i32
      %dma_start3A_148 = tpu.memref_slice %arg7[%dma_start3A_145, %dma_start3A_146, %dma_start3A_147] : memref<3x2x128xi32, #tpu.memory_space<vmem>> -> memref<1x1x128xi32, #tpu.memory_space<vmem>>
      %dma_start3A_149 = tpu.memref_squeeze %dma_start3A_148 : memref<1x1x128xi32, #tpu.memory_space<vmem>> -> memref<128xi32, #tpu.memory_space<vmem>>
      %dma_start3A_150 = arith.constant 0 : i32
      %dma_start3A_151 = arith.constant 0 : i32
      %dma_start3A_152 = tpu.memref_slice %arg6[%dma_start3A_150, %dma_start3A_151] : memref<10240x128xf32, #tpu.memory_space<vmem_shared>> -> memref<10240x128xf32, #tpu.memory_space<vmem_shared>>
      tpu.enqueue_indirect_dma source(%arg9 : memref<128x128xf32, #tpu.memory_space<vmem>>) target(%dma_start3A_152 : memref<10240x128xf32, #tpu.memory_space<vmem_shared>>) offsets(%dma_start3A_149 : memref<128xi32, #tpu.memory_space<vmem>>) semaphore(%arg12 : memref<!tpu.dma_semaphore, #tpu.memory_space<semaphore_mem>>) {add = true}
      %dma_wait3A_153 = arith.constant 2 : i32
      %dma_wait3A_154 = arith.constant 1 : i32
      %dma_wait3A_155 = arith.constant 0 : i32
      %dma_wait3A_156 = tpu.memref_slice %arg7[%dma_wait3A_153, %dma_wait3A_154, %dma_wait3A_155] : memref<3x2x128xi32, #tpu.memory_space<vmem>> -> memref<1x1x128xi32, #tpu.memory_space<vmem>>
      %dma_wait3A_157 = tpu.memref_squeeze %dma_wait3A_156 : memref<1x1x128xi32, #tpu.memory_space<vmem>> -> memref<128xi32, #tpu.memory_space<vmem>>
      %dma_wait3A_158 = arith.constant 0 : i32
      %dma_wait3A_159 = arith.constant 0 : i32
      %dma_wait3A_160 = tpu.memref_slice %arg6[%dma_wait3A_158, %dma_wait3A_159] : memref<10240x128xf32, #tpu.memory_space<vmem_shared>> -> memref<10240x128xf32, #tpu.memory_space<vmem_shared>>
      tpu.wait_indirect_dma semaphore(%arg12 : memref<!tpu.dma_semaphore, #tpu.memory_space<semaphore_mem>>) src(%arg9 : memref<128x128xf32, #tpu.memory_space<vmem>>) dst(%dma_wait3A_160 : memref<10240x128xf32, #tpu.memory_space<vmem_shared>>)
    }
    %scan3A_26 = arith.constant 26 : i32
    "tpu.region"() ({
      %run_scoped3A_47 = tpu.sem_alloc : memref<!tpu.dma_semaphore, #tpu.memory_space<semaphore_mem>>
      %dma_start3A_48 = arith.constant 0 : i32
      %dma_start3A_49 = arith.constant 0 : i32
      %dma_start3A_50 = tpu.memref_slice %arg4[%add3A, %dma_start3A_48, %dma_start3A_49] : memref<32x2x16xi32, #tpu.memory_space<hbm>> -> memref<1x2x16xi32, #tpu.memory_space<hbm>>
      %dma_start3A_51 = tpu.memref_squeeze %dma_start3A_50 : memref<1x2x16xi32, #tpu.memory_space<hbm>> -> memref<2x16xi32, #tpu.memory_space<hbm>>
      %dma_start3A_52 = arith.constant 0 : i32
      %dma_start3A_53 = arith.constant 0 : i32
      %dma_start3A_54 = tpu.memref_slice %arg4[%add3A, %dma_start3A_52, %dma_start3A_53] : memref<32x2x16xi32, #tpu.memory_space<hbm>> -> memref<1x2x16xi32, #tpu.memory_space<hbm>>
      %dma_start3A_55 = tpu.memref_squeeze %dma_start3A_54 : memref<1x2x16xi32, #tpu.memory_space<hbm>> -> memref<2x16xi32, #tpu.memory_space<hbm>>
      tpu.enqueue_dma source(%dma_start3A_55 : memref<2x16xi32, #tpu.memory_space<hbm>>) target(%arg8 : memref<2x16xi32, #tpu.memory_space<vmem>>) target_semaphore(%run_scoped3A_47 : memref<!tpu.dma_semaphore, #tpu.memory_space<semaphore_mem>>)
      %dma_wait3A_56 = arith.constant 0 : i32
      %dma_wait3A_57 = arith.constant 0 : i32
      %dma_wait3A_58 = tpu.memref_slice %arg4[%add3A, %dma_wait3A_56, %dma_wait3A_57] : memref<32x2x16xi32, #tpu.memory_space<hbm>> -> memref<1x2x16xi32, #tpu.memory_space<hbm>>
      %dma_wait3A_59 = tpu.memref_squeeze %dma_wait3A_58 : memref<1x2x16xi32, #tpu.memory_space<hbm>> -> memref<2x16xi32, #tpu.memory_space<hbm>>
      %dma_wait3A_60 = arith.constant 0 : i32
      %dma_wait3A_61 = arith.constant 0 : i32
      %dma_wait3A_62 = tpu.memref_slice %arg4[%add3A, %dma_wait3A_60, %dma_wait3A_61] : memref<32x2x16xi32, #tpu.memory_space<hbm>> -> memref<1x2x16xi32, #tpu.memory_space<hbm>>
      %dma_wait3A_63 = tpu.memref_squeeze %dma_wait3A_62 : memref<1x2x16xi32, #tpu.memory_space<hbm>> -> memref<2x16xi32, #tpu.memory_space<hbm>>
      tpu.wait_dma2 semaphore(%run_scoped3A_47 : memref<!tpu.dma_semaphore, #tpu.memory_space<semaphore_mem>>) src(%dma_wait3A_63 : memref<2x16xi32, #tpu.memory_space<hbm>>) dst(%arg8 : memref<2x16xi32, #tpu.memory_space<vmem>>)
      tpu.yield
    }) : () -> ()
    %dma_start3A = arith.constant 0 : i32
    %dma_start3A_27 = arith.constant 0 : i32
    %dma_start3A_28 = arith.constant 0 : i32
    %dma_start3A_29 = tpu.memref_slice %arg9[%dma_start3A_27, %dma_start3A_28] : memref<128x128xf32, #tpu.memory_space<vmem>> -> memref<16x128xf32, #tpu.memory_space<vmem>>
    %dma_start3A_30 = arith.constant 0 : i32
    %dma_start3A_31 = tpu.memref_slice %arg8[%dma_start3A, %dma_start3A_30] : memref<2x16xi32, #tpu.memory_space<vmem>> -> memref<1x16xi32, #tpu.memory_space<vmem>>
    %dma_start3A_32 = tpu.memref_squeeze %dma_start3A_31 : memref<1x16xi32, #tpu.memory_space<vmem>> -> memref<16xi32, #tpu.memory_space<vmem>>
    %dma_start3A_33 = arith.constant 0 : i32
    %dma_start3A_34 = arith.constant 0 : i32
    %dma_start3A_35 = tpu.memref_slice %arg2[%dma_start3A_33, %dma_start3A_34] : memref<10000x128xf32, #tpu.memory_space<hbm>> -> memref<10000x128xf32, #tpu.memory_space<hbm>>
    tpu.enqueue_indirect_dma source(%dma_start3A_35 : memref<10000x128xf32, #tpu.memory_space<hbm>>) target(%dma_start3A_29 : memref<16x128xf32, #tpu.memory_space<vmem>>) offsets(%dma_start3A_32 : memref<16xi32, #tpu.memory_space<vmem>>) semaphore(%arg11 : memref<!tpu.dma_semaphore, #tpu.memory_space<semaphore_mem>>)
    %dma_wait3A = arith.constant 0 : i32
    %dma_wait3A_36 = arith.constant 0 : i32
    %dma_wait3A_37 = arith.constant 0 : i32
    %dma_wait3A_38 = tpu.memref_slice %arg9[%dma_wait3A_36, %dma_wait3A_37] : memref<128x128xf32, #tpu.memory_space<vmem>> -> memref<16x128xf32, #tpu.memory_space<vmem>>
    %dma_wait3A_39 = arith.constant 0 : i32
    %dma_wait3A_40 = tpu.memref_slice %arg8[%dma_wait3A, %dma_wait3A_39] : memref<2x16xi32, #tpu.memory_space<vmem>> -> memref<1x16xi32, #tpu.memory_space<vmem>>
    %dma_wait3A_41 = tpu.memref_squeeze %dma_wait3A_40 : memref<1x16xi32, #tpu.memory_space<vmem>> -> memref<16xi32, #tpu.memory_space<vmem>>
    %dma_wait3A_42 = arith.constant 0 : i32
    %dma_wait3A_43 = arith.constant 0 : i32
    %dma_wait3A_44 = tpu.memref_slice %arg2[%dma_wait3A_42, %dma_wait3A_43] : memref<10000x128xf32, #tpu.memory_space<hbm>> -> memref<10000x128xf32, #tpu.memory_space<hbm>>
    tpu.wait_indirect_dma semaphore(%arg11 : memref<!tpu.dma_semaphore, #tpu.memory_space<semaphore_mem>>) src(%dma_wait3A_44 : memref<10000x128xf32, #tpu.memory_space<hbm>>) dst(%dma_wait3A_38 : memref<16x128xf32, #tpu.memory_space<vmem>>)
    %run_scoped3A_45 = arith.constant 1 : i32
    "tpu.region"() ({
      %run_scoped3A_47 = tpu.sem_alloc : memref<!tpu.dma_semaphore, #tpu.memory_space<semaphore_mem>>
      %dma_start3A_48 = arith.constant 0 : i32
      %dma_start3A_49 = arith.constant 0 : i32
      %dma_start3A_50 = tpu.memref_slice %arg9[%dma_start3A_48, %dma_start3A_49] : memref<128x128xf32, #tpu.memory_space<vmem>> -> memref<16x128xf32, #tpu.memory_space<vmem>>
      %dma_start3A_51 = arith.constant 0 : i32
      %dma_start3A_52 = tpu.memref_slice %arg8[%run_scoped3A_45, %dma_start3A_51] : memref<2x16xi32, #tpu.memory_space<vmem>> -> memref<1x16xi32, #tpu.memory_space<vmem>>
      %dma_start3A_53 = tpu.memref_squeeze %dma_start3A_52 : memref<1x16xi32, #tpu.memory_space<vmem>> -> memref<16xi32, #tpu.memory_space<vmem>>
      %dma_start3A_54 = arith.constant 0 : i32
      %dma_start3A_55 = arith.constant 0 : i32
      %dma_start3A_56 = tpu.memref_slice %arg6[%dma_start3A_54, %dma_start3A_55] : memref<10240x128xf32, #tpu.memory_space<vmem_shared>> -> memref<10240x128xf32, #tpu.memory_space<vmem_shared>>
      tpu.enqueue_indirect_dma source(%dma_start3A_50 : memref<16x128xf32, #tpu.memory_space<vmem>>) target(%dma_start3A_56 : memref<10240x128xf32, #tpu.memory_space<vmem_shared>>) offsets(%dma_start3A_53 : memref<16xi32, #tpu.memory_space<vmem>>) semaphore(%run_scoped3A_47 : memref<!tpu.dma_semaphore, #tpu.memory_space<semaphore_mem>>) {add = true}
      %dma_wait3A_57 = arith.constant 0 : i32
      %dma_wait3A_58 = arith.constant 0 : i32
      %dma_wait3A_59 = tpu.memref_slice %arg9[%dma_wait3A_57, %dma_wait3A_58] : memref<128x128xf32, #tpu.memory_space<vmem>> -> memref<16x128xf32, #tpu.memory_space<vmem>>
      %dma_wait3A_60 = arith.constant 0 : i32
      %dma_wait3A_61 = tpu.memref_slice %arg8[%run_scoped3A_45, %dma_wait3A_60] : memref<2x16xi32, #tpu.memory_space<vmem>> -> memref<1x16xi32, #tpu.memory_space<vmem>>
      %dma_wait3A_62 = tpu.memref_squeeze %dma_wait3A_61 : memref<1x16xi32, #tpu.memory_space<vmem>> -> memref<16xi32, #tpu.memory_space<vmem>>
      %dma_wait3A_63 = arith.constant 0 : i32
      %dma_wait3A_64 = arith.constant 0 : i32
      %dma_wait3A_65 = tpu.memref_slice %arg6[%dma_wait3A_63, %dma_wait3A_64] : memref<10240x128xf32, #tpu.memory_space<vmem_shared>> -> memref<10240x128xf32, #tpu.memory_space<vmem_shared>>
      tpu.wait_indirect_dma semaphore(%run_scoped3A_47 : memref<!tpu.dma_semaphore, #tpu.memory_space<semaphore_mem>>) src(%dma_wait3A_59 : memref<16x128xf32, #tpu.memory_space<vmem>>) dst(%dma_wait3A_65 : memref<10240x128xf32, #tpu.memory_space<vmem_shared>>)
      tpu.yield
    }) : () -> ()
    %barrier3A_46 = arith.constant 0 : index
    tpu.barrier barrier_id(%barrier3A_46)
    "tpu.region"() ({
      %run_scoped3A_47 = tpu.sem_alloc : memref<!tpu.dma_semaphore, #tpu.memory_space<semaphore_mem>>
      %dma_start3A_48 = arith.constant 0 : i32
      %dma_start3A_49 = tpu.memref_slice %arg5[%arg0, %mul3A_2, %dma_start3A_48] : memref<2x10240x128xf32, #tpu.memory_space<hbm>> -> memref<1x640x128xf32, #tpu.memory_space<hbm>>
      %dma_start3A_50 = tpu.memref_squeeze %dma_start3A_49 : memref<1x640x128xf32, #tpu.memory_space<hbm>> -> memref<640x128xf32, #tpu.memory_space<hbm>>
      %dma_start3A_51 = arith.constant 0 : i32
      %dma_start3A_52 = tpu.memref_slice %arg6[%mul3A_2, %dma_start3A_51] : memref<10240x128xf32, #tpu.memory_space<vmem_shared>> -> memref<640x128xf32, #tpu.memory_space<vmem_shared>>
      tpu.enqueue_dma source(%dma_start3A_52 : memref<640x128xf32, #tpu.memory_space<vmem_shared>>) target(%dma_start3A_50 : memref<640x128xf32, #tpu.memory_space<hbm>>) target_semaphore(%run_scoped3A_47 : memref<!tpu.dma_semaphore, #tpu.memory_space<semaphore_mem>>)
      %dma_wait3A_53 = arith.constant 0 : i32
      %dma_wait3A_54 = tpu.memref_slice %arg5[%arg0, %mul3A_2, %dma_wait3A_53] : memref<2x10240x128xf32, #tpu.memory_space<hbm>> -> memref<1x640x128xf32, #tpu.memory_space<hbm>>
      %dma_wait3A_55 = tpu.memref_squeeze %dma_wait3A_54 : memref<1x640x128xf32, #tpu.memory_space<hbm>> -> memref<640x128xf32, #tpu.memory_space<hbm>>
      %dma_wait3A_56 = arith.constant 0 : i32
      %dma_wait3A_57 = tpu.memref_slice %arg6[%mul3A_2, %dma_wait3A_56] : memref<10240x128xf32, #tpu.memory_space<vmem_shared>> -> memref<640x128xf32, #tpu.memory_space<vmem_shared>>
      tpu.wait_dma2 semaphore(%run_scoped3A_47 : memref<!tpu.dma_semaphore, #tpu.memory_space<semaphore_mem>>) src(%dma_wait3A_57 : memref<640x128xf32, #tpu.memory_space<vmem_shared>>) dst(%dma_wait3A_55 : memref<640x128xf32, #tpu.memory_space<hbm>>)
      tpu.yield
    }) : () -> ()
    return
  }
}

#map = affine_map<(d0, d1) -> (0, 0)>
#map1 = affine_map<(d0, d1) -> (0, 0, 0, 0)>
#map2 = affine_map<(d0, d1) -> (0, 0, 0)>
module attributes {stable_mosaic.version = 14 : i64} {
  func.func @body(%arg0: i32, %arg1: i32, %arg2: memref<10000x128xf32, #tpu.memory_space<hbm>>, %arg3: memref<32x78x2x128xi32, #tpu.memory_space<hbm>>, %arg4: memref<32x2x16xi32, #tpu.memory_space<hbm>>, %arg5: memref<2x10240x128xf32, #tpu.memory_space<hbm>>, %arg6: memref<2x10240x128xf32, #tpu.memory_space<hbm>>, %arg7: memref<10240x128xf32, #tpu.memory_space<vmem_shared>>, %arg8: memref<3x2x128xi32, #tpu.memory_space<vmem>>, %arg9: memref<2x16xi32, #tpu.memory_space<vmem>>, %arg10: memref<128x128xf32, #tpu.memory_space<vmem>>, %arg11: memref<128x128xf32, #tpu.memory_space<vmem>>, %arg12: memref<!tpu.dma_semaphore, #tpu.memory_space<semaphore_mem>>, %arg13: memref<!tpu.dma_semaphore, #tpu.memory_space<semaphore_mem>>) attributes {dimension_semantics = [#tpu.dimension_semantics<core_parallel>, #tpu.dimension_semantics<subcore_parallel>], iteration_bounds = array<i64: 2, 16>, scalar_prefetch = 0 : i64, scratch_operands = 7 : i64, tpu.core_type = #tpu.core_type<sc_vector_subcore>, window_params = [{transform_indices = #map}, {transform_indices = #map1}, {transform_indices = #map2}, {transform_indices = #map2}, {transform_indices = #map2}]} {
    %mul3A = arith.constant 2 : i32
    %mul3A_0 = arith.muli %arg1, %mul3A : i32
    %add3A = arith.addi %mul3A_0, %arg0 : i32
    %mul3A_1 = arith.constant 640 : i32
    %mul3A_2 = arith.muli %arg1, %mul3A_1 : i32
    %broadcast_in_dim3A = arith.constant 0.000000e+00 : f32
    %broadcast_in_dim3A_3 = vector.broadcast %broadcast_in_dim3A : f32 to vector<16xf32>
    %scan3A = arith.constant 0 : i32
    %scan3A_4 = arith.constant 0 : i32
    %scan3A_5 = arith.constant 128 : i32
    %scan3A_6 = arith.addi %scan3A_4, %scan3A_5 : i32
    %scan3A_7 = arith.constant 1 : i32
    scf.for %scan3A_86 = %scan3A_4 to %scan3A_6 step %scan3A_7  : i32 {
      %swap3A = arith.index_cast %scan3A_86 : i32 to index
      %swap3A_87 = arith.constant 0 : index
      %swap3A_88 = tpu.vector_load %arg10[%swap3A, %swap3A_87] {strides = array<i32>} : memref<128x128xf32, #tpu.memory_space<vmem>>, vector<1x16xf32>,
      %swap3A_89 = vector.shape_cast %swap3A_88 : vector<1x16xf32> to vector<16xf32>
      %swap3A_90 = vector.shape_cast %broadcast_in_dim3A_3 : vector<16xf32> to vector<1x16xf32>
      tpu.vector_store %arg10[%swap3A, %swap3A_87], %swap3A_90 {strides = array<i32>} : memref<128x128xf32, #tpu.memory_space<vmem>>, vector<1x16xf32>,
      %swap3A_91 = arith.index_cast %scan3A_86 : i32 to index
      %swap3A_92 = arith.constant 16 : index
      %swap3A_93 = tpu.vector_load %arg10[%swap3A_91, %swap3A_92] {strides = array<i32>} : memref<128x128xf32, #tpu.memory_space<vmem>>, vector<1x16xf32>,
      %swap3A_94 = vector.shape_cast %swap3A_93 : vector<1x16xf32> to vector<16xf32>
      %swap3A_95 = vector.shape_cast %broadcast_in_dim3A_3 : vector<16xf32> to vector<1x16xf32>
      tpu.vector_store %arg10[%swap3A_91, %swap3A_92], %swap3A_95 {strides = array<i32>} : memref<128x128xf32, #tpu.memory_space<vmem>>, vector<1x16xf32>,
      %swap3A_96 = arith.index_cast %scan3A_86 : i32 to index
      %swap3A_97 = arith.constant 32 : index
      %swap3A_98 = tpu.vector_load %arg10[%swap3A_96, %swap3A_97] {strides = array<i32>} : memref<128x128xf32, #tpu.memory_space<vmem>>, vector<1x16xf32>,
      %swap3A_99 = vector.shape_cast %swap3A_98 : vector<1x16xf32> to vector<16xf32>
      %swap3A_100 = vector.shape_cast %broadcast_in_dim3A_3 : vector<16xf32> to vector<1x16xf32>
      tpu.vector_store %arg10[%swap3A_96, %swap3A_97], %swap3A_100 {strides = array<i32>} : memref<128x128xf32, #tpu.memory_space<vmem>>, vector<1x16xf32>,
      %swap3A_101 = arith.index_cast %scan3A_86 : i32 to index
      %swap3A_102 = arith.constant 48 : index
      %swap3A_103 = tpu.vector_load %arg10[%swap3A_101, %swap3A_102] {strides = array<i32>} : memref<128x128xf32, #tpu.memory_space<vmem>>, vector<1x16xf32>,
      %swap3A_104 = vector.shape_cast %swap3A_103 : vector<1x16xf32> to vector<16xf32>
      %swap3A_105 = vector.shape_cast %broadcast_in_dim3A_3 : vector<16xf32> to vector<1x16xf32>
      tpu.vector_store %arg10[%swap3A_101, %swap3A_102], %swap3A_105 {strides = array<i32>} : memref<128x128xf32, #tpu.memory_space<vmem>>, vector<1x16xf32>,
      %swap3A_106 = arith.index_cast %scan3A_86 : i32 to index
      %swap3A_107 = arith.constant 64 : index
      %swap3A_108 = tpu.vector_load %arg10[%swap3A_106, %swap3A_107] {strides = array<i32>} : memref<128x128xf32, #tpu.memory_space<vmem>>, vector<1x16xf32>,
      %swap3A_109 = vector.shape_cast %swap3A_108 : vector<1x16xf32> to vector<16xf32>
      %swap3A_110 = vector.shape_cast %broadcast_in_dim3A_3 : vector<16xf32> to vector<1x16xf32>
      tpu.vector_store %arg10[%swap3A_106, %swap3A_107], %swap3A_110 {strides = array<i32>} : memref<128x128xf32, #tpu.memory_space<vmem>>, vector<1x16xf32>,
      %swap3A_111 = arith.index_cast %scan3A_86 : i32 to index
      %swap3A_112 = arith.constant 80 : index
      %swap3A_113 = tpu.vector_load %arg10[%swap3A_111, %swap3A_112] {strides = array<i32>} : memref<128x128xf32, #tpu.memory_space<vmem>>, vector<1x16xf32>,
      %swap3A_114 = vector.shape_cast %swap3A_113 : vector<1x16xf32> to vector<16xf32>
      %swap3A_115 = vector.shape_cast %broadcast_in_dim3A_3 : vector<16xf32> to vector<1x16xf32>
      tpu.vector_store %arg10[%swap3A_111, %swap3A_112], %swap3A_115 {strides = array<i32>} : memref<128x128xf32, #tpu.memory_space<vmem>>, vector<1x16xf32>,
      %swap3A_116 = arith.index_cast %scan3A_86 : i32 to index
      %swap3A_117 = arith.constant 96 : index
      %swap3A_118 = tpu.vector_load %arg10[%swap3A_116, %swap3A_117] {strides = array<i32>} : memref<128x128xf32, #tpu.memory_space<vmem>>, vector<1x16xf32>,
      %swap3A_119 = vector.shape_cast %swap3A_118 : vector<1x16xf32> to vector<16xf32>
      %swap3A_120 = vector.shape_cast %broadcast_in_dim3A_3 : vector<16xf32> to vector<1x16xf32>
      tpu.vector_store %arg10[%swap3A_116, %swap3A_117], %swap3A_120 {strides = array<i32>} : memref<128x128xf32, #tpu.memory_space<vmem>>, vector<1x16xf32>,
      %swap3A_121 = arith.index_cast %scan3A_86 : i32 to index
      %swap3A_122 = arith.constant 112 : index
      %swap3A_123 = tpu.vector_load %arg10[%swap3A_121, %swap3A_122] {strides = array<i32>} : memref<128x128xf32, #tpu.memory_space<vmem>>, vector<1x16xf32>,
      %swap3A_124 = vector.shape_cast %swap3A_123 : vector<1x16xf32> to vector<16xf32>
      %swap3A_125 = vector.shape_cast %broadcast_in_dim3A_3 : vector<16xf32> to vector<1x16xf32>
      tpu.vector_store %arg10[%swap3A_121, %swap3A_122], %swap3A_125 {strides = array<i32>} : memref<128x128xf32, #tpu.memory_space<vmem>>, vector<1x16xf32>,
    }
    %scan3A_8 = arith.constant 128 : i32
    %add3A_9 = arith.constant 0 : i32
    %add3A_10 = arith.addi %mul3A_2, %add3A_9 : i32
    "tpu.region"() ({
      %run_scoped3A_86 = tpu.sem_alloc : memref<!tpu.dma_semaphore, #tpu.memory_space<semaphore_mem>>
      %dma_start3A_87 = arith.constant 0 : i32
      %dma_start3A_88 = tpu.memref_slice %arg7[%add3A_10, %dma_start3A_87] : memref<10240x128xf32, #tpu.memory_space<vmem_shared>> -> memref<128x128xf32, #tpu.memory_space<vmem_shared>>
      %dma_start3A_89 = arith.constant 0 : i32
      %dma_start3A_90 = tpu.memref_slice %arg7[%add3A_10, %dma_start3A_89] : memref<10240x128xf32, #tpu.memory_space<vmem_shared>> -> memref<128x128xf32, #tpu.memory_space<vmem_shared>>
      tpu.enqueue_dma source(%arg10 : memref<128x128xf32, #tpu.memory_space<vmem>>) target(%dma_start3A_90 : memref<128x128xf32, #tpu.memory_space<vmem_shared>>) target_semaphore(%run_scoped3A_86 : memref<!tpu.dma_semaphore, #tpu.memory_space<semaphore_mem>>)
      %dma_wait3A_91 = arith.constant 0 : i32
      %dma_wait3A_92 = tpu.memref_slice %arg7[%add3A_10, %dma_wait3A_91] : memref<10240x128xf32, #tpu.memory_space<vmem_shared>> -> memref<128x128xf32, #tpu.memory_space<vmem_shared>>
      %dma_wait3A_93 = arith.constant 0 : i32
      %dma_wait3A_94 = tpu.memref_slice %arg7[%add3A_10, %dma_wait3A_93] : memref<10240x128xf32, #tpu.memory_space<vmem_shared>> -> memref<128x128xf32, #tpu.memory_space<vmem_shared>>
      tpu.wait_dma2 semaphore(%run_scoped3A_86 : memref<!tpu.dma_semaphore, #tpu.memory_space<semaphore_mem>>) src(%arg10 : memref<128x128xf32, #tpu.memory_space<vmem>>) dst(%dma_wait3A_94 : memref<128x128xf32, #tpu.memory_space<vmem_shared>>)
      tpu.yield
    }) : () -> ()
    %add3A_11 = arith.constant 128 : i32
    %add3A_12 = arith.addi %mul3A_2, %add3A_11 : i32
    "tpu.region"() ({
      %run_scoped3A_86 = tpu.sem_alloc : memref<!tpu.dma_semaphore, #tpu.memory_space<semaphore_mem>>
      %dma_start3A_87 = arith.constant 0 : i32
      %dma_start3A_88 = tpu.memref_slice %arg7[%add3A_12, %dma_start3A_87] : memref<10240x128xf32, #tpu.memory_space<vmem_shared>> -> memref<128x128xf32, #tpu.memory_space<vmem_shared>>
      %dma_start3A_89 = arith.constant 0 : i32
      %dma_start3A_90 = tpu.memref_slice %arg7[%add3A_12, %dma_start3A_89] : memref<10240x128xf32, #tpu.memory_space<vmem_shared>> -> memref<128x128xf32, #tpu.memory_space<vmem_shared>>
      tpu.enqueue_dma source(%arg10 : memref<128x128xf32, #tpu.memory_space<vmem>>) target(%dma_start3A_90 : memref<128x128xf32, #tpu.memory_space<vmem_shared>>) target_semaphore(%run_scoped3A_86 : memref<!tpu.dma_semaphore, #tpu.memory_space<semaphore_mem>>)
      %dma_wait3A_91 = arith.constant 0 : i32
      %dma_wait3A_92 = tpu.memref_slice %arg7[%add3A_12, %dma_wait3A_91] : memref<10240x128xf32, #tpu.memory_space<vmem_shared>> -> memref<128x128xf32, #tpu.memory_space<vmem_shared>>
      %dma_wait3A_93 = arith.constant 0 : i32
      %dma_wait3A_94 = tpu.memref_slice %arg7[%add3A_12, %dma_wait3A_93] : memref<10240x128xf32, #tpu.memory_space<vmem_shared>> -> memref<128x128xf32, #tpu.memory_space<vmem_shared>>
      tpu.wait_dma2 semaphore(%run_scoped3A_86 : memref<!tpu.dma_semaphore, #tpu.memory_space<semaphore_mem>>) src(%arg10 : memref<128x128xf32, #tpu.memory_space<vmem>>) dst(%dma_wait3A_94 : memref<128x128xf32, #tpu.memory_space<vmem_shared>>)
      tpu.yield
    }) : () -> ()
    %add3A_13 = arith.constant 256 : i32
    %add3A_14 = arith.addi %mul3A_2, %add3A_13 : i32
    "tpu.region"() ({
      %run_scoped3A_86 = tpu.sem_alloc : memref<!tpu.dma_semaphore, #tpu.memory_space<semaphore_mem>>
      %dma_start3A_87 = arith.constant 0 : i32
      %dma_start3A_88 = tpu.memref_slice %arg7[%add3A_14, %dma_start3A_87] : memref<10240x128xf32, #tpu.memory_space<vmem_shared>> -> memref<128x128xf32, #tpu.memory_space<vmem_shared>>
      %dma_start3A_89 = arith.constant 0 : i32
      %dma_start3A_90 = tpu.memref_slice %arg7[%add3A_14, %dma_start3A_89] : memref<10240x128xf32, #tpu.memory_space<vmem_shared>> -> memref<128x128xf32, #tpu.memory_space<vmem_shared>>
      tpu.enqueue_dma source(%arg10 : memref<128x128xf32, #tpu.memory_space<vmem>>) target(%dma_start3A_90 : memref<128x128xf32, #tpu.memory_space<vmem_shared>>) target_semaphore(%run_scoped3A_86 : memref<!tpu.dma_semaphore, #tpu.memory_space<semaphore_mem>>)
      %dma_wait3A_91 = arith.constant 0 : i32
      %dma_wait3A_92 = tpu.memref_slice %arg7[%add3A_14, %dma_wait3A_91] : memref<10240x128xf32, #tpu.memory_space<vmem_shared>> -> memref<128x128xf32, #tpu.memory_space<vmem_shared>>
      %dma_wait3A_93 = arith.constant 0 : i32
      %dma_wait3A_94 = tpu.memref_slice %arg7[%add3A_14, %dma_wait3A_93] : memref<10240x128xf32, #tpu.memory_space<vmem_shared>> -> memref<128x128xf32, #tpu.memory_space<vmem_shared>>
      tpu.wait_dma2 semaphore(%run_scoped3A_86 : memref<!tpu.dma_semaphore, #tpu.memory_space<semaphore_mem>>) src(%arg10 : memref<128x128xf32, #tpu.memory_space<vmem>>) dst(%dma_wait3A_94 : memref<128x128xf32, #tpu.memory_space<vmem_shared>>)
      tpu.yield
    }) : () -> ()
    %add3A_15 = arith.constant 384 : i32
    %add3A_16 = arith.addi %mul3A_2, %add3A_15 : i32
    "tpu.region"() ({
      %run_scoped3A_86 = tpu.sem_alloc : memref<!tpu.dma_semaphore, #tpu.memory_space<semaphore_mem>>
      %dma_start3A_87 = arith.constant 0 : i32
      %dma_start3A_88 = tpu.memref_slice %arg7[%add3A_16, %dma_start3A_87] : memref<10240x128xf32, #tpu.memory_space<vmem_shared>> -> memref<128x128xf32, #tpu.memory_space<vmem_shared>>
      %dma_start3A_89 = arith.constant 0 : i32
      %dma_start3A_90 = tpu.memref_slice %arg7[%add3A_16, %dma_start3A_89] : memref<10240x128xf32, #tpu.memory_space<vmem_shared>> -> memref<128x128xf32, #tpu.memory_space<vmem_shared>>
      tpu.enqueue_dma source(%arg10 : memref<128x128xf32, #tpu.memory_space<vmem>>) target(%dma_start3A_90 : memref<128x128xf32, #tpu.memory_space<vmem_shared>>) target_semaphore(%run_scoped3A_86 : memref<!tpu.dma_semaphore, #tpu.memory_space<semaphore_mem>>)
      %dma_wait3A_91 = arith.constant 0 : i32
      %dma_wait3A_92 = tpu.memref_slice %arg7[%add3A_16, %dma_wait3A_91] : memref<10240x128xf32, #tpu.memory_space<vmem_shared>> -> memref<128x128xf32, #tpu.memory_space<vmem_shared>>
      %dma_wait3A_93 = arith.constant 0 : i32
      %dma_wait3A_94 = tpu.memref_slice %arg7[%add3A_16, %dma_wait3A_93] : memref<10240x128xf32, #tpu.memory_space<vmem_shared>> -> memref<128x128xf32, #tpu.memory_space<vmem_shared>>
      tpu.wait_dma2 semaphore(%run_scoped3A_86 : memref<!tpu.dma_semaphore, #tpu.memory_space<semaphore_mem>>) src(%arg10 : memref<128x128xf32, #tpu.memory_space<vmem>>) dst(%dma_wait3A_94 : memref<128x128xf32, #tpu.memory_space<vmem_shared>>)
      tpu.yield
    }) : () -> ()
    %add3A_17 = arith.constant 512 : i32
    %add3A_18 = arith.addi %mul3A_2, %add3A_17 : i32
    "tpu.region"() ({
      %run_scoped3A_86 = tpu.sem_alloc : memref<!tpu.dma_semaphore, #tpu.memory_space<semaphore_mem>>
      %dma_start3A_87 = arith.constant 0 : i32
      %dma_start3A_88 = tpu.memref_slice %arg7[%add3A_18, %dma_start3A_87] : memref<10240x128xf32, #tpu.memory_space<vmem_shared>> -> memref<128x128xf32, #tpu.memory_space<vmem_shared>>
      %dma_start3A_89 = arith.constant 0 : i32
      %dma_start3A_90 = tpu.memref_slice %arg7[%add3A_18, %dma_start3A_89] : memref<10240x128xf32, #tpu.memory_space<vmem_shared>> -> memref<128x128xf32, #tpu.memory_space<vmem_shared>>
      tpu.enqueue_dma source(%arg10 : memref<128x128xf32, #tpu.memory_space<vmem>>) target(%dma_start3A_90 : memref<128x128xf32, #tpu.memory_space<vmem_shared>>) target_semaphore(%run_scoped3A_86 : memref<!tpu.dma_semaphore, #tpu.memory_space<semaphore_mem>>)
      %dma_wait3A_91 = arith.constant 0 : i32
      %dma_wait3A_92 = tpu.memref_slice %arg7[%add3A_18, %dma_wait3A_91] : memref<10240x128xf32, #tpu.memory_space<vmem_shared>> -> memref<128x128xf32, #tpu.memory_space<vmem_shared>>
      %dma_wait3A_93 = arith.constant 0 : i32
      %dma_wait3A_94 = tpu.memref_slice %arg7[%add3A_18, %dma_wait3A_93] : memref<10240x128xf32, #tpu.memory_space<vmem_shared>> -> memref<128x128xf32, #tpu.memory_space<vmem_shared>>
      tpu.wait_dma2 semaphore(%run_scoped3A_86 : memref<!tpu.dma_semaphore, #tpu.memory_space<semaphore_mem>>) src(%arg10 : memref<128x128xf32, #tpu.memory_space<vmem>>) dst(%dma_wait3A_94 : memref<128x128xf32, #tpu.memory_space<vmem_shared>>)
      tpu.yield
    }) : () -> ()
    %barrier3A = arith.constant 0 : index
    tpu.barrier barrier_id(%barrier3A)
    %broadcast_in_dim3A_19 = arith.constant 1.000000e+00 : f32
    %broadcast_in_dim3A_20 = vector.broadcast %broadcast_in_dim3A_19 : f32 to vector<16xf32>
    %scan3A_21 = arith.constant 0 : i32
    %scan3A_22 = arith.constant 0 : i32
    %scan3A_23 = arith.constant 128 : i32
    %scan3A_24 = arith.addi %scan3A_22, %scan3A_23 : i32
    %scan3A_25 = arith.constant 1 : i32
    scf.for %scan3A_86 = %scan3A_22 to %scan3A_24 step %scan3A_25  : i32 {
      %swap3A = arith.index_cast %scan3A_86 : i32 to index
      %swap3A_87 = arith.constant 0 : index
      %swap3A_88 = tpu.vector_load %arg10[%swap3A, %swap3A_87] {strides = array<i32>} : memref<128x128xf32, #tpu.memory_space<vmem>>, vector<1x16xf32>,
      %swap3A_89 = vector.shape_cast %swap3A_88 : vector<1x16xf32> to vector<16xf32>
      %swap3A_90 = vector.shape_cast %broadcast_in_dim3A_20 : vector<16xf32> to vector<1x16xf32>
      tpu.vector_store %arg10[%swap3A, %swap3A_87], %swap3A_90 {strides = array<i32>} : memref<128x128xf32, #tpu.memory_space<vmem>>, vector<1x16xf32>,
      %swap3A_91 = arith.index_cast %scan3A_86 : i32 to index
      %swap3A_92 = arith.constant 16 : index
      %swap3A_93 = tpu.vector_load %arg10[%swap3A_91, %swap3A_92] {strides = array<i32>} : memref<128x128xf32, #tpu.memory_space<vmem>>, vector<1x16xf32>,
      %swap3A_94 = vector.shape_cast %swap3A_93 : vector<1x16xf32> to vector<16xf32>
      %swap3A_95 = vector.shape_cast %broadcast_in_dim3A_20 : vector<16xf32> to vector<1x16xf32>
      tpu.vector_store %arg10[%swap3A_91, %swap3A_92], %swap3A_95 {strides = array<i32>} : memref<128x128xf32, #tpu.memory_space<vmem>>, vector<1x16xf32>,
      %swap3A_96 = arith.index_cast %scan3A_86 : i32 to index
      %swap3A_97 = arith.constant 32 : index
      %swap3A_98 = tpu.vector_load %arg10[%swap3A_96, %swap3A_97] {strides = array<i32>} : memref<128x128xf32, #tpu.memory_space<vmem>>, vector<1x16xf32>,
      %swap3A_99 = vector.shape_cast %swap3A_98 : vector<1x16xf32> to vector<16xf32>
      %swap3A_100 = vector.shape_cast %broadcast_in_dim3A_20 : vector<16xf32> to vector<1x16xf32>
      tpu.vector_store %arg10[%swap3A_96, %swap3A_97], %swap3A_100 {strides = array<i32>} : memref<128x128xf32, #tpu.memory_space<vmem>>, vector<1x16xf32>,
      %swap3A_101 = arith.index_cast %scan3A_86 : i32 to index
      %swap3A_102 = arith.constant 48 : index
      %swap3A_103 = tpu.vector_load %arg10[%swap3A_101, %swap3A_102] {strides = array<i32>} : memref<128x128xf32, #tpu.memory_space<vmem>>, vector<1x16xf32>,
      %swap3A_104 = vector.shape_cast %swap3A_103 : vector<1x16xf32> to vector<16xf32>
      %swap3A_105 = vector.shape_cast %broadcast_in_dim3A_20 : vector<16xf32> to vector<1x16xf32>
      tpu.vector_store %arg10[%swap3A_101, %swap3A_102], %swap3A_105 {strides = array<i32>} : memref<128x128xf32, #tpu.memory_space<vmem>>, vector<1x16xf32>,
      %swap3A_106 = arith.index_cast %scan3A_86 : i32 to index
      %swap3A_107 = arith.constant 64 : index
      %swap3A_108 = tpu.vector_load %arg10[%swap3A_106, %swap3A_107] {strides = array<i32>} : memref<128x128xf32, #tpu.memory_space<vmem>>, vector<1x16xf32>,
      %swap3A_109 = vector.shape_cast %swap3A_108 : vector<1x16xf32> to vector<16xf32>
      %swap3A_110 = vector.shape_cast %broadcast_in_dim3A_20 : vector<16xf32> to vector<1x16xf32>
      tpu.vector_store %arg10[%swap3A_106, %swap3A_107], %swap3A_110 {strides = array<i32>} : memref<128x128xf32, #tpu.memory_space<vmem>>, vector<1x16xf32>,
      %swap3A_111 = arith.index_cast %scan3A_86 : i32 to index
      %swap3A_112 = arith.constant 80 : index
      %swap3A_113 = tpu.vector_load %arg10[%swap3A_111, %swap3A_112] {strides = array<i32>} : memref<128x128xf32, #tpu.memory_space<vmem>>, vector<1x16xf32>,
      %swap3A_114 = vector.shape_cast %swap3A_113 : vector<1x16xf32> to vector<16xf32>
      %swap3A_115 = vector.shape_cast %broadcast_in_dim3A_20 : vector<16xf32> to vector<1x16xf32>
      tpu.vector_store %arg10[%swap3A_111, %swap3A_112], %swap3A_115 {strides = array<i32>} : memref<128x128xf32, #tpu.memory_space<vmem>>, vector<1x16xf32>,
      %swap3A_116 = arith.index_cast %scan3A_86 : i32 to index
      %swap3A_117 = arith.constant 96 : index
      %swap3A_118 = tpu.vector_load %arg10[%swap3A_116, %swap3A_117] {strides = array<i32>} : memref<128x128xf32, #tpu.memory_space<vmem>>, vector<1x16xf32>,
      %swap3A_119 = vector.shape_cast %swap3A_118 : vector<1x16xf32> to vector<16xf32>
      %swap3A_120 = vector.shape_cast %broadcast_in_dim3A_20 : vector<16xf32> to vector<1x16xf32>
      tpu.vector_store %arg10[%swap3A_116, %swap3A_117], %swap3A_120 {strides = array<i32>} : memref<128x128xf32, #tpu.memory_space<vmem>>, vector<1x16xf32>,
      %swap3A_121 = arith.index_cast %scan3A_86 : i32 to index
      %swap3A_122 = arith.constant 112 : index
      %swap3A_123 = tpu.vector_load %arg10[%swap3A_121, %swap3A_122] {strides = array<i32>} : memref<128x128xf32, #tpu.memory_space<vmem>>, vector<1x16xf32>,
      %swap3A_124 = vector.shape_cast %swap3A_123 : vector<1x16xf32> to vector<16xf32>
      %swap3A_125 = vector.shape_cast %broadcast_in_dim3A_20 : vector<16xf32> to vector<1x16xf32>
      tpu.vector_store %arg10[%swap3A_121, %swap3A_122], %swap3A_125 {strides = array<i32>} : memref<128x128xf32, #tpu.memory_space<vmem>>, vector<1x16xf32>,
    }
    %scan3A_26 = arith.constant 128 : i32
    %min3A = arith.constant 0 : i32
    %min3A_27 = arith.constant 77 : i32
    %min3A_28 = arith.minsi %min3A, %min3A_27 : i32
    %run_scoped3A = arith.constant 0 : i32
    "tpu.region"() ({
      %run_scoped3A_86 = tpu.sem_alloc : memref<!tpu.dma_semaphore, #tpu.memory_space<semaphore_mem>>
      %dma_start3A_87 = arith.constant 0 : i32
      %dma_start3A_88 = arith.constant 0 : i32
      %dma_start3A_89 = tpu.memref_slice %arg8[%run_scoped3A, %dma_start3A_87, %dma_start3A_88] : memref<3x2x128xi32, #tpu.memory_space<vmem>> -> memref<1x2x128xi32, #tpu.memory_space<vmem>>
      %dma_start3A_90 = tpu.memref_squeeze %dma_start3A_89 : memref<1x2x128xi32, #tpu.memory_space<vmem>> -> memref<2x128xi32, #tpu.memory_space<vmem>>
      %dma_start3A_91 = arith.constant 0 : i32
      %dma_start3A_92 = arith.constant 0 : i32
      %dma_start3A_93 = tpu.memref_slice %arg3[%add3A, %min3A_28, %dma_start3A_91, %dma_start3A_92] : memref<32x78x2x128xi32, #tpu.memory_space<hbm>> -> memref<1x1x2x128xi32, #tpu.memory_space<hbm>>
      %dma_start3A_94 = tpu.memref_squeeze %dma_start3A_93 : memref<1x1x2x128xi32, #tpu.memory_space<hbm>> -> memref<2x128xi32, #tpu.memory_space<hbm>>
      %dma_start3A_95 = arith.constant 0 : i32
      %dma_start3A_96 = arith.constant 0 : i32
      %dma_start3A_97 = tpu.memref_slice %arg8[%run_scoped3A, %dma_start3A_95, %dma_start3A_96] : memref<3x2x128xi32, #tpu.memory_space<vmem>> -> memref<1x2x128xi32, #tpu.memory_space<vmem>>
      %dma_start3A_98 = tpu.memref_squeeze %dma_start3A_97 : memref<1x2x128xi32, #tpu.memory_space<vmem>> -> memref<2x128xi32, #tpu.memory_space<vmem>>
      %dma_start3A_99 = arith.constant 0 : i32
      %dma_start3A_100 = arith.constant 0 : i32
      %dma_start3A_101 = tpu.memref_slice %arg3[%add3A, %min3A_28, %dma_start3A_99, %dma_start3A_100] : memref<32x78x2x128xi32, #tpu.memory_space<hbm>> -> memref<1x1x2x128xi32, #tpu.memory_space<hbm>>
      %dma_start3A_102 = tpu.memref_squeeze %dma_start3A_101 : memref<1x1x2x128xi32, #tpu.memory_space<hbm>> -> memref<2x128xi32, #tpu.memory_space<hbm>>
      tpu.enqueue_dma source(%dma_start3A_102 : memref<2x128xi32, #tpu.memory_space<hbm>>) target(%dma_start3A_98 : memref<2x128xi32, #tpu.memory_space<vmem>>) target_semaphore(%run_scoped3A_86 : memref<!tpu.dma_semaphore, #tpu.memory_space<semaphore_mem>>)
      %dma_wait3A_103 = arith.constant 0 : i32
      %dma_wait3A_104 = arith.constant 0 : i32
      %dma_wait3A_105 = tpu.memref_slice %arg8[%run_scoped3A, %dma_wait3A_103, %dma_wait3A_104] : memref<3x2x128xi32, #tpu.memory_space<vmem>> -> memref<1x2x128xi32, #tpu.memory_space<vmem>>
      %dma_wait3A_106 = tpu.memref_squeeze %dma_wait3A_105 : memref<1x2x128xi32, #tpu.memory_space<vmem>> -> memref<2x128xi32, #tpu.memory_space<vmem>>
      %dma_wait3A_107 = arith.constant 0 : i32
      %dma_wait3A_108 = arith.constant 0 : i32
      %dma_wait3A_109 = tpu.memref_slice %arg3[%add3A, %min3A_28, %dma_wait3A_107, %dma_wait3A_108] : memref<32x78x2x128xi32, #tpu.memory_space<hbm>> -> memref<1x1x2x128xi32, #tpu.memory_space<hbm>>
      %dma_wait3A_110 = tpu.memref_squeeze %dma_wait3A_109 : memref<1x1x2x128xi32, #tpu.memory_space<hbm>> -> memref<2x128xi32, #tpu.memory_space<hbm>>
      %dma_wait3A_111 = arith.constant 0 : i32
      %dma_wait3A_112 = arith.constant 0 : i32
      %dma_wait3A_113 = tpu.memref_slice %arg8[%run_scoped3A, %dma_wait3A_111, %dma_wait3A_112] : memref<3x2x128xi32, #tpu.memory_space<vmem>> -> memref<1x2x128xi32, #tpu.memory_space<vmem>>
      %dma_wait3A_114 = tpu.memref_squeeze %dma_wait3A_113 : memref<1x2x128xi32, #tpu.memory_space<vmem>> -> memref<2x128xi32, #tpu.memory_space<vmem>>
      %dma_wait3A_115 = arith.constant 0 : i32
      %dma_wait3A_116 = arith.constant 0 : i32
      %dma_wait3A_117 = tpu.memref_slice %arg3[%add3A, %min3A_28, %dma_wait3A_115, %dma_wait3A_116] : memref<32x78x2x128xi32, #tpu.memory_space<hbm>> -> memref<1x1x2x128xi32, #tpu.memory_space<hbm>>
      %dma_wait3A_118 = tpu.memref_squeeze %dma_wait3A_117 : memref<1x1x2x128xi32, #tpu.memory_space<hbm>> -> memref<2x128xi32, #tpu.memory_space<hbm>>
      tpu.wait_dma2 semaphore(%run_scoped3A_86 : memref<!tpu.dma_semaphore, #tpu.memory_space<semaphore_mem>>) src(%dma_wait3A_118 : memref<2x128xi32, #tpu.memory_space<hbm>>) dst(%dma_wait3A_114 : memref<2x128xi32, #tpu.memory_space<vmem>>)
      tpu.yield
    }) : () -> ()
    %scan3A_29 = arith.constant 0 : i32
    %scan3A_30 = arith.constant 0 : i32
    %scan3A_31 = arith.constant 39 : i32
    %scan3A_32 = arith.addi %scan3A_30, %scan3A_31 : i32
    %scan3A_33 = arith.constant 1 : i32
    scf.for %scan3A_86 = %scan3A_30 to %scan3A_32 step %scan3A_33  : i32 {
      %mul3A_87 = arith.constant 2 : i32
      %mul3A_88 = arith.muli %mul3A_87, %scan3A_86 : i32
      %add3A_89 = arith.constant 0 : i32
      %add3A_90 = arith.addi %mul3A_88, %add3A_89 : i32
      %dma_start3A_91 = arith.constant 0 : i32
      %dma_start3A_92 = arith.constant 1 : i32
      %dma_start3A_93 = arith.constant 0 : i32
      %dma_start3A_94 = tpu.memref_slice %arg8[%dma_start3A_91, %dma_start3A_92, %dma_start3A_93] : memref<3x2x128xi32, #tpu.memory_space<vmem>> -> memref<1x1x128xi32, #tpu.memory_space<vmem>>
      %dma_start3A_95 = tpu.memref_squeeze %dma_start3A_94 : memref<1x1x128xi32, #tpu.memory_space<vmem>> -> memref<128xi32, #tpu.memory_space<vmem>>
      %dma_start3A_96 = arith.constant 0 : i32
      %dma_start3A_97 = arith.constant 0 : i32
      %dma_start3A_98 = tpu.memref_slice %arg7[%dma_start3A_96, %dma_start3A_97] : memref<10240x128xf32, #tpu.memory_space<vmem_shared>> -> memref<10240x128xf32, #tpu.memory_space<vmem_shared>>
      tpu.enqueue_indirect_dma source(%arg10 : memref<128x128xf32, #tpu.memory_space<vmem>>) target(%dma_start3A_98 : memref<10240x128xf32, #tpu.memory_space<vmem_shared>>) offsets(%dma_start3A_95 : memref<128xi32, #tpu.memory_space<vmem>>) semaphore(%arg13 : memref<!tpu.dma_semaphore, #tpu.memory_space<semaphore_mem>>) {add = true}
      %add3A_99 = arith.constant 1 : i32
      %add3A_100 = arith.addi %add3A_90, %add3A_99 : i32
      %min3A_101 = arith.constant 77 : i32
      %min3A_102 = arith.minsi %add3A_100, %min3A_101 : i32
      %run_scoped3A_103 = arith.constant 1 : i32
      "tpu.region"() ({
        %run_scoped3A_137 = tpu.sem_alloc : memref<!tpu.dma_semaphore, #tpu.memory_space<semaphore_mem>>
        %dma_start3A_138 = arith.constant 0 : i32
        %dma_start3A_139 = arith.constant 0 : i32
        %dma_start3A_140 = tpu.memref_slice %arg8[%run_scoped3A_103, %dma_start3A_138, %dma_start3A_139] : memref<3x2x128xi32, #tpu.memory_space<vmem>> -> memref<1x2x128xi32, #tpu.memory_space<vmem>>
        %dma_start3A_141 = tpu.memref_squeeze %dma_start3A_140 : memref<1x2x128xi32, #tpu.memory_space<vmem>> -> memref<2x128xi32, #tpu.memory_space<vmem>>
        %dma_start3A_142 = arith.constant 0 : i32
        %dma_start3A_143 = arith.constant 0 : i32
        %dma_start3A_144 = tpu.memref_slice %arg3[%add3A, %min3A_102, %dma_start3A_142, %dma_start3A_143] : memref<32x78x2x128xi32, #tpu.memory_space<hbm>> -> memref<1x1x2x128xi32, #tpu.memory_space<hbm>>
        %dma_start3A_145 = tpu.memref_squeeze %dma_start3A_144 : memref<1x1x2x128xi32, #tpu.memory_space<hbm>> -> memref<2x128xi32, #tpu.memory_space<hbm>>
        %dma_start3A_146 = arith.constant 0 : i32
        %dma_start3A_147 = arith.constant 0 : i32
        %dma_start3A_148 = tpu.memref_slice %arg8[%run_scoped3A_103, %dma_start3A_146, %dma_start3A_147] : memref<3x2x128xi32, #tpu.memory_space<vmem>> -> memref<1x2x128xi32, #tpu.memory_space<vmem>>
        %dma_start3A_149 = tpu.memref_squeeze %dma_start3A_148 : memref<1x2x128xi32, #tpu.memory_space<vmem>> -> memref<2x128xi32, #tpu.memory_space<vmem>>
        %dma_start3A_150 = arith.constant 0 : i32
        %dma_start3A_151 = arith.constant 0 : i32
        %dma_start3A_152 = tpu.memref_slice %arg3[%add3A, %min3A_102, %dma_start3A_150, %dma_start3A_151] : memref<32x78x2x128xi32, #tpu.memory_space<hbm>> -> memref<1x1x2x128xi32, #tpu.memory_space<hbm>>
        %dma_start3A_153 = tpu.memref_squeeze %dma_start3A_152 : memref<1x1x2x128xi32, #tpu.memory_space<hbm>> -> memref<2x128xi32, #tpu.memory_space<hbm>>
        tpu.enqueue_dma source(%dma_start3A_153 : memref<2x128xi32, #tpu.memory_space<hbm>>) target(%dma_start3A_149 : memref<2x128xi32, #tpu.memory_space<vmem>>) target_semaphore(%run_scoped3A_137 : memref<!tpu.dma_semaphore, #tpu.memory_space<semaphore_mem>>)
        %dma_wait3A_154 = arith.constant 0 : i32
        %dma_wait3A_155 = arith.constant 0 : i32
        %dma_wait3A_156 = tpu.memref_slice %arg8[%run_scoped3A_103, %dma_wait3A_154, %dma_wait3A_155] : memref<3x2x128xi32, #tpu.memory_space<vmem>> -> memref<1x2x128xi32, #tpu.memory_space<vmem>>
        %dma_wait3A_157 = tpu.memref_squeeze %dma_wait3A_156 : memref<1x2x128xi32, #tpu.memory_space<vmem>> -> memref<2x128xi32, #tpu.memory_space<vmem>>
        %dma_wait3A_158 = arith.constant 0 : i32
        %dma_wait3A_159 = arith.constant 0 : i32
        %dma_wait3A_160 = tpu.memref_slice %arg3[%add3A, %min3A_102, %dma_wait3A_158, %dma_wait3A_159] : memref<32x78x2x128xi32, #tpu.memory_space<hbm>> -> memref<1x1x2x128xi32, #tpu.memory_space<hbm>>
        %dma_wait3A_161 = tpu.memref_squeeze %dma_wait3A_160 : memref<1x1x2x128xi32, #tpu.memory_space<hbm>> -> memref<2x128xi32, #tpu.memory_space<hbm>>
        %dma_wait3A_162 = arith.constant 0 : i32
        %dma_wait3A_163 = arith.constant 0 : i32
        %dma_wait3A_164 = tpu.memref_slice %arg8[%run_scoped3A_103, %dma_wait3A_162, %dma_wait3A_163] : memref<3x2x128xi32, #tpu.memory_space<vmem>> -> memref<1x2x128xi32, #tpu.memory_space<vmem>>
        %dma_wait3A_165 = tpu.memref_squeeze %dma_wait3A_164 : memref<1x2x128xi32, #tpu.memory_space<vmem>> -> memref<2x128xi32, #tpu.memory_space<vmem>>
        %dma_wait3A_166 = arith.constant 0 : i32
        %dma_wait3A_167 = arith.constant 0 : i32
        %dma_wait3A_168 = tpu.memref_slice %arg3[%add3A, %min3A_102, %dma_wait3A_166, %dma_wait3A_167] : memref<32x78x2x128xi32, #tpu.memory_space<hbm>> -> memref<1x1x2x128xi32, #tpu.memory_space<hbm>>
        %dma_wait3A_169 = tpu.memref_squeeze %dma_wait3A_168 : memref<1x1x2x128xi32, #tpu.memory_space<hbm>> -> memref<2x128xi32, #tpu.memory_space<hbm>>
        tpu.wait_dma2 semaphore(%run_scoped3A_137 : memref<!tpu.dma_semaphore, #tpu.memory_space<semaphore_mem>>) src(%dma_wait3A_169 : memref<2x128xi32, #tpu.memory_space<hbm>>) dst(%dma_wait3A_165 : memref<2x128xi32, #tpu.memory_space<vmem>>)
        tpu.yield
      }) : () -> ()
      %dma_wait3A_104 = arith.constant 0 : i32
      %dma_wait3A_105 = arith.constant 1 : i32
      %dma_wait3A_106 = arith.constant 0 : i32
      %dma_wait3A_107 = tpu.memref_slice %arg8[%dma_wait3A_104, %dma_wait3A_105, %dma_wait3A_106] : memref<3x2x128xi32, #tpu.memory_space<vmem>> -> memref<1x1x128xi32, #tpu.memory_space<vmem>>
      %dma_wait3A_108 = tpu.memref_squeeze %dma_wait3A_107 : memref<1x1x128xi32, #tpu.memory_space<vmem>> -> memref<128xi32, #tpu.memory_space<vmem>>
      %dma_wait3A_109 = arith.constant 0 : i32
      %dma_wait3A_110 = arith.constant 0 : i32
      %dma_wait3A_111 = tpu.memref_slice %arg7[%dma_wait3A_109, %dma_wait3A_110] : memref<10240x128xf32, #tpu.memory_space<vmem_shared>> -> memref<10240x128xf32, #tpu.memory_space<vmem_shared>>
      tpu.wait_indirect_dma semaphore(%arg13 : memref<!tpu.dma_semaphore, #tpu.memory_space<semaphore_mem>>) src(%arg10 : memref<128x128xf32, #tpu.memory_space<vmem>>) dst(%dma_wait3A_111 : memref<10240x128xf32, #tpu.memory_space<vmem_shared>>)
      %mul3A_112 = arith.constant 2 : i32
      %mul3A_113 = arith.muli %mul3A_112, %scan3A_86 : i32
      %add3A_114 = arith.constant 1 : i32
      %add3A_115 = arith.addi %mul3A_113, %add3A_114 : i32
      %dma_start3A_116 = arith.constant 1 : i32
      %dma_start3A_117 = arith.constant 1 : i32
      %dma_start3A_118 = arith.constant 0 : i32
      %dma_start3A_119 = tpu.memref_slice %arg8[%dma_start3A_116, %dma_start3A_117, %dma_start3A_118] : memref<3x2x128xi32, #tpu.memory_space<vmem>> -> memref<1x1x128xi32, #tpu.memory_space<vmem>>
      %dma_start3A_120 = tpu.memref_squeeze %dma_start3A_119 : memref<1x1x128xi32, #tpu.memory_space<vmem>> -> memref<128xi32, #tpu.memory_space<vmem>>
      %dma_start3A_121 = arith.constant 0 : i32
      %dma_start3A_122 = arith.constant 0 : i32
      %dma_start3A_123 = tpu.memref_slice %arg7[%dma_start3A_121, %dma_start3A_122] : memref<10240x128xf32, #tpu.memory_space<vmem_shared>> -> memref<10240x128xf32, #tpu.memory_space<vmem_shared>>
      tpu.enqueue_indirect_dma source(%arg10 : memref<128x128xf32, #tpu.memory_space<vmem>>) target(%dma_start3A_123 : memref<10240x128xf32, #tpu.memory_space<vmem_shared>>) offsets(%dma_start3A_120 : memref<128xi32, #tpu.memory_space<vmem>>) semaphore(%arg13 : memref<!tpu.dma_semaphore, #tpu.memory_space<semaphore_mem>>) {add = true}
      %add3A_124 = arith.constant 1 : i32
      %add3A_125 = arith.addi %add3A_115, %add3A_124 : i32
      %min3A_126 = arith.constant 77 : i32
      %min3A_127 = arith.minsi %add3A_125, %min3A_126 : i32
      %run_scoped3A_128 = arith.constant 0 : i32
      "tpu.region"() ({
        %run_scoped3A_137 = tpu.sem_alloc : memref<!tpu.dma_semaphore, #tpu.memory_space<semaphore_mem>>
        %dma_start3A_138 = arith.constant 0 : i32
        %dma_start3A_139 = arith.constant 0 : i32
        %dma_start3A_140 = tpu.memref_slice %arg8[%run_scoped3A_128, %dma_start3A_138, %dma_start3A_139] : memref<3x2x128xi32, #tpu.memory_space<vmem>> -> memref<1x2x128xi32, #tpu.memory_space<vmem>>
        %dma_start3A_141 = tpu.memref_squeeze %dma_start3A_140 : memref<1x2x128xi32, #tpu.memory_space<vmem>> -> memref<2x128xi32, #tpu.memory_space<vmem>>
        %dma_start3A_142 = arith.constant 0 : i32
        %dma_start3A_143 = arith.constant 0 : i32
        %dma_start3A_144 = tpu.memref_slice %arg3[%add3A, %min3A_127, %dma_start3A_142, %dma_start3A_143] : memref<32x78x2x128xi32, #tpu.memory_space<hbm>> -> memref<1x1x2x128xi32, #tpu.memory_space<hbm>>
        %dma_start3A_145 = tpu.memref_squeeze %dma_start3A_144 : memref<1x1x2x128xi32, #tpu.memory_space<hbm>> -> memref<2x128xi32, #tpu.memory_space<hbm>>
        %dma_start3A_146 = arith.constant 0 : i32
        %dma_start3A_147 = arith.constant 0 : i32
        %dma_start3A_148 = tpu.memref_slice %arg8[%run_scoped3A_128, %dma_start3A_146, %dma_start3A_147] : memref<3x2x128xi32, #tpu.memory_space<vmem>> -> memref<1x2x128xi32, #tpu.memory_space<vmem>>
        %dma_start3A_149 = tpu.memref_squeeze %dma_start3A_148 : memref<1x2x128xi32, #tpu.memory_space<vmem>> -> memref<2x128xi32, #tpu.memory_space<vmem>>
        %dma_start3A_150 = arith.constant 0 : i32
        %dma_start3A_151 = arith.constant 0 : i32
        %dma_start3A_152 = tpu.memref_slice %arg3[%add3A, %min3A_127, %dma_start3A_150, %dma_start3A_151] : memref<32x78x2x128xi32, #tpu.memory_space<hbm>> -> memref<1x1x2x128xi32, #tpu.memory_space<hbm>>
        %dma_start3A_153 = tpu.memref_squeeze %dma_start3A_152 : memref<1x1x2x128xi32, #tpu.memory_space<hbm>> -> memref<2x128xi32, #tpu.memory_space<hbm>>
        tpu.enqueue_dma source(%dma_start3A_153 : memref<2x128xi32, #tpu.memory_space<hbm>>) target(%dma_start3A_149 : memref<2x128xi32, #tpu.memory_space<vmem>>) target_semaphore(%run_scoped3A_137 : memref<!tpu.dma_semaphore, #tpu.memory_space<semaphore_mem>>)
        %dma_wait3A_154 = arith.constant 0 : i32
        %dma_wait3A_155 = arith.constant 0 : i32
        %dma_wait3A_156 = tpu.memref_slice %arg8[%run_scoped3A_128, %dma_wait3A_154, %dma_wait3A_155] : memref<3x2x128xi32, #tpu.memory_space<vmem>> -> memref<1x2x128xi32, #tpu.memory_space<vmem>>
        %dma_wait3A_157 = tpu.memref_squeeze %dma_wait3A_156 : memref<1x2x128xi32, #tpu.memory_space<vmem>> -> memref<2x128xi32, #tpu.memory_space<vmem>>
        %dma_wait3A_158 = arith.constant 0 : i32
        %dma_wait3A_159 = arith.constant 0 : i32
        %dma_wait3A_160 = tpu.memref_slice %arg3[%add3A, %min3A_127, %dma_wait3A_158, %dma_wait3A_159] : memref<32x78x2x128xi32, #tpu.memory_space<hbm>> -> memref<1x1x2x128xi32, #tpu.memory_space<hbm>>
        %dma_wait3A_161 = tpu.memref_squeeze %dma_wait3A_160 : memref<1x1x2x128xi32, #tpu.memory_space<hbm>> -> memref<2x128xi32, #tpu.memory_space<hbm>>
        %dma_wait3A_162 = arith.constant 0 : i32
        %dma_wait3A_163 = arith.constant 0 : i32
        %dma_wait3A_164 = tpu.memref_slice %arg8[%run_scoped3A_128, %dma_wait3A_162, %dma_wait3A_163] : memref<3x2x128xi32, #tpu.memory_space<vmem>> -> memref<1x2x128xi32, #tpu.memory_space<vmem>>
        %dma_wait3A_165 = tpu.memref_squeeze %dma_wait3A_164 : memref<1x2x128xi32, #tpu.memory_space<vmem>> -> memref<2x128xi32, #tpu.memory_space<vmem>>
        %dma_wait3A_166 = arith.constant 0 : i32
        %dma_wait3A_167 = arith.constant 0 : i32
        %dma_wait3A_168 = tpu.memref_slice %arg3[%add3A, %min3A_127, %dma_wait3A_166, %dma_wait3A_167] : memref<32x78x2x128xi32, #tpu.memory_space<hbm>> -> memref<1x1x2x128xi32, #tpu.memory_space<hbm>>
        %dma_wait3A_169 = tpu.memref_squeeze %dma_wait3A_168 : memref<1x1x2x128xi32, #tpu.memory_space<hbm>> -> memref<2x128xi32, #tpu.memory_space<hbm>>
        tpu.wait_dma2 semaphore(%run_scoped3A_137 : memref<!tpu.dma_semaphore, #tpu.memory_space<semaphore_mem>>) src(%dma_wait3A_169 : memref<2x128xi32, #tpu.memory_space<hbm>>) dst(%dma_wait3A_165 : memref<2x128xi32, #tpu.memory_space<vmem>>)
        tpu.yield
      }) : () -> ()
      %dma_wait3A_129 = arith.constant 1 : i32
      %dma_wait3A_130 = arith.constant 1 : i32
      %dma_wait3A_131 = arith.constant 0 : i32
      %dma_wait3A_132 = tpu.memref_slice %arg8[%dma_wait3A_129, %dma_wait3A_130, %dma_wait3A_131] : memref<3x2x128xi32, #tpu.memory_space<vmem>> -> memref<1x1x128xi32, #tpu.memory_space<vmem>>
      %dma_wait3A_133 = tpu.memref_squeeze %dma_wait3A_132 : memref<1x1x128xi32, #tpu.memory_space<vmem>> -> memref<128xi32, #tpu.memory_space<vmem>>
      %dma_wait3A_134 = arith.constant 0 : i32
      %dma_wait3A_135 = arith.constant 0 : i32
      %dma_wait3A_136 = tpu.memref_slice %arg7[%dma_wait3A_134, %dma_wait3A_135] : memref<10240x128xf32, #tpu.memory_space<vmem_shared>> -> memref<10240x128xf32, #tpu.memory_space<vmem_shared>>
      tpu.wait_indirect_dma semaphore(%arg13 : memref<!tpu.dma_semaphore, #tpu.memory_space<semaphore_mem>>) src(%arg10 : memref<128x128xf32, #tpu.memory_space<vmem>>) dst(%dma_wait3A_136 : memref<10240x128xf32, #tpu.memory_space<vmem_shared>>)
    }
    %scan3A_34 = arith.constant 39 : i32
    "tpu.region"() ({
      %run_scoped3A_86 = tpu.sem_alloc : memref<!tpu.dma_semaphore, #tpu.memory_space<semaphore_mem>>
      %dma_start3A_87 = arith.constant 0 : i32
      %dma_start3A_88 = arith.constant 0 : i32
      %dma_start3A_89 = tpu.memref_slice %arg4[%add3A, %dma_start3A_87, %dma_start3A_88] : memref<32x2x16xi32, #tpu.memory_space<hbm>> -> memref<1x2x16xi32, #tpu.memory_space<hbm>>
      %dma_start3A_90 = tpu.memref_squeeze %dma_start3A_89 : memref<1x2x16xi32, #tpu.memory_space<hbm>> -> memref<2x16xi32, #tpu.memory_space<hbm>>
      %dma_start3A_91 = arith.constant 0 : i32
      %dma_start3A_92 = arith.constant 0 : i32
      %dma_start3A_93 = tpu.memref_slice %arg4[%add3A, %dma_start3A_91, %dma_start3A_92] : memref<32x2x16xi32, #tpu.memory_space<hbm>> -> memref<1x2x16xi32, #tpu.memory_space<hbm>>
      %dma_start3A_94 = tpu.memref_squeeze %dma_start3A_93 : memref<1x2x16xi32, #tpu.memory_space<hbm>> -> memref<2x16xi32, #tpu.memory_space<hbm>>
      tpu.enqueue_dma source(%dma_start3A_94 : memref<2x16xi32, #tpu.memory_space<hbm>>) target(%arg9 : memref<2x16xi32, #tpu.memory_space<vmem>>) target_semaphore(%run_scoped3A_86 : memref<!tpu.dma_semaphore, #tpu.memory_space<semaphore_mem>>)
      %dma_wait3A_95 = arith.constant 0 : i32
      %dma_wait3A_96 = arith.constant 0 : i32
      %dma_wait3A_97 = tpu.memref_slice %arg4[%add3A, %dma_wait3A_95, %dma_wait3A_96] : memref<32x2x16xi32, #tpu.memory_space<hbm>> -> memref<1x2x16xi32, #tpu.memory_space<hbm>>
      %dma_wait3A_98 = tpu.memref_squeeze %dma_wait3A_97 : memref<1x2x16xi32, #tpu.memory_space<hbm>> -> memref<2x16xi32, #tpu.memory_space<hbm>>
      %dma_wait3A_99 = arith.constant 0 : i32
      %dma_wait3A_100 = arith.constant 0 : i32
      %dma_wait3A_101 = tpu.memref_slice %arg4[%add3A, %dma_wait3A_99, %dma_wait3A_100] : memref<32x2x16xi32, #tpu.memory_space<hbm>> -> memref<1x2x16xi32, #tpu.memory_space<hbm>>
      %dma_wait3A_102 = tpu.memref_squeeze %dma_wait3A_101 : memref<1x2x16xi32, #tpu.memory_space<hbm>> -> memref<2x16xi32, #tpu.memory_space<hbm>>
      tpu.wait_dma2 semaphore(%run_scoped3A_86 : memref<!tpu.dma_semaphore, #tpu.memory_space<semaphore_mem>>) src(%dma_wait3A_102 : memref<2x16xi32, #tpu.memory_space<hbm>>) dst(%arg9 : memref<2x16xi32, #tpu.memory_space<vmem>>)
      tpu.yield
    }) : () -> ()
    %run_scoped3A_35 = arith.constant 1 : i32
    "tpu.region"() ({
      %run_scoped3A_86 = tpu.sem_alloc : memref<!tpu.dma_semaphore, #tpu.memory_space<semaphore_mem>>
      %dma_start3A_87 = arith.constant 0 : i32
      %dma_start3A_88 = arith.constant 0 : i32
      %dma_start3A_89 = tpu.memref_slice %arg10[%dma_start3A_87, %dma_start3A_88] : memref<128x128xf32, #tpu.memory_space<vmem>> -> memref<16x128xf32, #tpu.memory_space<vmem>>
      %dma_start3A_90 = arith.constant 0 : i32
      %dma_start3A_91 = tpu.memref_slice %arg9[%run_scoped3A_35, %dma_start3A_90] : memref<2x16xi32, #tpu.memory_space<vmem>> -> memref<1x16xi32, #tpu.memory_space<vmem>>
      %dma_start3A_92 = tpu.memref_squeeze %dma_start3A_91 : memref<1x16xi32, #tpu.memory_space<vmem>> -> memref<16xi32, #tpu.memory_space<vmem>>
      %dma_start3A_93 = arith.constant 0 : i32
      %dma_start3A_94 = arith.constant 0 : i32
      %dma_start3A_95 = tpu.memref_slice %arg7[%dma_start3A_93, %dma_start3A_94] : memref<10240x128xf32, #tpu.memory_space<vmem_shared>> -> memref<10240x128xf32, #tpu.memory_space<vmem_shared>>
      tpu.enqueue_indirect_dma source(%dma_start3A_89 : memref<16x128xf32, #tpu.memory_space<vmem>>) target(%dma_start3A_95 : memref<10240x128xf32, #tpu.memory_space<vmem_shared>>) offsets(%dma_start3A_92 : memref<16xi32, #tpu.memory_space<vmem>>) semaphore(%run_scoped3A_86 : memref<!tpu.dma_semaphore, #tpu.memory_space<semaphore_mem>>) {add = true}
      %dma_wait3A_96 = arith.constant 0 : i32
      %dma_wait3A_97 = arith.constant 0 : i32
      %dma_wait3A_98 = tpu.memref_slice %arg10[%dma_wait3A_96, %dma_wait3A_97] : memref<128x128xf32, #tpu.memory_space<vmem>> -> memref<16x128xf32, #tpu.memory_space<vmem>>
      %dma_wait3A_99 = arith.constant 0 : i32
      %dma_wait3A_100 = tpu.memref_slice %arg9[%run_scoped3A_35, %dma_wait3A_99] : memref<2x16xi32, #tpu.memory_space<vmem>> -> memref<1x16xi32, #tpu.memory_space<vmem>>
      %dma_wait3A_101 = tpu.memref_squeeze %dma_wait3A_100 : memref<1x16xi32, #tpu.memory_space<vmem>> -> memref<16xi32, #tpu.memory_space<vmem>>
      %dma_wait3A_102 = arith.constant 0 : i32
      %dma_wait3A_103 = arith.constant 0 : i32
      %dma_wait3A_104 = tpu.memref_slice %arg7[%dma_wait3A_102, %dma_wait3A_103] : memref<10240x128xf32, #tpu.memory_space<vmem_shared>> -> memref<10240x128xf32, #tpu.memory_space<vmem_shared>>
      tpu.wait_indirect_dma semaphore(%run_scoped3A_86 : memref<!tpu.dma_semaphore, #tpu.memory_space<semaphore_mem>>) src(%dma_wait3A_98 : memref<16x128xf32, #tpu.memory_space<vmem>>) dst(%dma_wait3A_104 : memref<10240x128xf32, #tpu.memory_space<vmem_shared>>)
      tpu.yield
    }) : () -> ()
    %barrier3A_36 = arith.constant 0 : index
    tpu.barrier barrier_id(%barrier3A_36)
    "tpu.region"() ({
      %run_scoped3A_86 = tpu.sem_alloc : memref<!tpu.dma_semaphore, #tpu.memory_space<semaphore_mem>>
      %dma_start3A_87 = arith.constant 0 : i32
      %dma_start3A_88 = tpu.memref_slice %arg6[%arg0, %mul3A_2, %dma_start3A_87] : memref<2x10240x128xf32, #tpu.memory_space<hbm>> -> memref<1x640x128xf32, #tpu.memory_space<hbm>>
      %dma_start3A_89 = tpu.memref_squeeze %dma_start3A_88 : memref<1x640x128xf32, #tpu.memory_space<hbm>> -> memref<640x128xf32, #tpu.memory_space<hbm>>
      %dma_start3A_90 = arith.constant 0 : i32
      %dma_start3A_91 = tpu.memref_slice %arg7[%mul3A_2, %dma_start3A_90] : memref<10240x128xf32, #tpu.memory_space<vmem_shared>> -> memref<640x128xf32, #tpu.memory_space<vmem_shared>>
      tpu.enqueue_dma source(%dma_start3A_91 : memref<640x128xf32, #tpu.memory_space<vmem_shared>>) target(%dma_start3A_89 : memref<640x128xf32, #tpu.memory_space<hbm>>) target_semaphore(%run_scoped3A_86 : memref<!tpu.dma_semaphore, #tpu.memory_space<semaphore_mem>>)
      %dma_wait3A_92 = arith.constant 0 : i32
      %dma_wait3A_93 = tpu.memref_slice %arg6[%arg0, %mul3A_2, %dma_wait3A_92] : memref<2x10240x128xf32, #tpu.memory_space<hbm>> -> memref<1x640x128xf32, #tpu.memory_space<hbm>>
      %dma_wait3A_94 = tpu.memref_squeeze %dma_wait3A_93 : memref<1x640x128xf32, #tpu.memory_space<hbm>> -> memref<640x128xf32, #tpu.memory_space<hbm>>
      %dma_wait3A_95 = arith.constant 0 : i32
      %dma_wait3A_96 = tpu.memref_slice %arg7[%mul3A_2, %dma_wait3A_95] : memref<10240x128xf32, #tpu.memory_space<vmem_shared>> -> memref<640x128xf32, #tpu.memory_space<vmem_shared>>
      tpu.wait_dma2 semaphore(%run_scoped3A_86 : memref<!tpu.dma_semaphore, #tpu.memory_space<semaphore_mem>>) src(%dma_wait3A_96 : memref<640x128xf32, #tpu.memory_space<vmem_shared>>) dst(%dma_wait3A_94 : memref<640x128xf32, #tpu.memory_space<hbm>>)
      tpu.yield
    }) : () -> ()
    %broadcast_in_dim3A_37 = arith.constant 0.000000e+00 : f32
    %broadcast_in_dim3A_38 = vector.broadcast %broadcast_in_dim3A_37 : f32 to vector<16xf32>
    %scan3A_39 = arith.constant 0 : i32
    %scan3A_40 = arith.constant 0 : i32
    %scan3A_41 = arith.constant 128 : i32
    %scan3A_42 = arith.addi %scan3A_40, %scan3A_41 : i32
    %scan3A_43 = arith.constant 1 : i32
    scf.for %scan3A_86 = %scan3A_40 to %scan3A_42 step %scan3A_43  : i32 {
      %swap3A = arith.index_cast %scan3A_86 : i32 to index
      %swap3A_87 = arith.constant 0 : index
      %swap3A_88 = tpu.vector_load %arg10[%swap3A, %swap3A_87] {strides = array<i32>} : memref<128x128xf32, #tpu.memory_space<vmem>>, vector<1x16xf32>,
      %swap3A_89 = vector.shape_cast %swap3A_88 : vector<1x16xf32> to vector<16xf32>
      %swap3A_90 = vector.shape_cast %broadcast_in_dim3A_38 : vector<16xf32> to vector<1x16xf32>
      tpu.vector_store %arg10[%swap3A, %swap3A_87], %swap3A_90 {strides = array<i32>} : memref<128x128xf32, #tpu.memory_space<vmem>>, vector<1x16xf32>,
      %swap3A_91 = arith.index_cast %scan3A_86 : i32 to index
      %swap3A_92 = arith.constant 16 : index
      %swap3A_93 = tpu.vector_load %arg10[%swap3A_91, %swap3A_92] {strides = array<i32>} : memref<128x128xf32, #tpu.memory_space<vmem>>, vector<1x16xf32>,
      %swap3A_94 = vector.shape_cast %swap3A_93 : vector<1x16xf32> to vector<16xf32>
      %swap3A_95 = vector.shape_cast %broadcast_in_dim3A_38 : vector<16xf32> to vector<1x16xf32>
      tpu.vector_store %arg10[%swap3A_91, %swap3A_92], %swap3A_95 {strides = array<i32>} : memref<128x128xf32, #tpu.memory_space<vmem>>, vector<1x16xf32>,
      %swap3A_96 = arith.index_cast %scan3A_86 : i32 to index
      %swap3A_97 = arith.constant 32 : index
      %swap3A_98 = tpu.vector_load %arg10[%swap3A_96, %swap3A_97] {strides = array<i32>} : memref<128x128xf32, #tpu.memory_space<vmem>>, vector<1x16xf32>,
      %swap3A_99 = vector.shape_cast %swap3A_98 : vector<1x16xf32> to vector<16xf32>
      %swap3A_100 = vector.shape_cast %broadcast_in_dim3A_38 : vector<16xf32> to vector<1x16xf32>
      tpu.vector_store %arg10[%swap3A_96, %swap3A_97], %swap3A_100 {strides = array<i32>} : memref<128x128xf32, #tpu.memory_space<vmem>>, vector<1x16xf32>,
      %swap3A_101 = arith.index_cast %scan3A_86 : i32 to index
      %swap3A_102 = arith.constant 48 : index
      %swap3A_103 = tpu.vector_load %arg10[%swap3A_101, %swap3A_102] {strides = array<i32>} : memref<128x128xf32, #tpu.memory_space<vmem>>, vector<1x16xf32>,
      %swap3A_104 = vector.shape_cast %swap3A_103 : vector<1x16xf32> to vector<16xf32>
      %swap3A_105 = vector.shape_cast %broadcast_in_dim3A_38 : vector<16xf32> to vector<1x16xf32>
      tpu.vector_store %arg10[%swap3A_101, %swap3A_102], %swap3A_105 {strides = array<i32>} : memref<128x128xf32, #tpu.memory_space<vmem>>, vector<1x16xf32>,
      %swap3A_106 = arith.index_cast %scan3A_86 : i32 to index
      %swap3A_107 = arith.constant 64 : index
      %swap3A_108 = tpu.vector_load %arg10[%swap3A_106, %swap3A_107] {strides = array<i32>} : memref<128x128xf32, #tpu.memory_space<vmem>>, vector<1x16xf32>,
      %swap3A_109 = vector.shape_cast %swap3A_108 : vector<1x16xf32> to vector<16xf32>
      %swap3A_110 = vector.shape_cast %broadcast_in_dim3A_38 : vector<16xf32> to vector<1x16xf32>
      tpu.vector_store %arg10[%swap3A_106, %swap3A_107], %swap3A_110 {strides = array<i32>} : memref<128x128xf32, #tpu.memory_space<vmem>>, vector<1x16xf32>,
      %swap3A_111 = arith.index_cast %scan3A_86 : i32 to index
      %swap3A_112 = arith.constant 80 : index
      %swap3A_113 = tpu.vector_load %arg10[%swap3A_111, %swap3A_112] {strides = array<i32>} : memref<128x128xf32, #tpu.memory_space<vmem>>, vector<1x16xf32>,
      %swap3A_114 = vector.shape_cast %swap3A_113 : vector<1x16xf32> to vector<16xf32>
      %swap3A_115 = vector.shape_cast %broadcast_in_dim3A_38 : vector<16xf32> to vector<1x16xf32>
      tpu.vector_store %arg10[%swap3A_111, %swap3A_112], %swap3A_115 {strides = array<i32>} : memref<128x128xf32, #tpu.memory_space<vmem>>, vector<1x16xf32>,
      %swap3A_116 = arith.index_cast %scan3A_86 : i32 to index
      %swap3A_117 = arith.constant 96 : index
      %swap3A_118 = tpu.vector_load %arg10[%swap3A_116, %swap3A_117] {strides = array<i32>} : memref<128x128xf32, #tpu.memory_space<vmem>>, vector<1x16xf32>,
      %swap3A_119 = vector.shape_cast %swap3A_118 : vector<1x16xf32> to vector<16xf32>
      %swap3A_120 = vector.shape_cast %broadcast_in_dim3A_38 : vector<16xf32> to vector<1x16xf32>
      tpu.vector_store %arg10[%swap3A_116, %swap3A_117], %swap3A_120 {strides = array<i32>} : memref<128x128xf32, #tpu.memory_space<vmem>>, vector<1x16xf32>,
      %swap3A_121 = arith.index_cast %scan3A_86 : i32 to index
      %swap3A_122 = arith.constant 112 : index
      %swap3A_123 = tpu.vector_load %arg10[%swap3A_121, %swap3A_122] {strides = array<i32>} : memref<128x128xf32, #tpu.memory_space<vmem>>, vector<1x16xf32>,
      %swap3A_124 = vector.shape_cast %swap3A_123 : vector<1x16xf32> to vector<16xf32>
      %swap3A_125 = vector.shape_cast %broadcast_in_dim3A_38 : vector<16xf32> to vector<1x16xf32>
      tpu.vector_store %arg10[%swap3A_121, %swap3A_122], %swap3A_125 {strides = array<i32>} : memref<128x128xf32, #tpu.memory_space<vmem>>, vector<1x16xf32>,
    }
    %scan3A_44 = arith.constant 128 : i32
    %add3A_45 = arith.constant 0 : i32
    %add3A_46 = arith.addi %mul3A_2, %add3A_45 : i32
    "tpu.region"() ({
      %run_scoped3A_86 = tpu.sem_alloc : memref<!tpu.dma_semaphore, #tpu.memory_space<semaphore_mem>>
      %dma_start3A_87 = arith.constant 0 : i32
      %dma_start3A_88 = tpu.memref_slice %arg7[%add3A_46, %dma_start3A_87] : memref<10240x128xf32, #tpu.memory_space<vmem_shared>> -> memref<128x128xf32, #tpu.memory_space<vmem_shared>>
      %dma_start3A_89 = arith.constant 0 : i32
      %dma_start3A_90 = tpu.memref_slice %arg7[%add3A_46, %dma_start3A_89] : memref<10240x128xf32, #tpu.memory_space<vmem_shared>> -> memref<128x128xf32, #tpu.memory_space<vmem_shared>>
      tpu.enqueue_dma source(%arg10 : memref<128x128xf32, #tpu.memory_space<vmem>>) target(%dma_start3A_90 : memref<128x128xf32, #tpu.memory_space<vmem_shared>>) target_semaphore(%run_scoped3A_86 : memref<!tpu.dma_semaphore, #tpu.memory_space<semaphore_mem>>)
      %dma_wait3A_91 = arith.constant 0 : i32
      %dma_wait3A_92 = tpu.memref_slice %arg7[%add3A_46, %dma_wait3A_91] : memref<10240x128xf32, #tpu.memory_space<vmem_shared>> -> memref<128x128xf32, #tpu.memory_space<vmem_shared>>
      %dma_wait3A_93 = arith.constant 0 : i32
      %dma_wait3A_94 = tpu.memref_slice %arg7[%add3A_46, %dma_wait3A_93] : memref<10240x128xf32, #tpu.memory_space<vmem_shared>> -> memref<128x128xf32, #tpu.memory_space<vmem_shared>>
      tpu.wait_dma2 semaphore(%run_scoped3A_86 : memref<!tpu.dma_semaphore, #tpu.memory_space<semaphore_mem>>) src(%arg10 : memref<128x128xf32, #tpu.memory_space<vmem>>) dst(%dma_wait3A_94 : memref<128x128xf32, #tpu.memory_space<vmem_shared>>)
      tpu.yield
    }) : () -> ()
    %add3A_47 = arith.constant 128 : i32
    %add3A_48 = arith.addi %mul3A_2, %add3A_47 : i32
    "tpu.region"() ({
      %run_scoped3A_86 = tpu.sem_alloc : memref<!tpu.dma_semaphore, #tpu.memory_space<semaphore_mem>>
      %dma_start3A_87 = arith.constant 0 : i32
      %dma_start3A_88 = tpu.memref_slice %arg7[%add3A_48, %dma_start3A_87] : memref<10240x128xf32, #tpu.memory_space<vmem_shared>> -> memref<128x128xf32, #tpu.memory_space<vmem_shared>>
      %dma_start3A_89 = arith.constant 0 : i32
      %dma_start3A_90 = tpu.memref_slice %arg7[%add3A_48, %dma_start3A_89] : memref<10240x128xf32, #tpu.memory_space<vmem_shared>> -> memref<128x128xf32, #tpu.memory_space<vmem_shared>>
      tpu.enqueue_dma source(%arg10 : memref<128x128xf32, #tpu.memory_space<vmem>>) target(%dma_start3A_90 : memref<128x128xf32, #tpu.memory_space<vmem_shared>>) target_semaphore(%run_scoped3A_86 : memref<!tpu.dma_semaphore, #tpu.memory_space<semaphore_mem>>)
      %dma_wait3A_91 = arith.constant 0 : i32
      %dma_wait3A_92 = tpu.memref_slice %arg7[%add3A_48, %dma_wait3A_91] : memref<10240x128xf32, #tpu.memory_space<vmem_shared>> -> memref<128x128xf32, #tpu.memory_space<vmem_shared>>
      %dma_wait3A_93 = arith.constant 0 : i32
      %dma_wait3A_94 = tpu.memref_slice %arg7[%add3A_48, %dma_wait3A_93] : memref<10240x128xf32, #tpu.memory_space<vmem_shared>> -> memref<128x128xf32, #tpu.memory_space<vmem_shared>>
      tpu.wait_dma2 semaphore(%run_scoped3A_86 : memref<!tpu.dma_semaphore, #tpu.memory_space<semaphore_mem>>) src(%arg10 : memref<128x128xf32, #tpu.memory_space<vmem>>) dst(%dma_wait3A_94 : memref<128x128xf32, #tpu.memory_space<vmem_shared>>)
      tpu.yield
    }) : () -> ()
    %add3A_49 = arith.constant 256 : i32
    %add3A_50 = arith.addi %mul3A_2, %add3A_49 : i32
    "tpu.region"() ({
      %run_scoped3A_86 = tpu.sem_alloc : memref<!tpu.dma_semaphore, #tpu.memory_space<semaphore_mem>>
      %dma_start3A_87 = arith.constant 0 : i32
      %dma_start3A_88 = tpu.memref_slice %arg7[%add3A_50, %dma_start3A_87] : memref<10240x128xf32, #tpu.memory_space<vmem_shared>> -> memref<128x128xf32, #tpu.memory_space<vmem_shared>>
      %dma_start3A_89 = arith.constant 0 : i32
      %dma_start3A_90 = tpu.memref_slice %arg7[%add3A_50, %dma_start3A_89] : memref<10240x128xf32, #tpu.memory_space<vmem_shared>> -> memref<128x128xf32, #tpu.memory_space<vmem_shared>>
      tpu.enqueue_dma source(%arg10 : memref<128x128xf32, #tpu.memory_space<vmem>>) target(%dma_start3A_90 : memref<128x128xf32, #tpu.memory_space<vmem_shared>>) target_semaphore(%run_scoped3A_86 : memref<!tpu.dma_semaphore, #tpu.memory_space<semaphore_mem>>)
      %dma_wait3A_91 = arith.constant 0 : i32
      %dma_wait3A_92 = tpu.memref_slice %arg7[%add3A_50, %dma_wait3A_91] : memref<10240x128xf32, #tpu.memory_space<vmem_shared>> -> memref<128x128xf32, #tpu.memory_space<vmem_shared>>
      %dma_wait3A_93 = arith.constant 0 : i32
      %dma_wait3A_94 = tpu.memref_slice %arg7[%add3A_50, %dma_wait3A_93] : memref<10240x128xf32, #tpu.memory_space<vmem_shared>> -> memref<128x128xf32, #tpu.memory_space<vmem_shared>>
      tpu.wait_dma2 semaphore(%run_scoped3A_86 : memref<!tpu.dma_semaphore, #tpu.memory_space<semaphore_mem>>) src(%arg10 : memref<128x128xf32, #tpu.memory_space<vmem>>) dst(%dma_wait3A_94 : memref<128x128xf32, #tpu.memory_space<vmem_shared>>)
      tpu.yield
    }) : () -> ()
    %add3A_51 = arith.constant 384 : i32
    %add3A_52 = arith.addi %mul3A_2, %add3A_51 : i32
    "tpu.region"() ({
      %run_scoped3A_86 = tpu.sem_alloc : memref<!tpu.dma_semaphore, #tpu.memory_space<semaphore_mem>>
      %dma_start3A_87 = arith.constant 0 : i32
      %dma_start3A_88 = tpu.memref_slice %arg7[%add3A_52, %dma_start3A_87] : memref<10240x128xf32, #tpu.memory_space<vmem_shared>> -> memref<128x128xf32, #tpu.memory_space<vmem_shared>>
      %dma_start3A_89 = arith.constant 0 : i32
      %dma_start3A_90 = tpu.memref_slice %arg7[%add3A_52, %dma_start3A_89] : memref<10240x128xf32, #tpu.memory_space<vmem_shared>> -> memref<128x128xf32, #tpu.memory_space<vmem_shared>>
      tpu.enqueue_dma source(%arg10 : memref<128x128xf32, #tpu.memory_space<vmem>>) target(%dma_start3A_90 : memref<128x128xf32, #tpu.memory_space<vmem_shared>>) target_semaphore(%run_scoped3A_86 : memref<!tpu.dma_semaphore, #tpu.memory_space<semaphore_mem>>)
      %dma_wait3A_91 = arith.constant 0 : i32
      %dma_wait3A_92 = tpu.memref_slice %arg7[%add3A_52, %dma_wait3A_91] : memref<10240x128xf32, #tpu.memory_space<vmem_shared>> -> memref<128x128xf32, #tpu.memory_space<vmem_shared>>
      %dma_wait3A_93 = arith.constant 0 : i32
      %dma_wait3A_94 = tpu.memref_slice %arg7[%add3A_52, %dma_wait3A_93] : memref<10240x128xf32, #tpu.memory_space<vmem_shared>> -> memref<128x128xf32, #tpu.memory_space<vmem_shared>>
      tpu.wait_dma2 semaphore(%run_scoped3A_86 : memref<!tpu.dma_semaphore, #tpu.memory_space<semaphore_mem>>) src(%arg10 : memref<128x128xf32, #tpu.memory_space<vmem>>) dst(%dma_wait3A_94 : memref<128x128xf32, #tpu.memory_space<vmem_shared>>)
      tpu.yield
    }) : () -> ()
    %add3A_53 = arith.constant 512 : i32
    %add3A_54 = arith.addi %mul3A_2, %add3A_53 : i32
    "tpu.region"() ({
      %run_scoped3A_86 = tpu.sem_alloc : memref<!tpu.dma_semaphore, #tpu.memory_space<semaphore_mem>>
      %dma_start3A_87 = arith.constant 0 : i32
      %dma_start3A_88 = tpu.memref_slice %arg7[%add3A_54, %dma_start3A_87] : memref<10240x128xf32, #tpu.memory_space<vmem_shared>> -> memref<128x128xf32, #tpu.memory_space<vmem_shared>>
      %dma_start3A_89 = arith.constant 0 : i32
      %dma_start3A_90 = tpu.memref_slice %arg7[%add3A_54, %dma_start3A_89] : memref<10240x128xf32, #tpu.memory_space<vmem_shared>> -> memref<128x128xf32, #tpu.memory_space<vmem_shared>>
      tpu.enqueue_dma source(%arg10 : memref<128x128xf32, #tpu.memory_space<vmem>>) target(%dma_start3A_90 : memref<128x128xf32, #tpu.memory_space<vmem_shared>>) target_semaphore(%run_scoped3A_86 : memref<!tpu.dma_semaphore, #tpu.memory_space<semaphore_mem>>)
      %dma_wait3A_91 = arith.constant 0 : i32
      %dma_wait3A_92 = tpu.memref_slice %arg7[%add3A_54, %dma_wait3A_91] : memref<10240x128xf32, #tpu.memory_space<vmem_shared>> -> memref<128x128xf32, #tpu.memory_space<vmem_shared>>
      %dma_wait3A_93 = arith.constant 0 : i32
      %dma_wait3A_94 = tpu.memref_slice %arg7[%add3A_54, %dma_wait3A_93] : memref<10240x128xf32, #tpu.memory_space<vmem_shared>> -> memref<128x128xf32, #tpu.memory_space<vmem_shared>>
      tpu.wait_dma2 semaphore(%run_scoped3A_86 : memref<!tpu.dma_semaphore, #tpu.memory_space<semaphore_mem>>) src(%arg10 : memref<128x128xf32, #tpu.memory_space<vmem>>) dst(%dma_wait3A_94 : memref<128x128xf32, #tpu.memory_space<vmem_shared>>)
      tpu.yield
    }) : () -> ()
    %barrier3A_55 = arith.constant 0 : index
    tpu.barrier barrier_id(%barrier3A_55)
    %min3A_56 = arith.constant 0 : i32
    %min3A_57 = arith.constant 77 : i32
    %min3A_58 = arith.minsi %min3A_56, %min3A_57 : i32
    %run_scoped3A_59 = arith.constant 0 : i32
    "tpu.region"() ({
      %run_scoped3A_86 = tpu.sem_alloc : memref<!tpu.dma_semaphore, #tpu.memory_space<semaphore_mem>>
      %dma_start3A_87 = arith.constant 0 : i32
      %dma_start3A_88 = arith.constant 0 : i32
      %dma_start3A_89 = tpu.memref_slice %arg8[%run_scoped3A_59, %dma_start3A_87, %dma_start3A_88] : memref<3x2x128xi32, #tpu.memory_space<vmem>> -> memref<1x2x128xi32, #tpu.memory_space<vmem>>
      %dma_start3A_90 = tpu.memref_squeeze %dma_start3A_89 : memref<1x2x128xi32, #tpu.memory_space<vmem>> -> memref<2x128xi32, #tpu.memory_space<vmem>>
      %dma_start3A_91 = arith.constant 0 : i32
      %dma_start3A_92 = arith.constant 0 : i32
      %dma_start3A_93 = tpu.memref_slice %arg3[%add3A, %min3A_58, %dma_start3A_91, %dma_start3A_92] : memref<32x78x2x128xi32, #tpu.memory_space<hbm>> -> memref<1x1x2x128xi32, #tpu.memory_space<hbm>>
      %dma_start3A_94 = tpu.memref_squeeze %dma_start3A_93 : memref<1x1x2x128xi32, #tpu.memory_space<hbm>> -> memref<2x128xi32, #tpu.memory_space<hbm>>
      %dma_start3A_95 = arith.constant 0 : i32
      %dma_start3A_96 = arith.constant 0 : i32
      %dma_start3A_97 = tpu.memref_slice %arg8[%run_scoped3A_59, %dma_start3A_95, %dma_start3A_96] : memref<3x2x128xi32, #tpu.memory_space<vmem>> -> memref<1x2x128xi32, #tpu.memory_space<vmem>>
      %dma_start3A_98 = tpu.memref_squeeze %dma_start3A_97 : memref<1x2x128xi32, #tpu.memory_space<vmem>> -> memref<2x128xi32, #tpu.memory_space<vmem>>
      %dma_start3A_99 = arith.constant 0 : i32
      %dma_start3A_100 = arith.constant 0 : i32
      %dma_start3A_101 = tpu.memref_slice %arg3[%add3A, %min3A_58, %dma_start3A_99, %dma_start3A_100] : memref<32x78x2x128xi32, #tpu.memory_space<hbm>> -> memref<1x1x2x128xi32, #tpu.memory_space<hbm>>
      %dma_start3A_102 = tpu.memref_squeeze %dma_start3A_101 : memref<1x1x2x128xi32, #tpu.memory_space<hbm>> -> memref<2x128xi32, #tpu.memory_space<hbm>>
      tpu.enqueue_dma source(%dma_start3A_102 : memref<2x128xi32, #tpu.memory_space<hbm>>) target(%dma_start3A_98 : memref<2x128xi32, #tpu.memory_space<vmem>>) target_semaphore(%run_scoped3A_86 : memref<!tpu.dma_semaphore, #tpu.memory_space<semaphore_mem>>)
      %dma_wait3A_103 = arith.constant 0 : i32
      %dma_wait3A_104 = arith.constant 0 : i32
      %dma_wait3A_105 = tpu.memref_slice %arg8[%run_scoped3A_59, %dma_wait3A_103, %dma_wait3A_104] : memref<3x2x128xi32, #tpu.memory_space<vmem>> -> memref<1x2x128xi32, #tpu.memory_space<vmem>>
      %dma_wait3A_106 = tpu.memref_squeeze %dma_wait3A_105 : memref<1x2x128xi32, #tpu.memory_space<vmem>> -> memref<2x128xi32, #tpu.memory_space<vmem>>
      %dma_wait3A_107 = arith.constant 0 : i32
      %dma_wait3A_108 = arith.constant 0 : i32
      %dma_wait3A_109 = tpu.memref_slice %arg3[%add3A, %min3A_58, %dma_wait3A_107, %dma_wait3A_108] : memref<32x78x2x128xi32, #tpu.memory_space<hbm>> -> memref<1x1x2x128xi32, #tpu.memory_space<hbm>>
      %dma_wait3A_110 = tpu.memref_squeeze %dma_wait3A_109 : memref<1x1x2x128xi32, #tpu.memory_space<hbm>> -> memref<2x128xi32, #tpu.memory_space<hbm>>
      %dma_wait3A_111 = arith.constant 0 : i32
      %dma_wait3A_112 = arith.constant 0 : i32
      %dma_wait3A_113 = tpu.memref_slice %arg8[%run_scoped3A_59, %dma_wait3A_111, %dma_wait3A_112] : memref<3x2x128xi32, #tpu.memory_space<vmem>> -> memref<1x2x128xi32, #tpu.memory_space<vmem>>
      %dma_wait3A_114 = tpu.memref_squeeze %dma_wait3A_113 : memref<1x2x128xi32, #tpu.memory_space<vmem>> -> memref<2x128xi32, #tpu.memory_space<vmem>>
      %dma_wait3A_115 = arith.constant 0 : i32
      %dma_wait3A_116 = arith.constant 0 : i32
      %dma_wait3A_117 = tpu.memref_slice %arg3[%add3A, %min3A_58, %dma_wait3A_115, %dma_wait3A_116] : memref<32x78x2x128xi32, #tpu.memory_space<hbm>> -> memref<1x1x2x128xi32, #tpu.memory_space<hbm>>
      %dma_wait3A_118 = tpu.memref_squeeze %dma_wait3A_117 : memref<1x1x2x128xi32, #tpu.memory_space<hbm>> -> memref<2x128xi32, #tpu.memory_space<hbm>>
      tpu.wait_dma2 semaphore(%run_scoped3A_86 : memref<!tpu.dma_semaphore, #tpu.memory_space<semaphore_mem>>) src(%dma_wait3A_118 : memref<2x128xi32, #tpu.memory_space<hbm>>) dst(%dma_wait3A_114 : memref<2x128xi32, #tpu.memory_space<vmem>>)
      tpu.yield
    }) : () -> ()
    %scan3A_60 = arith.constant 0 : i32
    %scan3A_61 = arith.constant 0 : i32
    %scan3A_62 = arith.constant 26 : i32
    %scan3A_63 = arith.addi %scan3A_61, %scan3A_62 : i32
    %scan3A_64 = arith.constant 1 : i32
    scf.for %scan3A_86 = %scan3A_61 to %scan3A_63 step %scan3A_64  : i32 {
      %mul3A_87 = arith.constant 3 : i32
      %mul3A_88 = arith.muli %mul3A_87, %scan3A_86 : i32
      %dma_start3A_89 = arith.constant 0 : i32
      %dma_start3A_90 = arith.constant 0 : i32
      %dma_start3A_91 = arith.constant 0 : i32
      %dma_start3A_92 = tpu.memref_slice %arg8[%dma_start3A_89, %dma_start3A_90, %dma_start3A_91] : memref<3x2x128xi32, #tpu.memory_space<vmem>> -> memref<1x1x128xi32, #tpu.memory_space<vmem>>
      %dma_start3A_93 = tpu.memref_squeeze %dma_start3A_92 : memref<1x1x128xi32, #tpu.memory_space<vmem>> -> memref<128xi32, #tpu.memory_space<vmem>>
      %dma_start3A_94 = arith.constant 0 : i32
      %dma_start3A_95 = arith.constant 0 : i32
      %dma_start3A_96 = tpu.memref_slice %arg2[%dma_start3A_94, %dma_start3A_95] : memref<10000x128xf32, #tpu.memory_space<hbm>> -> memref<10000x128xf32, #tpu.memory_space<hbm>>
      tpu.enqueue_indirect_dma source(%dma_start3A_96 : memref<10000x128xf32, #tpu.memory_space<hbm>>) target(%arg10 : memref<128x128xf32, #tpu.memory_space<vmem>>) offsets(%dma_start3A_93 : memref<128xi32, #tpu.memory_space<vmem>>) semaphore(%arg12 : memref<!tpu.dma_semaphore, #tpu.memory_space<semaphore_mem>>)
      %add3A_97 = arith.constant 1 : i32
      %add3A_98 = arith.addi %mul3A_88, %add3A_97 : i32
      %min3A_99 = arith.constant 77 : i32
      %min3A_100 = arith.minsi %add3A_98, %min3A_99 : i32
      %run_scoped3A_101 = arith.constant 1 : i32
      "tpu.region"() ({
        %run_scoped3A_200 = tpu.sem_alloc : memref<!tpu.dma_semaphore, #tpu.memory_space<semaphore_mem>>
        %dma_start3A_201 = arith.constant 0 : i32
        %dma_start3A_202 = arith.constant 0 : i32
        %dma_start3A_203 = tpu.memref_slice %arg8[%run_scoped3A_101, %dma_start3A_201, %dma_start3A_202] : memref<3x2x128xi32, #tpu.memory_space<vmem>> -> memref<1x2x128xi32, #tpu.memory_space<vmem>>
        %dma_start3A_204 = tpu.memref_squeeze %dma_start3A_203 : memref<1x2x128xi32, #tpu.memory_space<vmem>> -> memref<2x128xi32, #tpu.memory_space<vmem>>
        %dma_start3A_205 = arith.constant 0 : i32
        %dma_start3A_206 = arith.constant 0 : i32
        %dma_start3A_207 = tpu.memref_slice %arg3[%add3A, %min3A_100, %dma_start3A_205, %dma_start3A_206] : memref<32x78x2x128xi32, #tpu.memory_space<hbm>> -> memref<1x1x2x128xi32, #tpu.memory_space<hbm>>
        %dma_start3A_208 = tpu.memref_squeeze %dma_start3A_207 : memref<1x1x2x128xi32, #tpu.memory_space<hbm>> -> memref<2x128xi32, #tpu.memory_space<hbm>>
        %dma_start3A_209 = arith.constant 0 : i32
        %dma_start3A_210 = arith.constant 0 : i32
        %dma_start3A_211 = tpu.memref_slice %arg8[%run_scoped3A_101, %dma_start3A_209, %dma_start3A_210] : memref<3x2x128xi32, #tpu.memory_space<vmem>> -> memref<1x2x128xi32, #tpu.memory_space<vmem>>
        %dma_start3A_212 = tpu.memref_squeeze %dma_start3A_211 : memref<1x2x128xi32, #tpu.memory_space<vmem>> -> memref<2x128xi32, #tpu.memory_space<vmem>>
        %dma_start3A_213 = arith.constant 0 : i32
        %dma_start3A_214 = arith.constant 0 : i32
        %dma_start3A_215 = tpu.memref_slice %arg3[%add3A, %min3A_100, %dma_start3A_213, %dma_start3A_214] : memref<32x78x2x128xi32, #tpu.memory_space<hbm>> -> memref<1x1x2x128xi32, #tpu.memory_space<hbm>>
        %dma_start3A_216 = tpu.memref_squeeze %dma_start3A_215 : memref<1x1x2x128xi32, #tpu.memory_space<hbm>> -> memref<2x128xi32, #tpu.memory_space<hbm>>
        tpu.enqueue_dma source(%dma_start3A_216 : memref<2x128xi32, #tpu.memory_space<hbm>>) target(%dma_start3A_212 : memref<2x128xi32, #tpu.memory_space<vmem>>) target_semaphore(%run_scoped3A_200 : memref<!tpu.dma_semaphore, #tpu.memory_space<semaphore_mem>>)
        %dma_wait3A_217 = arith.constant 0 : i32
        %dma_wait3A_218 = arith.constant 0 : i32
        %dma_wait3A_219 = tpu.memref_slice %arg8[%run_scoped3A_101, %dma_wait3A_217, %dma_wait3A_218] : memref<3x2x128xi32, #tpu.memory_space<vmem>> -> memref<1x2x128xi32, #tpu.memory_space<vmem>>
        %dma_wait3A_220 = tpu.memref_squeeze %dma_wait3A_219 : memref<1x2x128xi32, #tpu.memory_space<vmem>> -> memref<2x128xi32, #tpu.memory_space<vmem>>
        %dma_wait3A_221 = arith.constant 0 : i32
        %dma_wait3A_222 = arith.constant 0 : i32
        %dma_wait3A_223 = tpu.memref_slice %arg3[%add3A, %min3A_100, %dma_wait3A_221, %dma_wait3A_222] : memref<32x78x2x128xi32, #tpu.memory_space<hbm>> -> memref<1x1x2x128xi32, #tpu.memory_space<hbm>>
        %dma_wait3A_224 = tpu.memref_squeeze %dma_wait3A_223 : memref<1x1x2x128xi32, #tpu.memory_space<hbm>> -> memref<2x128xi32, #tpu.memory_space<hbm>>
        %dma_wait3A_225 = arith.constant 0 : i32
        %dma_wait3A_226 = arith.constant 0 : i32
        %dma_wait3A_227 = tpu.memref_slice %arg8[%run_scoped3A_101, %dma_wait3A_225, %dma_wait3A_226] : memref<3x2x128xi32, #tpu.memory_space<vmem>> -> memref<1x2x128xi32, #tpu.memory_space<vmem>>
        %dma_wait3A_228 = tpu.memref_squeeze %dma_wait3A_227 : memref<1x2x128xi32, #tpu.memory_space<vmem>> -> memref<2x128xi32, #tpu.memory_space<vmem>>
        %dma_wait3A_229 = arith.constant 0 : i32
        %dma_wait3A_230 = arith.constant 0 : i32
        %dma_wait3A_231 = tpu.memref_slice %arg3[%add3A, %min3A_100, %dma_wait3A_229, %dma_wait3A_230] : memref<32x78x2x128xi32, #tpu.memory_space<hbm>> -> memref<1x1x2x128xi32, #tpu.memory_space<hbm>>
        %dma_wait3A_232 = tpu.memref_squeeze %dma_wait3A_231 : memref<1x1x2x128xi32, #tpu.memory_space<hbm>> -> memref<2x128xi32, #tpu.memory_space<hbm>>
        tpu.wait_dma2 semaphore(%run_scoped3A_200 : memref<!tpu.dma_semaphore, #tpu.memory_space<semaphore_mem>>) src(%dma_wait3A_232 : memref<2x128xi32, #tpu.memory_space<hbm>>) dst(%dma_wait3A_228 : memref<2x128xi32, #tpu.memory_space<vmem>>)
        tpu.yield
      }) : () -> ()
      %dma_wait3A_102 = arith.constant 0 : i32
      %dma_wait3A_103 = arith.constant 0 : i32
      %dma_wait3A_104 = arith.constant 0 : i32
      %dma_wait3A_105 = tpu.memref_slice %arg8[%dma_wait3A_102, %dma_wait3A_103, %dma_wait3A_104] : memref<3x2x128xi32, #tpu.memory_space<vmem>> -> memref<1x1x128xi32, #tpu.memory_space<vmem>>
      %dma_wait3A_106 = tpu.memref_squeeze %dma_wait3A_105 : memref<1x1x128xi32, #tpu.memory_space<vmem>> -> memref<128xi32, #tpu.memory_space<vmem>>
      %dma_wait3A_107 = arith.constant 0 : i32
      %dma_wait3A_108 = arith.constant 0 : i32
      %dma_wait3A_109 = tpu.memref_slice %arg2[%dma_wait3A_107, %dma_wait3A_108] : memref<10000x128xf32, #tpu.memory_space<hbm>> -> memref<10000x128xf32, #tpu.memory_space<hbm>>
      tpu.wait_indirect_dma semaphore(%arg12 : memref<!tpu.dma_semaphore, #tpu.memory_space<semaphore_mem>>) src(%dma_wait3A_109 : memref<10000x128xf32, #tpu.memory_space<hbm>>) dst(%arg10 : memref<128x128xf32, #tpu.memory_space<vmem>>)
      %dma_start3A_110 = arith.constant 1 : i32
      %dma_start3A_111 = arith.constant 0 : i32
      %dma_start3A_112 = arith.constant 0 : i32
      %dma_start3A_113 = tpu.memref_slice %arg8[%dma_start3A_110, %dma_start3A_111, %dma_start3A_112] : memref<3x2x128xi32, #tpu.memory_space<vmem>> -> memref<1x1x128xi32, #tpu.memory_space<vmem>>
      %dma_start3A_114 = tpu.memref_squeeze %dma_start3A_113 : memref<1x1x128xi32, #tpu.memory_space<vmem>> -> memref<128xi32, #tpu.memory_space<vmem>>
      %dma_start3A_115 = arith.constant 0 : i32
      %dma_start3A_116 = arith.constant 0 : i32
      %dma_start3A_117 = tpu.memref_slice %arg2[%dma_start3A_115, %dma_start3A_116] : memref<10000x128xf32, #tpu.memory_space<hbm>> -> memref<10000x128xf32, #tpu.memory_space<hbm>>
      tpu.enqueue_indirect_dma source(%dma_start3A_117 : memref<10000x128xf32, #tpu.memory_space<hbm>>) target(%arg11 : memref<128x128xf32, #tpu.memory_space<vmem>>) offsets(%dma_start3A_114 : memref<128xi32, #tpu.memory_space<vmem>>) semaphore(%arg12 : memref<!tpu.dma_semaphore, #tpu.memory_space<semaphore_mem>>)
      %dma_start3A_118 = arith.constant 0 : i32
      %dma_start3A_119 = arith.constant 1 : i32
      %dma_start3A_120 = arith.constant 0 : i32
      %dma_start3A_121 = tpu.memref_slice %arg8[%dma_start3A_118, %dma_start3A_119, %dma_start3A_120] : memref<3x2x128xi32, #tpu.memory_space<vmem>> -> memref<1x1x128xi32, #tpu.memory_space<vmem>>
      %dma_start3A_122 = tpu.memref_squeeze %dma_start3A_121 : memref<1x1x128xi32, #tpu.memory_space<vmem>> -> memref<128xi32, #tpu.memory_space<vmem>>
      %dma_start3A_123 = arith.constant 0 : i32
      %dma_start3A_124 = arith.constant 0 : i32
      %dma_start3A_125 = tpu.memref_slice %arg7[%dma_start3A_123, %dma_start3A_124] : memref<10240x128xf32, #tpu.memory_space<vmem_shared>> -> memref<10240x128xf32, #tpu.memory_space<vmem_shared>>
      tpu.enqueue_indirect_dma source(%arg10 : memref<128x128xf32, #tpu.memory_space<vmem>>) target(%dma_start3A_125 : memref<10240x128xf32, #tpu.memory_space<vmem_shared>>) offsets(%dma_start3A_122 : memref<128xi32, #tpu.memory_space<vmem>>) semaphore(%arg13 : memref<!tpu.dma_semaphore, #tpu.memory_space<semaphore_mem>>) {add = true}
      %add3A_126 = arith.constant 2 : i32
      %add3A_127 = arith.addi %mul3A_88, %add3A_126 : i32
      %min3A_128 = arith.constant 77 : i32
      %min3A_129 = arith.minsi %add3A_127, %min3A_128 : i32
      %run_scoped3A_130 = arith.constant 2 : i32
      "tpu.region"() ({
        %run_scoped3A_200 = tpu.sem_alloc : memref<!tpu.dma_semaphore, #tpu.memory_space<semaphore_mem>>
        %dma_start3A_201 = arith.constant 0 : i32
        %dma_start3A_202 = arith.constant 0 : i32
        %dma_start3A_203 = tpu.memref_slice %arg8[%run_scoped3A_130, %dma_start3A_201, %dma_start3A_202] : memref<3x2x128xi32, #tpu.memory_space<vmem>> -> memref<1x2x128xi32, #tpu.memory_space<vmem>>
        %dma_start3A_204 = tpu.memref_squeeze %dma_start3A_203 : memref<1x2x128xi32, #tpu.memory_space<vmem>> -> memref<2x128xi32, #tpu.memory_space<vmem>>
        %dma_start3A_205 = arith.constant 0 : i32
        %dma_start3A_206 = arith.constant 0 : i32
        %dma_start3A_207 = tpu.memref_slice %arg3[%add3A, %min3A_129, %dma_start3A_205, %dma_start3A_206] : memref<32x78x2x128xi32, #tpu.memory_space<hbm>> -> memref<1x1x2x128xi32, #tpu.memory_space<hbm>>
        %dma_start3A_208 = tpu.memref_squeeze %dma_start3A_207 : memref<1x1x2x128xi32, #tpu.memory_space<hbm>> -> memref<2x128xi32, #tpu.memory_space<hbm>>
        %dma_start3A_209 = arith.constant 0 : i32
        %dma_start3A_210 = arith.constant 0 : i32
        %dma_start3A_211 = tpu.memref_slice %arg8[%run_scoped3A_130, %dma_start3A_209, %dma_start3A_210] : memref<3x2x128xi32, #tpu.memory_space<vmem>> -> memref<1x2x128xi32, #tpu.memory_space<vmem>>
        %dma_start3A_212 = tpu.memref_squeeze %dma_start3A_211 : memref<1x2x128xi32, #tpu.memory_space<vmem>> -> memref<2x128xi32, #tpu.memory_space<vmem>>
        %dma_start3A_213 = arith.constant 0 : i32
        %dma_start3A_214 = arith.constant 0 : i32
        %dma_start3A_215 = tpu.memref_slice %arg3[%add3A, %min3A_129, %dma_start3A_213, %dma_start3A_214] : memref<32x78x2x128xi32, #tpu.memory_space<hbm>> -> memref<1x1x2x128xi32, #tpu.memory_space<hbm>>
        %dma_start3A_216 = tpu.memref_squeeze %dma_start3A_215 : memref<1x1x2x128xi32, #tpu.memory_space<hbm>> -> memref<2x128xi32, #tpu.memory_space<hbm>>
        tpu.enqueue_dma source(%dma_start3A_216 : memref<2x128xi32, #tpu.memory_space<hbm>>) target(%dma_start3A_212 : memref<2x128xi32, #tpu.memory_space<vmem>>) target_semaphore(%run_scoped3A_200 : memref<!tpu.dma_semaphore, #tpu.memory_space<semaphore_mem>>)
        %dma_wait3A_217 = arith.constant 0 : i32
        %dma_wait3A_218 = arith.constant 0 : i32
        %dma_wait3A_219 = tpu.memref_slice %arg8[%run_scoped3A_130, %dma_wait3A_217, %dma_wait3A_218] : memref<3x2x128xi32, #tpu.memory_space<vmem>> -> memref<1x2x128xi32, #tpu.memory_space<vmem>>
        %dma_wait3A_220 = tpu.memref_squeeze %dma_wait3A_219 : memref<1x2x128xi32, #tpu.memory_space<vmem>> -> memref<2x128xi32, #tpu.memory_space<vmem>>
        %dma_wait3A_221 = arith.constant 0 : i32
        %dma_wait3A_222 = arith.constant 0 : i32
        %dma_wait3A_223 = tpu.memref_slice %arg3[%add3A, %min3A_129, %dma_wait3A_221, %dma_wait3A_222] : memref<32x78x2x128xi32, #tpu.memory_space<hbm>> -> memref<1x1x2x128xi32, #tpu.memory_space<hbm>>
        %dma_wait3A_224 = tpu.memref_squeeze %dma_wait3A_223 : memref<1x1x2x128xi32, #tpu.memory_space<hbm>> -> memref<2x128xi32, #tpu.memory_space<hbm>>
        %dma_wait3A_225 = arith.constant 0 : i32
        %dma_wait3A_226 = arith.constant 0 : i32
        %dma_wait3A_227 = tpu.memref_slice %arg8[%run_scoped3A_130, %dma_wait3A_225, %dma_wait3A_226] : memref<3x2x128xi32, #tpu.memory_space<vmem>> -> memref<1x2x128xi32, #tpu.memory_space<vmem>>
        %dma_wait3A_228 = tpu.memref_squeeze %dma_wait3A_227 : memref<1x2x128xi32, #tpu.memory_space<vmem>> -> memref<2x128xi32, #tpu.memory_space<vmem>>
        %dma_wait3A_229 = arith.constant 0 : i32
        %dma_wait3A_230 = arith.constant 0 : i32
        %dma_wait3A_231 = tpu.memref_slice %arg3[%add3A, %min3A_129, %dma_wait3A_229, %dma_wait3A_230] : memref<32x78x2x128xi32, #tpu.memory_space<hbm>> -> memref<1x1x2x128xi32, #tpu.memory_space<hbm>>
        %dma_wait3A_232 = tpu.memref_squeeze %dma_wait3A_231 : memref<1x1x2x128xi32, #tpu.memory_space<hbm>> -> memref<2x128xi32, #tpu.memory_space<hbm>>
        tpu.wait_dma2 semaphore(%run_scoped3A_200 : memref<!tpu.dma_semaphore, #tpu.memory_space<semaphore_mem>>) src(%dma_wait3A_232 : memref<2x128xi32, #tpu.memory_space<hbm>>) dst(%dma_wait3A_228 : memref<2x128xi32, #tpu.memory_space<vmem>>)
        tpu.yield
      }) : () -> ()
      %dma_wait3A_131 = arith.constant 1 : i32
      %dma_wait3A_132 = arith.constant 0 : i32
      %dma_wait3A_133 = arith.constant 0 : i32
      %dma_wait3A_134 = tpu.memref_slice %arg8[%dma_wait3A_131, %dma_wait3A_132, %dma_wait3A_133] : memref<3x2x128xi32, #tpu.memory_space<vmem>> -> memref<1x1x128xi32, #tpu.memory_space<vmem>>
      %dma_wait3A_135 = tpu.memref_squeeze %dma_wait3A_134 : memref<1x1x128xi32, #tpu.memory_space<vmem>> -> memref<128xi32, #tpu.memory_space<vmem>>
      %dma_wait3A_136 = arith.constant 0 : i32
      %dma_wait3A_137 = arith.constant 0 : i32
      %dma_wait3A_138 = tpu.memref_slice %arg2[%dma_wait3A_136, %dma_wait3A_137] : memref<10000x128xf32, #tpu.memory_space<hbm>> -> memref<10000x128xf32, #tpu.memory_space<hbm>>
      tpu.wait_indirect_dma semaphore(%arg12 : memref<!tpu.dma_semaphore, #tpu.memory_space<semaphore_mem>>) src(%dma_wait3A_138 : memref<10000x128xf32, #tpu.memory_space<hbm>>) dst(%arg11 : memref<128x128xf32, #tpu.memory_space<vmem>>)
      %dma_wait3A_139 = arith.constant 0 : i32
      %dma_wait3A_140 = arith.constant 1 : i32
      %dma_wait3A_141 = arith.constant 0 : i32
      %dma_wait3A_142 = tpu.memref_slice %arg8[%dma_wait3A_139, %dma_wait3A_140, %dma_wait3A_141] : memref<3x2x128xi32, #tpu.memory_space<vmem>> -> memref<1x1x128xi32, #tpu.memory_space<vmem>>
      %dma_wait3A_143 = tpu.memref_squeeze %dma_wait3A_142 : memref<1x1x128xi32, #tpu.memory_space<vmem>> -> memref<128xi32, #tpu.memory_space<vmem>>
      %dma_wait3A_144 = arith.constant 0 : i32
      %dma_wait3A_145 = arith.constant 0 : i32
      %dma_wait3A_146 = tpu.memref_slice %arg7[%dma_wait3A_144, %dma_wait3A_145] : memref<10240x128xf32, #tpu.memory_space<vmem_shared>> -> memref<10240x128xf32, #tpu.memory_space<vmem_shared>>
      tpu.wait_indirect_dma semaphore(%arg13 : memref<!tpu.dma_semaphore, #tpu.memory_space<semaphore_mem>>) src(%arg10 : memref<128x128xf32, #tpu.memory_space<vmem>>) dst(%dma_wait3A_146 : memref<10240x128xf32, #tpu.memory_space<vmem_shared>>)
      %dma_start3A_147 = arith.constant 2 : i32
      %dma_start3A_148 = arith.constant 0 : i32
      %dma_start3A_149 = arith.constant 0 : i32
      %dma_start3A_150 = tpu.memref_slice %arg8[%dma_start3A_147, %dma_start3A_148, %dma_start3A_149] : memref<3x2x128xi32, #tpu.memory_space<vmem>> -> memref<1x1x128xi32, #tpu.memory_space<vmem>>
      %dma_start3A_151 = tpu.memref_squeeze %dma_start3A_150 : memref<1x1x128xi32, #tpu.memory_space<vmem>> -> memref<128xi32, #tpu.memory_space<vmem>>
      %dma_start3A_152 = arith.constant 0 : i32
      %dma_start3A_153 = arith.constant 0 : i32
      %dma_start3A_154 = tpu.memref_slice %arg2[%dma_start3A_152, %dma_start3A_153] : memref<10000x128xf32, #tpu.memory_space<hbm>> -> memref<10000x128xf32, #tpu.memory_space<hbm>>
      tpu.enqueue_indirect_dma source(%dma_start3A_154 : memref<10000x128xf32, #tpu.memory_space<hbm>>) target(%arg10 : memref<128x128xf32, #tpu.memory_space<vmem>>) offsets(%dma_start3A_151 : memref<128xi32, #tpu.memory_space<vmem>>) semaphore(%arg12 : memref<!tpu.dma_semaphore, #tpu.memory_space<semaphore_mem>>)
      %dma_start3A_155 = arith.constant 1 : i32
      %dma_start3A_156 = arith.constant 1 : i32
      %dma_start3A_157 = arith.constant 0 : i32
      %dma_start3A_158 = tpu.memref_slice %arg8[%dma_start3A_155, %dma_start3A_156, %dma_start3A_157] : memref<3x2x128xi32, #tpu.memory_space<vmem>> -> memref<1x1x128xi32, #tpu.memory_space<vmem>>
      %dma_start3A_159 = tpu.memref_squeeze %dma_start3A_158 : memref<1x1x128xi32, #tpu.memory_space<vmem>> -> memref<128xi32, #tpu.memory_space<vmem>>
      %dma_start3A_160 = arith.constant 0 : i32
      %dma_start3A_161 = arith.constant 0 : i32
      %dma_start3A_162 = tpu.memref_slice %arg7[%dma_start3A_160, %dma_start3A_161] : memref<10240x128xf32, #tpu.memory_space<vmem_shared>> -> memref<10240x128xf32, #tpu.memory_space<vmem_shared>>
      tpu.enqueue_indirect_dma source(%arg11 : memref<128x128xf32, #tpu.memory_space<vmem>>) target(%dma_start3A_162 : memref<10240x128xf32, #tpu.memory_space<vmem_shared>>) offsets(%dma_start3A_159 : memref<128xi32, #tpu.memory_space<vmem>>) semaphore(%arg13 : memref<!tpu.dma_semaphore, #tpu.memory_space<semaphore_mem>>) {add = true}
      %add3A_163 = arith.constant 3 : i32
      %add3A_164 = arith.addi %mul3A_88, %add3A_163 : i32
      %min3A_165 = arith.constant 77 : i32
      %min3A_166 = arith.minsi %add3A_164, %min3A_165 : i32
      %run_scoped3A_167 = arith.constant 0 : i32
      "tpu.region"() ({
        %run_scoped3A_200 = tpu.sem_alloc : memref<!tpu.dma_semaphore, #tpu.memory_space<semaphore_mem>>
        %dma_start3A_201 = arith.constant 0 : i32
        %dma_start3A_202 = arith.constant 0 : i32
        %dma_start3A_203 = tpu.memref_slice %arg8[%run_scoped3A_167, %dma_start3A_201, %dma_start3A_202] : memref<3x2x128xi32, #tpu.memory_space<vmem>> -> memref<1x2x128xi32, #tpu.memory_space<vmem>>
        %dma_start3A_204 = tpu.memref_squeeze %dma_start3A_203 : memref<1x2x128xi32, #tpu.memory_space<vmem>> -> memref<2x128xi32, #tpu.memory_space<vmem>>
        %dma_start3A_205 = arith.constant 0 : i32
        %dma_start3A_206 = arith.constant 0 : i32
        %dma_start3A_207 = tpu.memref_slice %arg3[%add3A, %min3A_166, %dma_start3A_205, %dma_start3A_206] : memref<32x78x2x128xi32, #tpu.memory_space<hbm>> -> memref<1x1x2x128xi32, #tpu.memory_space<hbm>>
        %dma_start3A_208 = tpu.memref_squeeze %dma_start3A_207 : memref<1x1x2x128xi32, #tpu.memory_space<hbm>> -> memref<2x128xi32, #tpu.memory_space<hbm>>
        %dma_start3A_209 = arith.constant 0 : i32
        %dma_start3A_210 = arith.constant 0 : i32
        %dma_start3A_211 = tpu.memref_slice %arg8[%run_scoped3A_167, %dma_start3A_209, %dma_start3A_210] : memref<3x2x128xi32, #tpu.memory_space<vmem>> -> memref<1x2x128xi32, #tpu.memory_space<vmem>>
        %dma_start3A_212 = tpu.memref_squeeze %dma_start3A_211 : memref<1x2x128xi32, #tpu.memory_space<vmem>> -> memref<2x128xi32, #tpu.memory_space<vmem>>
        %dma_start3A_213 = arith.constant 0 : i32
        %dma_start3A_214 = arith.constant 0 : i32
        %dma_start3A_215 = tpu.memref_slice %arg3[%add3A, %min3A_166, %dma_start3A_213, %dma_start3A_214] : memref<32x78x2x128xi32, #tpu.memory_space<hbm>> -> memref<1x1x2x128xi32, #tpu.memory_space<hbm>>
        %dma_start3A_216 = tpu.memref_squeeze %dma_start3A_215 : memref<1x1x2x128xi32, #tpu.memory_space<hbm>> -> memref<2x128xi32, #tpu.memory_space<hbm>>
        tpu.enqueue_dma source(%dma_start3A_216 : memref<2x128xi32, #tpu.memory_space<hbm>>) target(%dma_start3A_212 : memref<2x128xi32, #tpu.memory_space<vmem>>) target_semaphore(%run_scoped3A_200 : memref<!tpu.dma_semaphore, #tpu.memory_space<semaphore_mem>>)
        %dma_wait3A_217 = arith.constant 0 : i32
        %dma_wait3A_218 = arith.constant 0 : i32
        %dma_wait3A_219 = tpu.memref_slice %arg8[%run_scoped3A_167, %dma_wait3A_217, %dma_wait3A_218] : memref<3x2x128xi32, #tpu.memory_space<vmem>> -> memref<1x2x128xi32, #tpu.memory_space<vmem>>
        %dma_wait3A_220 = tpu.memref_squeeze %dma_wait3A_219 : memref<1x2x128xi32, #tpu.memory_space<vmem>> -> memref<2x128xi32, #tpu.memory_space<vmem>>
        %dma_wait3A_221 = arith.constant 0 : i32
        %dma_wait3A_222 = arith.constant 0 : i32
        %dma_wait3A_223 = tpu.memref_slice %arg3[%add3A, %min3A_166, %dma_wait3A_221, %dma_wait3A_222] : memref<32x78x2x128xi32, #tpu.memory_space<hbm>> -> memref<1x1x2x128xi32, #tpu.memory_space<hbm>>
        %dma_wait3A_224 = tpu.memref_squeeze %dma_wait3A_223 : memref<1x1x2x128xi32, #tpu.memory_space<hbm>> -> memref<2x128xi32, #tpu.memory_space<hbm>>
        %dma_wait3A_225 = arith.constant 0 : i32
        %dma_wait3A_226 = arith.constant 0 : i32
        %dma_wait3A_227 = tpu.memref_slice %arg8[%run_scoped3A_167, %dma_wait3A_225, %dma_wait3A_226] : memref<3x2x128xi32, #tpu.memory_space<vmem>> -> memref<1x2x128xi32, #tpu.memory_space<vmem>>
        %dma_wait3A_228 = tpu.memref_squeeze %dma_wait3A_227 : memref<1x2x128xi32, #tpu.memory_space<vmem>> -> memref<2x128xi32, #tpu.memory_space<vmem>>
        %dma_wait3A_229 = arith.constant 0 : i32
        %dma_wait3A_230 = arith.constant 0 : i32
        %dma_wait3A_231 = tpu.memref_slice %arg3[%add3A, %min3A_166, %dma_wait3A_229, %dma_wait3A_230] : memref<32x78x2x128xi32, #tpu.memory_space<hbm>> -> memref<1x1x2x128xi32, #tpu.memory_space<hbm>>
        %dma_wait3A_232 = tpu.memref_squeeze %dma_wait3A_231 : memref<1x1x2x128xi32, #tpu.memory_space<hbm>> -> memref<2x128xi32, #tpu.memory_space<hbm>>
        tpu.wait_dma2 semaphore(%run_scoped3A_200 : memref<!tpu.dma_semaphore, #tpu.memory_space<semaphore_mem>>) src(%dma_wait3A_232 : memref<2x128xi32, #tpu.memory_space<hbm>>) dst(%dma_wait3A_228 : memref<2x128xi32, #tpu.memory_space<vmem>>)
        tpu.yield
      }) : () -> ()
      %dma_wait3A_168 = arith.constant 2 : i32
      %dma_wait3A_169 = arith.constant 0 : i32
      %dma_wait3A_170 = arith.constant 0 : i32
      %dma_wait3A_171 = tpu.memref_slice %arg8[%dma_wait3A_168, %dma_wait3A_169, %dma_wait3A_170] : memref<3x2x128xi32, #tpu.memory_space<vmem>> -> memref<1x1x128xi32, #tpu.memory_space<vmem>>
      %dma_wait3A_172 = tpu.memref_squeeze %dma_wait3A_171 : memref<1x1x128xi32, #tpu.memory_space<vmem>> -> memref<128xi32, #tpu.memory_space<vmem>>
      %dma_wait3A_173 = arith.constant 0 : i32
      %dma_wait3A_174 = arith.constant 0 : i32
      %dma_wait3A_175 = tpu.memref_slice %arg2[%dma_wait3A_173, %dma_wait3A_174] : memref<10000x128xf32, #tpu.memory_space<hbm>> -> memref<10000x128xf32, #tpu.memory_space<hbm>>
      tpu.wait_indirect_dma semaphore(%arg12 : memref<!tpu.dma_semaphore, #tpu.memory_space<semaphore_mem>>) src(%dma_wait3A_175 : memref<10000x128xf32, #tpu.memory_space<hbm>>) dst(%arg10 : memref<128x128xf32, #tpu.memory_space<vmem>>)
      %dma_wait3A_176 = arith.constant 1 : i32
      %dma_wait3A_177 = arith.constant 1 : i32
      %dma_wait3A_178 = arith.constant 0 : i32
      %dma_wait3A_179 = tpu.memref_slice %arg8[%dma_wait3A_176, %dma_wait3A_177, %dma_wait3A_178] : memref<3x2x128xi32, #tpu.memory_space<vmem>> -> memref<1x1x128xi32, #tpu.memory_space<vmem>>
      %dma_wait3A_180 = tpu.memref_squeeze %dma_wait3A_179 : memref<1x1x128xi32, #tpu.memory_space<vmem>> -> memref<128xi32, #tpu.memory_space<vmem>>
      %dma_wait3A_181 = arith.constant 0 : i32
      %dma_wait3A_182 = arith.constant 0 : i32
      %dma_wait3A_183 = tpu.memref_slice %arg7[%dma_wait3A_181, %dma_wait3A_182] : memref<10240x128xf32, #tpu.memory_space<vmem_shared>> -> memref<10240x128xf32, #tpu.memory_space<vmem_shared>>
      tpu.wait_indirect_dma semaphore(%arg13 : memref<!tpu.dma_semaphore, #tpu.memory_space<semaphore_mem>>) src(%arg11 : memref<128x128xf32, #tpu.memory_space<vmem>>) dst(%dma_wait3A_183 : memref<10240x128xf32, #tpu.memory_space<vmem_shared>>)
      %dma_start3A_184 = arith.constant 2 : i32
      %dma_start3A_185 = arith.constant 1 : i32
      %dma_start3A_186 = arith.constant 0 : i32
      %dma_start3A_187 = tpu.memref_slice %arg8[%dma_start3A_184, %dma_start3A_185, %dma_start3A_186] : memref<3x2x128xi32, #tpu.memory_space<vmem>> -> memref<1x1x128xi32, #tpu.memory_space<vmem>>
      %dma_start3A_188 = tpu.memref_squeeze %dma_start3A_187 : memref<1x1x128xi32, #tpu.memory_space<vmem>> -> memref<128xi32, #tpu.memory_space<vmem>>
      %dma_start3A_189 = arith.constant 0 : i32
      %dma_start3A_190 = arith.constant 0 : i32
      %dma_start3A_191 = tpu.memref_slice %arg7[%dma_start3A_189, %dma_start3A_190] : memref<10240x128xf32, #tpu.memory_space<vmem_shared>> -> memref<10240x128xf32, #tpu.memory_space<vmem_shared>>
      tpu.enqueue_indirect_dma source(%arg10 : memref<128x128xf32, #tpu.memory_space<vmem>>) target(%dma_start3A_191 : memref<10240x128xf32, #tpu.memory_space<vmem_shared>>) offsets(%dma_start3A_188 : memref<128xi32, #tpu.memory_space<vmem>>) semaphore(%arg13 : memref<!tpu.dma_semaphore, #tpu.memory_space<semaphore_mem>>) {add = true}
      %dma_wait3A_192 = arith.constant 2 : i32
      %dma_wait3A_193 = arith.constant 1 : i32
      %dma_wait3A_194 = arith.constant 0 : i32
      %dma_wait3A_195 = tpu.memref_slice %arg8[%dma_wait3A_192, %dma_wait3A_193, %dma_wait3A_194] : memref<3x2x128xi32, #tpu.memory_space<vmem>> -> memref<1x1x128xi32, #tpu.memory_space<vmem>>
      %dma_wait3A_196 = tpu.memref_squeeze %dma_wait3A_195 : memref<1x1x128xi32, #tpu.memory_space<vmem>> -> memref<128xi32, #tpu.memory_space<vmem>>
      %dma_wait3A_197 = arith.constant 0 : i32
      %dma_wait3A_198 = arith.constant 0 : i32
      %dma_wait3A_199 = tpu.memref_slice %arg7[%dma_wait3A_197, %dma_wait3A_198] : memref<10240x128xf32, #tpu.memory_space<vmem_shared>> -> memref<10240x128xf32, #tpu.memory_space<vmem_shared>>
      tpu.wait_indirect_dma semaphore(%arg13 : memref<!tpu.dma_semaphore, #tpu.memory_space<semaphore_mem>>) src(%arg10 : memref<128x128xf32, #tpu.memory_space<vmem>>) dst(%dma_wait3A_199 : memref<10240x128xf32, #tpu.memory_space<vmem_shared>>)
    }
    %scan3A_65 = arith.constant 26 : i32
    "tpu.region"() ({
      %run_scoped3A_86 = tpu.sem_alloc : memref<!tpu.dma_semaphore, #tpu.memory_space<semaphore_mem>>
      %dma_start3A_87 = arith.constant 0 : i32
      %dma_start3A_88 = arith.constant 0 : i32
      %dma_start3A_89 = tpu.memref_slice %arg4[%add3A, %dma_start3A_87, %dma_start3A_88] : memref<32x2x16xi32, #tpu.memory_space<hbm>> -> memref<1x2x16xi32, #tpu.memory_space<hbm>>
      %dma_start3A_90 = tpu.memref_squeeze %dma_start3A_89 : memref<1x2x16xi32, #tpu.memory_space<hbm>> -> memref<2x16xi32, #tpu.memory_space<hbm>>
      %dma_start3A_91 = arith.constant 0 : i32
      %dma_start3A_92 = arith.constant 0 : i32
      %dma_start3A_93 = tpu.memref_slice %arg4[%add3A, %dma_start3A_91, %dma_start3A_92] : memref<32x2x16xi32, #tpu.memory_space<hbm>> -> memref<1x2x16xi32, #tpu.memory_space<hbm>>
      %dma_start3A_94 = tpu.memref_squeeze %dma_start3A_93 : memref<1x2x16xi32, #tpu.memory_space<hbm>> -> memref<2x16xi32, #tpu.memory_space<hbm>>
      tpu.enqueue_dma source(%dma_start3A_94 : memref<2x16xi32, #tpu.memory_space<hbm>>) target(%arg9 : memref<2x16xi32, #tpu.memory_space<vmem>>) target_semaphore(%run_scoped3A_86 : memref<!tpu.dma_semaphore, #tpu.memory_space<semaphore_mem>>)
      %dma_wait3A_95 = arith.constant 0 : i32
      %dma_wait3A_96 = arith.constant 0 : i32
      %dma_wait3A_97 = tpu.memref_slice %arg4[%add3A, %dma_wait3A_95, %dma_wait3A_96] : memref<32x2x16xi32, #tpu.memory_space<hbm>> -> memref<1x2x16xi32, #tpu.memory_space<hbm>>
      %dma_wait3A_98 = tpu.memref_squeeze %dma_wait3A_97 : memref<1x2x16xi32, #tpu.memory_space<hbm>> -> memref<2x16xi32, #tpu.memory_space<hbm>>
      %dma_wait3A_99 = arith.constant 0 : i32
      %dma_wait3A_100 = arith.constant 0 : i32
      %dma_wait3A_101 = tpu.memref_slice %arg4[%add3A, %dma_wait3A_99, %dma_wait3A_100] : memref<32x2x16xi32, #tpu.memory_space<hbm>> -> memref<1x2x16xi32, #tpu.memory_space<hbm>>
      %dma_wait3A_102 = tpu.memref_squeeze %dma_wait3A_101 : memref<1x2x16xi32, #tpu.memory_space<hbm>> -> memref<2x16xi32, #tpu.memory_space<hbm>>
      tpu.wait_dma2 semaphore(%run_scoped3A_86 : memref<!tpu.dma_semaphore, #tpu.memory_space<semaphore_mem>>) src(%dma_wait3A_102 : memref<2x16xi32, #tpu.memory_space<hbm>>) dst(%arg9 : memref<2x16xi32, #tpu.memory_space<vmem>>)
      tpu.yield
    }) : () -> ()
    %dma_start3A = arith.constant 0 : i32
    %dma_start3A_66 = arith.constant 0 : i32
    %dma_start3A_67 = arith.constant 0 : i32
    %dma_start3A_68 = tpu.memref_slice %arg10[%dma_start3A_66, %dma_start3A_67] : memref<128x128xf32, #tpu.memory_space<vmem>> -> memref<16x128xf32, #tpu.memory_space<vmem>>
    %dma_start3A_69 = arith.constant 0 : i32
    %dma_start3A_70 = tpu.memref_slice %arg9[%dma_start3A, %dma_start3A_69] : memref<2x16xi32, #tpu.memory_space<vmem>> -> memref<1x16xi32, #tpu.memory_space<vmem>>
    %dma_start3A_71 = tpu.memref_squeeze %dma_start3A_70 : memref<1x16xi32, #tpu.memory_space<vmem>> -> memref<16xi32, #tpu.memory_space<vmem>>
    %dma_start3A_72 = arith.constant 0 : i32
    %dma_start3A_73 = arith.constant 0 : i32
    %dma_start3A_74 = tpu.memref_slice %arg2[%dma_start3A_72, %dma_start3A_73] : memref<10000x128xf32, #tpu.memory_space<hbm>> -> memref<10000x128xf32, #tpu.memory_space<hbm>>
    tpu.enqueue_indirect_dma source(%dma_start3A_74 : memref<10000x128xf32, #tpu.memory_space<hbm>>) target(%dma_start3A_68 : memref<16x128xf32, #tpu.memory_space<vmem>>) offsets(%dma_start3A_71 : memref<16xi32, #tpu.memory_space<vmem>>) semaphore(%arg12 : memref<!tpu.dma_semaphore, #tpu.memory_space<semaphore_mem>>)
    %dma_wait3A = arith.constant 0 : i32
    %dma_wait3A_75 = arith.constant 0 : i32
    %dma_wait3A_76 = arith.constant 0 : i32
    %dma_wait3A_77 = tpu.memref_slice %arg10[%dma_wait3A_75, %dma_wait3A_76] : memref<128x128xf32, #tpu.memory_space<vmem>> -> memref<16x128xf32, #tpu.memory_space<vmem>>
    %dma_wait3A_78 = arith.constant 0 : i32
    %dma_wait3A_79 = tpu.memref_slice %arg9[%dma_wait3A, %dma_wait3A_78] : memref<2x16xi32, #tpu.memory_space<vmem>> -> memref<1x16xi32, #tpu.memory_space<vmem>>
    %dma_wait3A_80 = tpu.memref_squeeze %dma_wait3A_79 : memref<1x16xi32, #tpu.memory_space<vmem>> -> memref<16xi32, #tpu.memory_space<vmem>>
    %dma_wait3A_81 = arith.constant 0 : i32
    %dma_wait3A_82 = arith.constant 0 : i32
    %dma_wait3A_83 = tpu.memref_slice %arg2[%dma_wait3A_81, %dma_wait3A_82] : memref<10000x128xf32, #tpu.memory_space<hbm>> -> memref<10000x128xf32, #tpu.memory_space<hbm>>
    tpu.wait_indirect_dma semaphore(%arg12 : memref<!tpu.dma_semaphore, #tpu.memory_space<semaphore_mem>>) src(%dma_wait3A_83 : memref<10000x128xf32, #tpu.memory_space<hbm>>) dst(%dma_wait3A_77 : memref<16x128xf32, #tpu.memory_space<vmem>>)
    %run_scoped3A_84 = arith.constant 1 : i32
    "tpu.region"() ({
      %run_scoped3A_86 = tpu.sem_alloc : memref<!tpu.dma_semaphore, #tpu.memory_space<semaphore_mem>>
      %dma_start3A_87 = arith.constant 0 : i32
      %dma_start3A_88 = arith.constant 0 : i32
      %dma_start3A_89 = tpu.memref_slice %arg10[%dma_start3A_87, %dma_start3A_88] : memref<128x128xf32, #tpu.memory_space<vmem>> -> memref<16x128xf32, #tpu.memory_space<vmem>>
      %dma_start3A_90 = arith.constant 0 : i32
      %dma_start3A_91 = tpu.memref_slice %arg9[%run_scoped3A_84, %dma_start3A_90] : memref<2x16xi32, #tpu.memory_space<vmem>> -> memref<1x16xi32, #tpu.memory_space<vmem>>
      %dma_start3A_92 = tpu.memref_squeeze %dma_start3A_91 : memref<1x16xi32, #tpu.memory_space<vmem>> -> memref<16xi32, #tpu.memory_space<vmem>>
      %dma_start3A_93 = arith.constant 0 : i32
      %dma_start3A_94 = arith.constant 0 : i32
      %dma_start3A_95 = tpu.memref_slice %arg7[%dma_start3A_93, %dma_start3A_94] : memref<10240x128xf32, #tpu.memory_space<vmem_shared>> -> memref<10240x128xf32, #tpu.memory_space<vmem_shared>>
      tpu.enqueue_indirect_dma source(%dma_start3A_89 : memref<16x128xf32, #tpu.memory_space<vmem>>) target(%dma_start3A_95 : memref<10240x128xf32, #tpu.memory_space<vmem_shared>>) offsets(%dma_start3A_92 : memref<16xi32, #tpu.memory_space<vmem>>) semaphore(%run_scoped3A_86 : memref<!tpu.dma_semaphore, #tpu.memory_space<semaphore_mem>>) {add = true}
      %dma_wait3A_96 = arith.constant 0 : i32
      %dma_wait3A_97 = arith.constant 0 : i32
      %dma_wait3A_98 = tpu.memref_slice %arg10[%dma_wait3A_96, %dma_wait3A_97] : memref<128x128xf32, #tpu.memory_space<vmem>> -> memref<16x128xf32, #tpu.memory_space<vmem>>
      %dma_wait3A_99 = arith.constant 0 : i32
      %dma_wait3A_100 = tpu.memref_slice %arg9[%run_scoped3A_84, %dma_wait3A_99] : memref<2x16xi32, #tpu.memory_space<vmem>> -> memref<1x16xi32, #tpu.memory_space<vmem>>
      %dma_wait3A_101 = tpu.memref_squeeze %dma_wait3A_100 : memref<1x16xi32, #tpu.memory_space<vmem>> -> memref<16xi32, #tpu.memory_space<vmem>>
      %dma_wait3A_102 = arith.constant 0 : i32
      %dma_wait3A_103 = arith.constant 0 : i32
      %dma_wait3A_104 = tpu.memref_slice %arg7[%dma_wait3A_102, %dma_wait3A_103] : memref<10240x128xf32, #tpu.memory_space<vmem_shared>> -> memref<10240x128xf32, #tpu.memory_space<vmem_shared>>
      tpu.wait_indirect_dma semaphore(%run_scoped3A_86 : memref<!tpu.dma_semaphore, #tpu.memory_space<semaphore_mem>>) src(%dma_wait3A_98 : memref<16x128xf32, #tpu.memory_space<vmem>>) dst(%dma_wait3A_104 : memref<10240x128xf32, #tpu.memory_space<vmem_shared>>)
      tpu.yield
    }) : () -> ()
    %barrier3A_85 = arith.constant 0 : index
    tpu.barrier barrier_id(%barrier3A_85)
    "tpu.region"() ({
      %run_scoped3A_86 = tpu.sem_alloc : memref<!tpu.dma_semaphore, #tpu.memory_space<semaphore_mem>>
      %dma_start3A_87 = arith.constant 0 : i32
      %dma_start3A_88 = tpu.memref_slice %arg5[%arg0, %mul3A_2, %dma_start3A_87] : memref<2x10240x128xf32, #tpu.memory_space<hbm>> -> memref<1x640x128xf32, #tpu.memory_space<hbm>>
      %dma_start3A_89 = tpu.memref_squeeze %dma_start3A_88 : memref<1x640x128xf32, #tpu.memory_space<hbm>> -> memref<640x128xf32, #tpu.memory_space<hbm>>
      %dma_start3A_90 = arith.constant 0 : i32
      %dma_start3A_91 = tpu.memref_slice %arg7[%mul3A_2, %dma_start3A_90] : memref<10240x128xf32, #tpu.memory_space<vmem_shared>> -> memref<640x128xf32, #tpu.memory_space<vmem_shared>>
      tpu.enqueue_dma source(%dma_start3A_91 : memref<640x128xf32, #tpu.memory_space<vmem_shared>>) target(%dma_start3A_89 : memref<640x128xf32, #tpu.memory_space<hbm>>) target_semaphore(%run_scoped3A_86 : memref<!tpu.dma_semaphore, #tpu.memory_space<semaphore_mem>>)
      %dma_wait3A_92 = arith.constant 0 : i32
      %dma_wait3A_93 = tpu.memref_slice %arg5[%arg0, %mul3A_2, %dma_wait3A_92] : memref<2x10240x128xf32, #tpu.memory_space<hbm>> -> memref<1x640x128xf32, #tpu.memory_space<hbm>>
      %dma_wait3A_94 = tpu.memref_squeeze %dma_wait3A_93 : memref<1x640x128xf32, #tpu.memory_space<hbm>> -> memref<640x128xf32, #tpu.memory_space<hbm>>
      %dma_wait3A_95 = arith.constant 0 : i32
      %dma_wait3A_96 = tpu.memref_slice %arg7[%mul3A_2, %dma_wait3A_95] : memref<10240x128xf32, #tpu.memory_space<vmem_shared>> -> memref<640x128xf32, #tpu.memory_space<vmem_shared>>
      tpu.wait_dma2 semaphore(%run_scoped3A_86 : memref<!tpu.dma_semaphore, #tpu.memory_space<semaphore_mem>>) src(%dma_wait3A_96 : memref<640x128xf32, #tpu.memory_space<vmem_shared>>) dst(%dma_wait3A_94 : memref<640x128xf32, #tpu.memory_space<hbm>>)
      tpu.yield
    }) : () -> ()
    return
  }
}

module attributes {stable_mosaic.version = 14 : i64} {
  func.func @_tc_body(%arg0: i32, %arg1: memref<2x400x128xf32, #tpu.memory_space<vmem>>, %arg2: memref<2x400x128xf32, #tpu.memory_space<vmem>>, %arg3: memref<400x128xf32, #tpu.memory_space<vmem>>, %arg4: memref<128x128xf32, #tpu.memory_space<vmem>>, %arg5: memref<1x128xf32, #tpu.memory_space<vmem>>, %arg6: memref<128x128xf32, #tpu.memory_space<vmem>>, %arg7: memref<400x128xf32, #tpu.memory_space<vmem>>) attributes {dimension_semantics = [#tpu.dimension_semantics<arbitrary>], iteration_bounds = array<i64: 25>, scalar_prefetch = 0 : i64, scratch_operands = 0 : i64, tpu.core_type = #tpu.core_type<tc>, window_params = [{transform_indices = @transform_0, window_bounds = array<i64: 2, 400, 128>}, {transform_indices = @transform_1, window_bounds = array<i64: 2, 400, 128>}, {transform_indices = @transform_2, window_bounds = array<i64: 400, 128>}, {pipeline_mode = #tpu.pipeline_mode<synchronous>, transform_indices = @transform_3, window_bounds = array<i64: 128, 128>}, {pipeline_mode = #tpu.pipeline_mode<synchronous>, transform_indices = @transform_4, window_bounds = array<i64: 1, 128>}, {pipeline_mode = #tpu.pipeline_mode<synchronous>, transform_indices = @transform_5, window_bounds = array<i64: 128, 128>}, {transform_indices = @transform_6, window_bounds = array<i64: 400, 128>}]} {
    %get3A = arith.constant 0 : index
    %get3A_0 = arith.constant 0 : index
    %get3A_1 = arith.constant 0 : index
    %get3A_2 = vector.load %arg1[%get3A, %get3A_0, %get3A_1] : memref<2x400x128xf32, #tpu.memory_space<vmem>>, vector<1x400x128xf32>
    %get3A_3 = vector.shape_cast %get3A_2 : vector<1x400x128xf32> to vector<400x128xf32>
    %get3A_4 = arith.constant 1 : index
    %get3A_5 = arith.constant 0 : index
    %get3A_6 = arith.constant 0 : index
    %get3A_7 = vector.load %arg1[%get3A_4, %get3A_5, %get3A_6] : memref<2x400x128xf32, #tpu.memory_space<vmem>>, vector<1x400x128xf32>
    %get3A_8 = vector.shape_cast %get3A_7 : vector<1x400x128xf32> to vector<400x128xf32>
    %add3A = arith.addf %get3A_3, %get3A_8 : vector<400x128xf32>
    %get3A_9 = arith.constant 0 : index
    %get3A_10 = arith.constant 0 : index
    %get3A_11 = arith.constant 0 : index
    %get3A_12 = vector.load %arg2[%get3A_9, %get3A_10, %get3A_11] : memref<2x400x128xf32, #tpu.memory_space<vmem>>, vector<1x400x128xf32>
    %get3A_13 = vector.shape_cast %get3A_12 : vector<1x400x128xf32> to vector<400x128xf32>
    %slice3A = vector.extract_strided_slice %get3A_13 {offsets = [0, 0], sizes = [400, 1], strides = [1, 1]} : vector<400x128xf32> to vector<400x1xf32>
    %get3A_14 = arith.constant 1 : index
    %get3A_15 = arith.constant 0 : index
    %get3A_16 = arith.constant 0 : index
    %get3A_17 = vector.load %arg2[%get3A_14, %get3A_15, %get3A_16] : memref<2x400x128xf32, #tpu.memory_space<vmem>>, vector<1x400x128xf32>
    %get3A_18 = vector.shape_cast %get3A_17 : vector<1x400x128xf32> to vector<400x128xf32>
    %slice3A_19 = vector.extract_strided_slice %get3A_18 {offsets = [0, 0], sizes = [400, 1], strides = [1, 1]} : vector<400x128xf32> to vector<400x1xf32>
    %add3A_20 = arith.addf %slice3A, %slice3A_19 : vector<400x1xf32>
    %max3A = arith.constant 1.000000e+00 : f32
    %max3A_21 = vector.broadcast %max3A : f32 to vector<400x1xf32>
    %max3A_22 = arith.maximumf %add3A_20, %max3A_21 : vector<400x1xf32>
    %div3A = vector.broadcast %max3A_22 : vector<400x1xf32> to vector<400x128xf32>
    %div3A_23 = arith.divf %add3A, %div3A : vector<400x128xf32>
    %get3A_24 = arith.constant 0 : index
    %get3A_25 = arith.constant 0 : index
    %get3A_26 = vector.load %arg4[%get3A_24, %get3A_25] : memref<128x128xf32, #tpu.memory_space<vmem>>, vector<128x128xf32>
    %dot_general3A = arith.constant dense<0.000000e+00> : vector<400x128xf32>
    %dot_general3A_27 = tpu.matmul %div3A_23, %get3A_26, %dot_general3A {dimension_numbers = #tpu.dot_dimension_numbers<[1], [1], [0], [0], [0, 0, 1, 0], [], []>, transpose_lhs_hint = false} : vector<400x128xf32>, vector<128x128xf32>, vector<400x128xf32> -> vector<400x128xf32>
    %get3A_28 = arith.constant 0 : index
    %get3A_29 = arith.constant 0 : index
    %get3A_30 = vector.load %arg5[%get3A_28, %get3A_29] : memref<1x128xf32, #tpu.memory_space<vmem>>, vector<1x128xf32>
    %add3A_31 = vector.broadcast %get3A_30 : vector<1x128xf32> to vector<400x128xf32>
    %add3A_32 = arith.addf %dot_general3A_27, %add3A_31 : vector<400x128xf32>
    %get3A_33 = arith.constant 0 : index
    %get3A_34 = arith.constant 0 : index
    %get3A_35 = vector.load %arg3[%get3A_33, %get3A_34] : memref<400x128xf32, #tpu.memory_space<vmem>>, vector<400x128xf32>
    %get3A_36 = arith.constant 0 : index
    %get3A_37 = arith.constant 0 : index
    %get3A_38 = vector.load %arg6[%get3A_36, %get3A_37] : memref<128x128xf32, #tpu.memory_space<vmem>>, vector<128x128xf32>
    %dot_general3A_39 = arith.constant dense<0.000000e+00> : vector<400x128xf32>
    %dot_general3A_40 = tpu.matmul %get3A_35, %get3A_38, %dot_general3A_39 {dimension_numbers = #tpu.dot_dimension_numbers<[1], [1], [0], [0], [0, 0, 1, 0], [], []>, transpose_lhs_hint = false} : vector<400x128xf32>, vector<128x128xf32>, vector<400x128xf32> -> vector<400x128xf32>
    %add3A_41 = arith.addf %add3A_32, %dot_general3A_40 : vector<400x128xf32>
    %gt3A = arith.constant 0.000000e+00 : f32
    %gt3A_42 = vector.broadcast %gt3A : f32 to vector<400x128xf32>
    %gt3A_43 = arith.cmpf ogt, %add3A_41, %gt3A_42 : vector<400x128xf32>
    %min3A = arith.constant 0.000000e+00 : f32
    %min3A_44 = vector.broadcast %min3A : f32 to vector<400x128xf32>
    %min3A_45 = arith.minimumf %add3A_41, %min3A_44 : vector<400x128xf32>
    %exp3A = math.exp %min3A_45 : vector<400x128xf32>
    %sub3A = arith.constant 1.000000e+00 : f32
    %sub3A_46 = vector.broadcast %sub3A : f32 to vector<400x128xf32>
    %sub3A_47 = arith.subf %exp3A, %sub3A_46 : vector<400x128xf32>
    %select_n3A = arith.select %gt3A_43, %add3A_41, %sub3A_47 : vector<400x128xi1>, vector<400x128xf32>
    %swap3A = arith.constant 0 : index
    %swap3A_48 = arith.constant 0 : index
    %swap3A_49 = vector.load %arg7[%swap3A, %swap3A_48] : memref<400x128xf32, #tpu.memory_space<vmem>>, vector<400x128xf32>
    tpu.vector_store %arg7[%swap3A, %swap3A_48], %select_n3A {strides = array<i32>} : memref<400x128xf32, #tpu.memory_space<vmem>>, vector<400x128xf32>,
    return
  }
  func.func @transform_0(%arg0: i32) -> (i32, i32, i32) {
    %c0_i32 = arith.constant 0 : i32
    %c0_i32_0 = arith.constant 0 : i32
    %c0_i32_1 = arith.constant 0 : i32
    return %c0_i32, %arg0, %c0_i32_0 : i32, i32, i32
  }
  func.func @transform_1(%arg0: i32) -> (i32, i32, i32) {
    %c0_i32 = arith.constant 0 : i32
    %c0_i32_0 = arith.constant 0 : i32
    %c0_i32_1 = arith.constant 0 : i32
    return %c0_i32, %arg0, %c0_i32_0 : i32, i32, i32
  }
  func.func @transform_2(%arg0: i32) -> (i32, i32) {
    %c0_i32 = arith.constant 0 : i32
    %c0_i32_0 = arith.constant 0 : i32
    return %arg0, %c0_i32 : i32, i32
  }
  func.func @transform_3(%arg0: i32) -> (i32, i32) {
    %c0_i32 = arith.constant 0 : i32
    %c0_i32_0 = arith.constant 0 : i32
    %c0_i32_1 = arith.constant 0 : i32
    return %c0_i32, %c0_i32_0 : i32, i32
  }
  func.func @transform_4(%arg0: i32) -> (i32, i32) {
    %c0_i32 = arith.constant 0 : i32
    %c0_i32_0 = arith.constant 0 : i32
    %c0_i32_1 = arith.constant 0 : i32
    return %c0_i32, %c0_i32_0 : i32, i32
  }
  func.func @transform_5(%arg0: i32) -> (i32, i32) {
    %c0_i32 = arith.constant 0 : i32
    %c0_i32_0 = arith.constant 0 : i32
    %c0_i32_1 = arith.constant 0 : i32
    return %c0_i32, %c0_i32_0 : i32, i32
  }
  func.func @transform_6(%arg0: i32) -> (i32, i32) {
    %c0_i32 = arith.constant 0 : i32
    %c0_i32_0 = arith.constant 0 : i32
    return %arg0, %c0_i32 : i32, i32
  }
}

module attributes {stable_mosaic.version = 14 : i64} {
  func.func @_tc_body(%arg0: i32, %arg1: memref<2x400x128xf32, #tpu.memory_space<vmem>>, %arg2: memref<2x400x128xf32, #tpu.memory_space<vmem>>, %arg3: memref<400x128xf32, #tpu.memory_space<vmem>>, %arg4: memref<128x128xf32, #tpu.memory_space<vmem>>, %arg5: memref<1x128xf32, #tpu.memory_space<vmem>>, %arg6: memref<128x128xf32, #tpu.memory_space<vmem>>, %arg7: memref<400x128xf32, #tpu.memory_space<vmem>>) attributes {dimension_semantics = [#tpu.dimension_semantics<arbitrary>], iteration_bounds = array<i64: 25>, scalar_prefetch = 0 : i64, scratch_operands = 0 : i64, tpu.core_type = #tpu.core_type<tc>, window_params = [{transform_indices = @transform_0, window_bounds = array<i64: 2, 400, 128>}, {transform_indices = @transform_1, window_bounds = array<i64: 2, 400, 128>}, {transform_indices = @transform_2, window_bounds = array<i64: 400, 128>}, {pipeline_mode = #tpu.pipeline_mode<synchronous>, transform_indices = @transform_3, window_bounds = array<i64: 128, 128>}, {pipeline_mode = #tpu.pipeline_mode<synchronous>, transform_indices = @transform_4, window_bounds = array<i64: 1, 128>}, {pipeline_mode = #tpu.pipeline_mode<synchronous>, transform_indices = @transform_5, window_bounds = array<i64: 128, 128>}, {transform_indices = @transform_6, window_bounds = array<i64: 400, 128>}]} {
    %get3A = arith.constant 0 : index
    %get3A_0 = arith.constant 0 : index
    %get3A_1 = arith.constant 0 : index
    %get3A_2 = vector.load %arg1[%get3A, %get3A_0, %get3A_1] : memref<2x400x128xf32, #tpu.memory_space<vmem>>, vector<1x400x128xf32>
    %get3A_3 = vector.shape_cast %get3A_2 : vector<1x400x128xf32> to vector<400x128xf32>
    %get3A_4 = arith.constant 1 : index
    %get3A_5 = arith.constant 0 : index
    %get3A_6 = arith.constant 0 : index
    %get3A_7 = vector.load %arg1[%get3A_4, %get3A_5, %get3A_6] : memref<2x400x128xf32, #tpu.memory_space<vmem>>, vector<1x400x128xf32>
    %get3A_8 = vector.shape_cast %get3A_7 : vector<1x400x128xf32> to vector<400x128xf32>
    %add3A = arith.addf %get3A_3, %get3A_8 : vector<400x128xf32>
    %get3A_9 = arith.constant 0 : index
    %get3A_10 = arith.constant 0 : index
    %get3A_11 = arith.constant 0 : index
    %get3A_12 = vector.load %arg2[%get3A_9, %get3A_10, %get3A_11] : memref<2x400x128xf32, #tpu.memory_space<vmem>>, vector<1x400x128xf32>
    %get3A_13 = vector.shape_cast %get3A_12 : vector<1x400x128xf32> to vector<400x128xf32>
    %slice3A = vector.extract_strided_slice %get3A_13 {offsets = [0, 0], sizes = [400, 1], strides = [1, 1]} : vector<400x128xf32> to vector<400x1xf32>
    %get3A_14 = arith.constant 1 : index
    %get3A_15 = arith.constant 0 : index
    %get3A_16 = arith.constant 0 : index
    %get3A_17 = vector.load %arg2[%get3A_14, %get3A_15, %get3A_16] : memref<2x400x128xf32, #tpu.memory_space<vmem>>, vector<1x400x128xf32>
    %get3A_18 = vector.shape_cast %get3A_17 : vector<1x400x128xf32> to vector<400x128xf32>
    %slice3A_19 = vector.extract_strided_slice %get3A_18 {offsets = [0, 0], sizes = [400, 1], strides = [1, 1]} : vector<400x128xf32> to vector<400x1xf32>
    %add3A_20 = arith.addf %slice3A, %slice3A_19 : vector<400x1xf32>
    %max3A = arith.constant 1.000000e+00 : f32
    %max3A_21 = vector.broadcast %max3A : f32 to vector<400x1xf32>
    %max3A_22 = arith.maximumf %add3A_20, %max3A_21 : vector<400x1xf32>
    %div3A = vector.broadcast %max3A_22 : vector<400x1xf32> to vector<400x128xf32>
    %div3A_23 = arith.divf %add3A, %div3A : vector<400x128xf32>
    %get3A_24 = arith.constant 0 : index
    %get3A_25 = arith.constant 0 : index
    %get3A_26 = vector.load %arg4[%get3A_24, %get3A_25] : memref<128x128xf32, #tpu.memory_space<vmem>>, vector<128x128xf32>
    %dot_general3A = arith.constant dense<0.000000e+00> : vector<400x128xf32>
    %dot_general3A_27 = tpu.matmul %div3A_23, %get3A_26, %dot_general3A {dimension_numbers = #tpu.dot_dimension_numbers<[1], [1], [0], [0], [0, 0, 1, 0], [], []>, transpose_lhs_hint = false} : vector<400x128xf32>, vector<128x128xf32>, vector<400x128xf32> -> vector<400x128xf32>
    %get3A_28 = arith.constant 0 : index
    %get3A_29 = arith.constant 0 : index
    %get3A_30 = vector.load %arg5[%get3A_28, %get3A_29] : memref<1x128xf32, #tpu.memory_space<vmem>>, vector<1x128xf32>
    %add3A_31 = vector.broadcast %get3A_30 : vector<1x128xf32> to vector<400x128xf32>
    %add3A_32 = arith.addf %dot_general3A_27, %add3A_31 : vector<400x128xf32>
    %get3A_33 = arith.constant 0 : index
    %get3A_34 = arith.constant 0 : index
    %get3A_35 = vector.load %arg3[%get3A_33, %get3A_34] : memref<400x128xf32, #tpu.memory_space<vmem>>, vector<400x128xf32>
    %get3A_36 = arith.constant 0 : index
    %get3A_37 = arith.constant 0 : index
    %get3A_38 = vector.load %arg6[%get3A_36, %get3A_37] : memref<128x128xf32, #tpu.memory_space<vmem>>, vector<128x128xf32>
    %dot_general3A_39 = arith.constant dense<0.000000e+00> : vector<400x128xf32>
    %dot_general3A_40 = tpu.matmul %get3A_35, %get3A_38, %dot_general3A_39 {dimension_numbers = #tpu.dot_dimension_numbers<[1], [1], [0], [0], [0, 0, 1, 0], [], []>, transpose_lhs_hint = false} : vector<400x128xf32>, vector<128x128xf32>, vector<400x128xf32> -> vector<400x128xf32>
    %add3A_41 = arith.addf %add3A_32, %dot_general3A_40 : vector<400x128xf32>
    %gt3A = arith.constant 0.000000e+00 : f32
    %gt3A_42 = vector.broadcast %gt3A : f32 to vector<400x128xf32>
    %gt3A_43 = arith.cmpf ogt, %add3A_41, %gt3A_42 : vector<400x128xf32>
    %min3A = arith.constant 0.000000e+00 : f32
    %min3A_44 = vector.broadcast %min3A : f32 to vector<400x128xf32>
    %min3A_45 = arith.minimumf %add3A_41, %min3A_44 : vector<400x128xf32>
    %exp3A = math.exp %min3A_45 : vector<400x128xf32>
    %sub3A = arith.constant 1.000000e+00 : f32
    %sub3A_46 = vector.broadcast %sub3A : f32 to vector<400x128xf32>
    %sub3A_47 = arith.subf %exp3A, %sub3A_46 : vector<400x128xf32>
    %select_n3A = arith.select %gt3A_43, %add3A_41, %sub3A_47 : vector<400x128xi1>, vector<400x128xf32>
    %reduce_max3A = arith.constant dense<0xFF800000> : vector<400xf32>
    %reduce_max3A_48 = vector.multi_reduction <maximumf>, %select_n3A, %reduce_max3A [1] : vector<400x128xf32> to vector<400xf32>
    %broadcast_in_dim3A = vector.shape_cast %reduce_max3A_48 : vector<400xf32> to vector<400x1xf32>
    %sub3A_49 = vector.broadcast %broadcast_in_dim3A : vector<400x1xf32> to vector<400x128xf32>
    %sub3A_50 = arith.subf %select_n3A, %sub3A_49 : vector<400x128xf32>
    %sub3A_51 = vector.broadcast %broadcast_in_dim3A : vector<400x1xf32> to vector<400x128xf32>
    %sub3A_52 = arith.subf %select_n3A, %sub3A_51 : vector<400x128xf32>
    %exp3A_53 = math.exp %sub3A_52 : vector<400x128xf32>
    %reduce_sum3A = arith.constant dense<0.000000e+00> : vector<400xf32>
    %reduce_sum3A_54 = vector.multi_reduction <add>, %exp3A_53, %reduce_sum3A [1] : vector<400x128xf32> to vector<400xf32>
    %broadcast_in_dim3A_55 = vector.shape_cast %reduce_sum3A_54 : vector<400xf32> to vector<400x1xf32>
    %log3A = math.log %broadcast_in_dim3A_55 : vector<400x1xf32>
    %sub3A_56 = vector.broadcast %log3A : vector<400x1xf32> to vector<400x128xf32>
    %sub3A_57 = arith.subf %sub3A_50, %sub3A_56 : vector<400x128xf32>
    %swap3A = arith.constant 0 : index
    %swap3A_58 = arith.constant 0 : index
    %swap3A_59 = vector.load %arg7[%swap3A, %swap3A_58] : memref<400x128xf32, #tpu.memory_space<vmem>>, vector<400x128xf32>
    tpu.vector_store %arg7[%swap3A, %swap3A_58], %sub3A_57 {strides = array<i32>} : memref<400x128xf32, #tpu.memory_space<vmem>>, vector<400x128xf32>,
    return
  }
  func.func @transform_0(%arg0: i32) -> (i32, i32, i32) {
    %c0_i32 = arith.constant 0 : i32
    %c0_i32_0 = arith.constant 0 : i32
    %c0_i32_1 = arith.constant 0 : i32
    return %c0_i32, %arg0, %c0_i32_0 : i32, i32, i32
  }
  func.func @transform_1(%arg0: i32) -> (i32, i32, i32) {
    %c0_i32 = arith.constant 0 : i32
    %c0_i32_0 = arith.constant 0 : i32
    %c0_i32_1 = arith.constant 0 : i32
    return %c0_i32, %arg0, %c0_i32_0 : i32, i32, i32
  }
  func.func @transform_2(%arg0: i32) -> (i32, i32) {
    %c0_i32 = arith.constant 0 : i32
    %c0_i32_0 = arith.constant 0 : i32
    return %arg0, %c0_i32 : i32, i32
  }
  func.func @transform_3(%arg0: i32) -> (i32, i32) {
    %c0_i32 = arith.constant 0 : i32
    %c0_i32_0 = arith.constant 0 : i32
    %c0_i32_1 = arith.constant 0 : i32
    return %c0_i32, %c0_i32_0 : i32, i32
  }
  func.func @transform_4(%arg0: i32) -> (i32, i32) {
    %c0_i32 = arith.constant 0 : i32
    %c0_i32_0 = arith.constant 0 : i32
    %c0_i32_1 = arith.constant 0 : i32
    return %c0_i32, %c0_i32_0 : i32, i32
  }
  func.func @transform_5(%arg0: i32) -> (i32, i32) {
    %c0_i32 = arith.constant 0 : i32
    %c0_i32_0 = arith.constant 0 : i32
    %c0_i32_1 = arith.constant 0 : i32
    return %c0_i32, %c0_i32_0 : i32, i32
  }
  func.func @transform_6(%arg0: i32) -> (i32, i32) {
    %c0_i32 = arith.constant 0 : i32
    %c0_i32_0 = arith.constant 0 : i32
    return %arg0, %c0_i32 : i32, i32
  }
}

</mosaic_0001>

<sc_bundles>
// kernel: kernel.6.cloned.1.call-start
scs
__scs_entry_jumppad:
0x0: {  	(pc) =	sbr.rel $0x88, $3  }
0x1: {  	(tag) =	ssettag $0x0;
	lr =	simm.s32 $0x1  }
0x2: {  	[smem:$0x3F99] =	sst lr;
	_ =	strace $0xD0000000  }
0x3: {  	_ = 	snop  }
0x4: {  	_ = 	snop  }
0x5: {  	_ = 	snop  }
0x6: {  	_ = 	snop  }
0x7: {  	_ = 	snop  }
__scs_overlays_trampoline_lowered:
0x8: {  	[smem:$0x3FA8] =	sst s0  }
0x9: {  	[smem:$0x3FA9] =	sst s1  }
0xa: {  	[smem:$0x3FAA] =	sst s2  }
0xb: {  	[smem:$0x3FAB] =	sst s3  }
0xc: {  	[smem:$0x3FAC] =	sst s4  }
0xd: {  	[smem:$0x3FAD] =	sst s5  }
0xe: {  	[smem:$0x3FAE] =	sst s6  }
0xf: {  	[smem:$0x3FAF] =	sst s7  }
0x10: {  	[smem:$0x3FB0] =	sst s8  }
0x11: {  	[smem:$0x3FB1] =	sst s9;
	s0 =	simm.s32 @!p0 $0x0  }
0x12: {  	s1 =	sld [smem:$0x3F97];
	s0 =	simm.s32 @p0 $0x1  }
0x13: {  	[smem:$0x3FB2] =	sst s0;
	s0 =	simm.s32 @!p1 $0x0  }
0x14: {  	s2 =	sld [smem:$0x3F96];
	s0 =	simm.s32 @p1 $0x1  }
0x15: {  	[smem:$0x3FB3] =	sst s0;
	s0 =	simm.s32 @!p2 $0x0  }
0x16: {  	s3 =	sld [smem:$0x3FDB];
	s0 =	simm.s32 @p2 $0x1  }
0x17: {  	s4 =	simm.s32 $0x1BF5;
	[smem:$0x3FB5] =	sst s0  }
0x18: {  	s0 =	sld [smem:$0x3F98];
	_ =	swait.ge [sflag:s4], $0x0  }
0x19: {  	s7 =	sld [smem:$0x3F99]  }
0x1a: {  	s8 =	sadd.s32 $0xFFFFE003, lr  }
0x1b: {  	s9 =	sadd.s32 $0xFFFFFEF7, lr;
	s5 =	simm.s32 $0xFFFFFFFF;
	p2 =	slt.u32 s8, $0xFFFFF086  }
0x1c: {  	p1 =	slt.u32 s9, $0xF7A;
	s5 =	simm.s32 @!p2 $0x0  }
0x1d: {  	s5 =	simm.s32 @p1 $0x1;
	p0 =	seq.s32 s7, s2  }
0x1e: {  	s7 =	smul.u32 @!p0 $0xF7A, s2;
	p2 =	seq.s32 @!p0 s5, $0x0  }
0x1f: {  	s9 =	smul.u32 $0xF7A, s1;
	s8 =	simm.s32 @!p0 $0x1BF5;
	p2 =	por !p2, p0  }
0x20: {  	[sflag:s8] =	ssyncset.s32 @!p0 $0xFFFFF086;
	s6 =	sadd.s32 @!p0 s3, s7;
	s7 =	simm.s32 @!p0 $0x108  }
0x21: {  	s3 =	sadd.s32 s3, s9;
	s6 =	sadd.s32 @!p0 $0x88, s6;
	s7 =	simm.s32 @p2 $0x1082  }
0x22: {  	[simem:s7], [sflag:s8] =	dma.local @!p0 [hbm:s6], $0xF7A  }
0x23: {  	s9 =	sor.u32 $0xD0000000, s2;
	s6 =	simm.s32 $0x108;
	_ =	swait.ge @!p0 [sflag:s8], $0x0  }
0x24: {  	s3 =	sadd.s32 $0x88, s3;
	s6 =	simm.s32 @!p1 $0x1082;
	[sflag:s4] =	ssyncset.s32 $0xFFFFF086  }
0x25: {  	[simem:s6], [sflag:s4] =	dma.local [hbm:s3], $0xF7A  }
0x26: {  	[smem:$0x3F99] =	sst s1;
	(tag) =	ssettag s2;
	_ =	strace s9  }
0x27: {  	s1 =	sld [smem:$0x3FA9]  }
0x28: {  	s2 =	sld [smem:$0x3FAA]  }
0x29: {  	s4 =	sld [smem:$0x3FAC]  }
0x2a: {  	p0 =	seq.s32 s5, $0x0;
	s5 =	sld [smem:$0x3FAD]  }
0x2b: {  	s6 =	sld [smem:$0x3FAE]  }
0x2c: {  	s7 =	sld [smem:$0x3FAF]  }
0x2d: {  	s3 =	simm.s32 $0x108;
	s8 =	sld [smem:$0x3FB0]  }
0x2e: {  	s3 =	simm.s32 @!p0 $0x1082;
	s9 =	sld [smem:$0x3FB1]  }
0x2f: {  	lr =	sadd.s32 s0, s3;
	s0 =	sld [smem:$0x3FA8]  }
0x30: {  	s3 =	sld [smem:$0x3FAB]  }
0x31: {  	[smem:$0x3FB4] =	sst s10  }
0x32: {  	s10 =	sld [smem:$0x3FB2];
	_ =	sdelay $0x3  }
0x33: {  	p0 =	seq.s32 s10, $0x1;
	s10 =	sld [smem:$0x3FB4];
	_ =	sdelay $0x3  }
0x34: {  	[smem:$0x3FB4] =	sst s10  }
0x35: {  	s10 =	sld [smem:$0x3FB3];
	_ =	sdelay $0x3  }
0x36: {  	p1 =	seq.s32 s10, $0x1;
	s10 =	sld [smem:$0x3FB4];
	_ =	sdelay $0x3  }
0x37: {  	[smem:$0x3FB4] =	sst s10  }
0x38: {  	s10 =	sld [smem:$0x3FB5]  }
0x39: {  	_ = 	snop;
	(pc) =	sbr.ind lr, $3  }
0x3a: {  	_ = 	snop  }
0x3b: {  	_ = 	snop  }
0x3c: {  	p2 =	seq.s32 s10, $0x1;
	s10 =	sld [smem:$0x3FB4]  }
0x3d: {  	_ =	shalt  }
0x3e: {  	_ =	shalt  }
0x3f: {  	_ =	shalt  }
0x40: {  	_ =	shalt  }
0x41: {  	_ =	shalt  }
0x42: {  	_ =	shalt  }
0x43: {  	_ =	shalt  }
0x44: {  	_ =	shalt  }
0x45: {  	_ =	shalt  }
0x46: {  	_ =	shalt  }
0x47: {  	_ =	shalt  }
0x48: {  	_ =	shalt  }
0x49: {  	_ =	shalt  }
0x4a: {  	_ =	shalt  }
0x4b: {  	_ =	shalt  }
0x4c: {  	_ =	shalt  }
0x4d: {  	_ =	shalt  }
0x4e: {  	_ =	shalt  }
0x4f: {  	_ =	shalt  }
0x50: {  	_ =	shalt  }
0x51: {  	_ =	shalt  }
0x52: {  	_ =	shalt  }
0x53: {  	_ =	shalt  }
0x54: {  	_ =	shalt  }
0x55: {  	_ =	shalt  }
0x56: {  	_ =	shalt  }
0x57: {  	_ =	shalt  }
0x58: {  	_ =	shalt  }
0x59: {  	_ =	shalt  }
0x5a: {  	_ =	shalt  }
0x5b: {  	_ =	shalt  }
0x5c: {  	_ =	shalt  }
0x5d: {  	_ =	shalt  }
0x5e: {  	_ =	shalt  }
0x5f: {  	_ =	shalt  }
0x60: {  	_ =	shalt  }
0x61: {  	_ =	shalt  }
0x62: {  	_ =	shalt  }
0x63: {  	_ =	shalt  }
0x64: {  	_ =	shalt  }
0x65: {  	_ =	shalt  }
0x66: {  	_ =	shalt  }
0x67: {  	_ =	shalt  }
0x68: {  	_ =	shalt  }
0x69: {  	_ =	shalt  }
0x6a: {  	_ =	shalt  }
0x6b: {  	_ =	shalt  }
0x6c: {  	_ =	shalt  }
0x6d: {  	_ =	shalt  }
0x6e: {  	_ =	shalt  }
0x6f: {  	_ =	shalt  }
0x70: {  	_ =	shalt  }
0x71: {  	_ =	shalt  }
0x72: {  	_ =	shalt  }
0x73: {  	_ =	shalt  }
0x74: {  	_ =	shalt  }
0x75: {  	_ =	shalt  }
0x76: {  	_ =	shalt  }
0x77: {  	_ =	shalt  }
0x78: {  	_ =	shalt  }
0x79: {  	_ =	shalt  }
0x7a: {  	_ =	shalt  }
0x7b: {  	_ =	shalt  }
0x7c: {  	_ =	shalt  }
0x7d: {  	_ =	shalt  }
0x7e: {  	_ =	shalt  }
0x7f: {  	_ =	shalt  }
0x80: {  	_ =	shalt  }
0x81: {  	_ =	shalt  }
0x82: {  	_ =	shalt  }
0x83: {  	_ =	shalt  }
0x84: {  	_ =	shalt  }
0x85: {  	_ =	shalt  }
0x86: {  	_ =	shalt  }
0x87: {  	_ =	shalt  }
.Lfunc_end0:
.L_simem_size_0:
called_computation_lowered:
.L_overlay_start_0:
0x88: {  	s2 =	sld [smem:$0x3FD9]  }
0x89: {  	s3 =	sld [smem:$0x3FFE];
	_ =	sdelay $0x1  }
0x8a: {  	s1 =	srdreg.scid  }
0x8b: {  	s0 =	sand.u32 $0x1, s1  }
0x8c: {  	s17 =	sshll.u32 s0, $0xA;
	s2 =	sadd.s32 s3, s2  }
0x8d: {  	s2 =	sadd.s32 s2, s17  }
0x8e: {  	[smem:$0x3FC0] =	sst s2  }
0x8f: {  	_ = 	snop  }
0x90: {  	s2 =	sld [smem:$0x3FC9];
	(tm) =	ssettm $0x1  }
0x91: {  	s18 =	sld [smem:$0x3FFB];
	_ =	sdelay $0x3  }
0x92: {  	_ =	strace s18  }
0x93: {  	s3 =	sld [smem:$0x3FFC];
	_ =	sdelay $0x3  }
0x94: {  	_ =	strace s3  }
0x95: {  	s3 =	sld [smem:$0x3FFD];
	_ =	sdelay $0x3  }
0x96: {  	_ =	strace s3  }
0x97: {  	_ =	strace $0x8FFFFFFF  }
0x98: {  	s19 =	sld [smem:$0x3FDB];
	_ =	sdelay $0x1  }
0x99: {  	s4 =	simm.s32 $_scs_section_size  }
0x9a: {  	s5 =	simm.s32 $_size__tile_overlayer_lowered;
	s6 =	simm.s32 $_tile_overlayer_lowered  }
0x9b: {  	s22 =	simm.s32 $0x1BFF;
	s21 =	sshll.u32 s6, $0x1;
	s3 =	sadd.s32 s4, s19  }
0x9c: {  	s7 =	simm.s32 $0x0;
	s20 =	sshll.u32 s5, $0x1;
	s5 =	sadd.s32 s21, s3  }
0x9d: {  	[timem:s7], [sflag:s22] =	dma.local [hbm:s5], s20  }
0x9e: {  	_ =	swait.ge [sflag:s22], s20  }
0x9f: {  	s4 =	ssub.s32 $0x0, s20;
	[sflag:s22] =	ssyncset.done $0x0  }
0xa0: {  	[sflag:s22] =	ssyncadd.s32 s4;
	_ =	sdelay $0x1  }
0xa1: {  	s23 =	simm.s32 $0x1B8B  }
0xa2: {  	_ =	swait.ge [sflag:s23], $0x1  }
0xa3: {  	[sflag:s23] =	ssyncset.done $0x0  }
0xa4: {  	s25 =	simm.s32 $0x1B8E;
	s24 =	sld [smem:$0x3FFE];
	[sflag:s23] =	ssyncadd.s32 $0xFFFFFFFF  }
0xa5: {  	s26 =	simm.s32 $execute0_lowered;
	[smem:$0x3FD2] =	sst s25  }
0xa6: {  	s5 =	sshll.u32 s26, $0x1;
	_ =	strace $0x80000046;
	[dreg:$0x1] =	wrdreg $0xFFFFFFFF  }
0xa7: {  	s28 =	simm.s32 $_size_execute0_lowered;
	s3 =	sadd.s32 s3, s5;
	[dreg:$0x0] =	wrdreg $0x0  }
0xa8: {  	s5 =	sshll.u32 s28, $0x1;
	[dreg:$0x2] =	wrdreg s3  }
0xa9: {  	[dreg:$0x3] =	wrdreg s5  }
0xaa: {  	[dreg:$0x4] =	wrdreg $0xC0  }
0xab: {  	_ =	task [dreg:s7], $0x5FFFF  }
0xac: {  	[dreg:$0x1] =	wrdreg $0xFFFFFFFF  }
0xad: {  	[dreg:$0x0] =	wrdreg $0x60  }
0xae: {  	[dreg:$0x2] =	wrdreg s2  }
0xaf: {  	[dreg:$0x3] =	wrdreg s24  }
0xb0: {  	[dreg:$0x4] =	wrdreg $0x0  }
0xb1: {  	[dreg:$0x5] =	wrdreg $0x9  }
0xb2: {  	_ =	task.clear_ibuf [dreg:s7], $0x6FFFF;
	_ =	strace $0x90000046  }
0xb3: {  	s29 =	simm.s32 $0x9;
	_ =	strace $0x80000048  }
0xb4: {  	_ =	swait.ge [sflag:s29], $0x1  }
0xb5: {  	[sflag:s29] =	ssyncadd.s32 $0xFFFFFFFF  }
0xb6: {  	_ =	strace $0x90000048  }
0xb7: {  	_ =	sfence  }
0xb8: {  	s30 =	sld [smem:$0x0];
	_ =	sdelay $0x2  }
0xb9: {  	s31 =	sshll.u32 s1, $0xD;
	s1 =	sshrl.u32 s1, $0x2  }
0xba: {  	s3 =	sand.u32 $0x4000, s31;
	s1 =	sadd.s32 s1, s30  }
0xbb: {  	s0 =	sor.u32 s3, s0;
	s1 =	sshll.u32 s1, $0x11  }
0xbc: {  	s0 =	sor.u32 s1, s0  }
0xbd: {  	s0 =	sadd.s32 $0x8F2B, s0  }
0xbe: {  	[sflag:s0] =	ssyncadd.remote.s32 $0x1  }
0xbf: {  	_ =	sfence.sel $0xFFFF  }
0xc0: {  	[dreg:$0x0] =	wrdreg $0xFFFFFFFF;
	(pc) =	sbr.abs _section_cstart, $3  }
0xc1: {  	[dreg:$0x1] =	wrdreg $0xFFFFFFFF  }
0xc2: {  	_ =	task.clear_ibuf [dreg:s7], $0x2FFFF;
	_ =	strace $0x9FFFFFFF  }
0xc3: {  	(tm) =	ssettm $0x7FFFFFFF  }
tec
execute0_lowered:
.L_overlay_start_1:
0x0: {  	(tag) =	ssettag $0x1  }
0x1: {  	s1 =	rddreg [dreg:$0x0]  }
0x2: {  	s0 =	rddreg [dreg:$0x1]  }
0x3: {  	s2 =	rddreg [dreg:$0x2];
	s3 =	srdreg.scid;
	s4 =	simm.s32 $0x0  }
0x4: {  	s11 =	stileid.u32;
	s28 =	simm.s32 $0x14080;
	s29 =	simm.s32 $0x14100  }
0x5: {  	s30 =	simm.s32 $0x2;
	s31 =	simm.s32 $0x14180;
	s7 =	smul.u32 $0x14000, s11  }
0x6: {  	s3 =	sand.u32 $0x1, s3;
	[smem:$0x7FF] =	sst s4;
	s9 =	smul.u32 $0x50000, s11  }
0x7: {  	s6 =	sshll.u32 s11, $0x1;
	s5 =	smul.u32 $0x140000, s3;
	_ =	strace $0x80000047  }
0x8: {  	s8 =	sor.u32 s3, s6;
	s14 =	ssub.s32 $0x2, s3;
	s3 =	smul.u32 $0x4E00, s3  }
0x9: {  	s6 =	sshll.u32 s8, $0x5;
	s15 =	sshrl.u32 s9, $0x2;
	s16 =	sshrl.u32 s14, $0x1  }
0xa: {  	s10 =	smul.u32 $0x4E00, s8;
	s7 =	sadd.s32 s7, s5;
	s5 =	sadd.s32 $0x2E00, s0  }
0xb: {  	s12 =	sadd.s32 s6, s0;
	s6 =	sadd.s32 s15, s2;
	s15 =	simm.s32 $0x18400  }
0xc: {  	s13 =	sshrl.u32 s7, $0x3;
	s7 =	ssub.s32 s14, s16;
	s8 =	sadd.s32 $0x4000, s6  }
0xd: {  	s9 =	sadd.s32 $0x8000, s6;
	s17 =	sshrl.u32 s10, $0x3;
	s18 =	sadd.s32 $0xC000, s6  }
0xe: {  	[dreg:$0xe] =	wrdreg s6;
	s19 =	sadd.s32 $0x10000, s6;
	s21 =	sadd.s32 $0x2A00, s12  }
0xf: {  	s6 =	simm.s32 $0x10;
	s14 =	simm.s32 $0x1;
	[dreg:$0x4] =	wrdreg s18  }
0x10: {  	s0 =	sadd.s32 s13, s0;
	s13 =	smul.u32 $0x9C00, s11;
	[dreg:$0x5] =	wrdreg s19  }
0x11: {  	s20 =	sadd.s32 s5, s17;
	s23 =	smax.u32 s7, $0x1;
	s7 =	simm.s32 $0x14300  }
0x12: {  	s18 =	simm.s32 $0x14200;
	s22 =	sadd.s32 $0x66600, s0;
	[dreg:$0x9] =	wrdreg s23  }
0x13: {  	s0 =	sadd.s32 $0x16600, s0;
	s16 =	sadd.s32 $0x9A0, s20;
	[dreg:$0x6] =	wrdreg s20  }
0x14: {  	s10 =	sadd.s32 $0x980, s20;
	s23 =	simm.s32 $0x14400;
	[dreg:$0x7] =	wrdreg s22  }
0x15: {  	s20 =	simm.s32 $0x0;
	s3 =	sadd.s32 s3, s13;
	[dreg:$0x8] =	wrdreg s0  }
0x16: {  	[dreg:$0xb] =	wrdreg s10;
	s13 =	simm.s32 $0x14280;
	s25 =	sadd.s32 $0x200, s3  }
0x17: {  	s24 =	sor.u32 $0x100, s3;
	s3 =	sadd.s32 $0x300, s3;
	[dreg:$0xa] =	wrdreg s25  }
0x18: {  	s0 =	sshrl.u32 s24, $0x3;
	s26 =	sshrl.u32 s25, $0x3;
	[dreg:$0xd] =	wrdreg s3  }
0x19: {  	s24 =	simm.s32 $0x3;
	s25 =	simm.s32 $0x14000;
	s19 =	sadd.s32 s0, s5  }
0x1a: {  	v0 =	vimm.f32 $0.0e+00;
	v1 =	vimm.f32 $1.000000000e+00;
	[dreg:$0xc] =	wrdreg s26;
	s22 =	sadd.s32 s26, s5;
	s26 =	simm.s32 $0x80  }
.LBB2_1:
0x1b: {  	s0 =	simm.s32 $0x0;
	s3 =	simm.s32 $0x200  }
.LBB2_2:
0x1c: {  	p0 =	sne.s32 s3, $0xFE00;
	[tilespmem:s0+$0x14470] =	vst v0  }
0x1d: {  	[tilespmem:s0+$0x14400] =	vst v0  }
0x1e: {  	[tilespmem:s0+$0x14410] =	vst v0  }
.Ltmp0:
0x1f: {  	[tilespmem:s0+$0x14420] =	vst v0;
	(pc) =	sbr.rel @p0 .LBB2_2-.Ltmp0, $4  }
0x20: {  	[tilespmem:s0+$0x14430] =	vst v0  }
0x21: {  	[tilespmem:s0+$0x14440] =	vst v0  }
0x22: {  	[tilespmem:s0+$0x14450] =	vst v0  }
0x23: {  	[tilespmem:s0+$0x14460] =	vst v0;
	s0 =	sshra.s32 s3, $0x2;
	s3 =	sadd.s32 $0x200, s3  }
0x24: {  	[tilespmem:s0+$0x14470] =	vst v0  }
0x25: {  	[tilespmem:s0+$0x14400] =	vst v0  }
0x26: {  	[tilespmem:s0+$0x14410] =	vst v0  }
0x27: {  	[tilespmem:s0+$0x14420] =	vst v0  }
0x28: {  	[tilespmem:s0+$0x14430] =	vst v0  }
0x29: {  	[tilespmem:s0+$0x14440] =	vst v0  }
0x2a: {  	[tilespmem:s0+$0x14450] =	vst v0  }
0x2b: {  	[tilespmem:s0+$0x14460] =	vst v0;
	s10 =	rddreg [dreg:$0xe]  }
0x2c: {  	[spmem:s10] =	stream.linear.scatter [tilespmem:s23], [sflag:$0x3], $0x4000, $0x38;
	[tilespmem:$0x1C400] =	vst v63  }
0x2d: {  	_ =	swait.ge [sflag:s24], $0x4000  }
0x2e: {  	[sflag:s24] =	ssyncset.done $0x0  }
0x2f: {  	[sflag:s24] =	ssyncadd.s32 $0xFFFFC000  }
0x30: {  	[spmem:s8] =	stream.linear.scatter [tilespmem:s23], [sflag:$0x3], $0x4000, $0x38;
	[tilespmem:$0x1C400] =	vst v63  }
0x31: {  	_ =	swait.ge [sflag:s24], $0x4000  }
0x32: {  	[sflag:s24] =	ssyncset.done $0x0  }
0x33: {  	[sflag:s24] =	ssyncadd.s32 $0xFFFFC000  }
0x34: {  	[spmem:s9] =	stream.linear.scatter [tilespmem:s23], [sflag:$0x3], $0x4000, $0x38;
	[tilespmem:$0x1C400] =	vst v63  }
0x35: {  	_ =	swait.ge [sflag:s24], $0x4000  }
0x36: {  	[sflag:s24] =	ssyncset.done $0x0  }
0x37: {  	s12 =	rddreg [dreg:$0x4];
	[sflag:s24] =	ssyncadd.s32 $0xFFFFC000  }
0x38: {  	[spmem:s12] =	stream.linear.scatter [tilespmem:s23], [sflag:$0x3], $0x4000, $0x38;
	[tilespmem:$0x1C400] =	vst v63  }
0x39: {  	_ =	swait.ge [sflag:s24], $0x4000  }
0x3a: {  	[sflag:s24] =	ssyncset.done $0x0  }
0x3b: {  	s17 =	rddreg [dreg:$0x5];
	[sflag:s24] =	ssyncadd.s32 $0xFFFFC000  }
0x3c: {  	[spmem:s17] =	stream.linear.scatter [tilespmem:s23], [sflag:$0x3], $0x4000, $0x38;
	[tilespmem:$0x1C400] =	vst v63  }
0x3d: {  	_ =	swait.ge [sflag:s24], $0x4000  }
0x3e: {  	[sflag:s24] =	ssyncset.done $0x0  }
0x3f: {  	[sflag:s24] =	ssyncadd.s32 $0xFFFFC000  }
0x40: {  	s0 =	simm.s32 $0x0;
	s3 =	simm.s32 $0x200;
	[bflag:$0x0] =	sbarrier.arrive $0xFFFF  }
.LBB2_4:
0x41: {  	p0 =	sne.s32 s3, $0xFE00;
	[tilespmem:s0+$0x14470] =	vst v1  }
0x42: {  	[tilespmem:s0+$0x14400] =	vst v1  }
0x43: {  	[tilespmem:s0+$0x14410] =	vst v1  }
.Ltmp1:
0x44: {  	[tilespmem:s0+$0x14420] =	vst v1;
	(pc) =	sbr.rel @p0 .LBB2_4-.Ltmp1, $4  }
0x45: {  	[tilespmem:s0+$0x14430] =	vst v1  }
0x46: {  	[tilespmem:s0+$0x14440] =	vst v1  }
0x47: {  	[tilespmem:s0+$0x14450] =	vst v1  }
0x48: {  	[tilespmem:s0+$0x14460] =	vst v1;
	s0 =	sshra.s32 s3, $0x2;
	s3 =	sadd.s32 $0x200, s3  }
0x49: {  	[tilespmem:s0+$0x14470] =	vst v1  }
0x4a: {  	[tilespmem:s0+$0x14400] =	vst v1  }
0x4b: {  	[tilespmem:s0+$0x14410] =	vst v1  }
0x4c: {  	[tilespmem:s0+$0x14420] =	vst v1  }
0x4d: {  	[tilespmem:s0+$0x14430] =	vst v1  }
0x4e: {  	[tilespmem:s0+$0x14440] =	vst v1  }
0x4f: {  	[tilespmem:s0+$0x14450] =	vst v1  }
0x50: {  	[tilespmem:s0+$0x14460] =	vst v1;
	s11 =	simm.s32 $0x0;
	s3 =	rddreg [dreg:$0x6]  }
0x51: {  	[tilespmem:s25], [sflag:$0x3] =	stream.linear.gather [hbm4b:s3+s11], $0x100, $0x38;
	[tilespmem:$0x1C400] =	vst v63  }
0x52: {  	_ =	swait.ge [sflag:s24], $0x100  }
0x53: {  	[sflag:s24] =	ssyncset.done $0x0  }
0x54: {  	[sflag:s24] =	ssyncadd.s32 $0xFFFFFF00  }
0x55: {  	[spmem:s2] =	stream.indirect.scatter.add.f32 [tilespmem:s23], [sflag:$0x2], $0x80, s28, s26, $0xb8;
	[tilespmem:$0x1C400] =	vst v63  }
0x56: {  	s12 =	sadd.s32 $0x0, s19  }
0x57: {  	[tilespmem:s29], [sflag:$0x3] =	stream.linear.gather [hbm4b:s12+s4], $0x100, $0x38;
	[tilespmem:$0x1C400] =	vst v63  }
0x58: {  	_ =	swait.ge [sflag:s24], $0x100  }
0x59: {  	[sflag:s24] =	ssyncset.done $0x0  }
0x5a: {  	[sflag:s24] =	ssyncadd.s32 $0xFFFFFF00  }
0x5b: {  	_ =	swait.ge [sflag:s30], $0x4000  }
0x5c: {  	[sflag:s30] =	ssyncset.done $0x0  }
0x5d: {  	s17 =	rddreg [dreg:$0xc];
	[sflag:s30] =	ssyncadd.s32 $0xFFFFC000  }
0x5e: {  	[spmem:s2] =	stream.indirect.scatter.add.f32 [tilespmem:s23], [sflag:$0x2], $0x80, s31, s26, $0xb8;
	[tilespmem:$0x1C400] =	vst v63  }
0x5f: {  	s0 =	sadd.s32 s5, s17  }
0x60: {  	[tilespmem:s25], [sflag:$0x3] =	stream.linear.gather [hbm4b:s0+s4], $0x100, $0x38;
	[tilespmem:$0x1C400] =	vst v63  }
0x61: {  	_ =	swait.ge [sflag:s24], $0x100  }
0x62: {  	[sflag:s24] =	ssyncset.done $0x0  }
0x63: {  	[sflag:s24] =	ssyncadd.s32 $0xFFFFFF00  }
0x64: {  	_ =	swait.ge [sflag:s30], $0x4000  }
0x65: {  	s0 =	simm.s32 $0x40;
	[sflag:s30] =	ssyncset.done $0x0;
	s3 =	rddreg [dreg:$0xa]  }
.LBB2_6:
0x66: {  	p0 =	sne.s32 s0, $0x940;
	[sflag:s30] =	ssyncadd.s32 $0xFFFFC000;
	s3 =	sadd.s32 $0x200, s3  }
0x67: {  	[spmem:s2] =	stream.indirect.scatter.add.f32 [tilespmem:s23], [sflag:$0x2], $0x80, s28, s26, $0xb8;
	[tilespmem:$0x1C400] =	vst v63  }
0x68: {  	s17 =	sadd.s32 s0, s19;
	s0 =	sadd.s32 $0x40, s0  }
0x69: {  	[tilespmem:s29], [sflag:$0x3] =	stream.linear.gather [hbm4b:s17+s4], $0x100, $0x38;
	[tilespmem:$0x1C400] =	vst v63  }
0x6a: {  	_ =	swait.ge [sflag:s24], $0x100  }
0x6b: {  	[sflag:s24] =	ssyncset.done $0x0  }
0x6c: {  	[sflag:s24] =	ssyncadd.s32 $0xFFFFFF00  }
0x6d: {  	_ =	swait.ge [sflag:s30], $0x4000  }
0x6e: {  	[sflag:s30] =	ssyncset.done $0x0  }
0x6f: {  	s17 =	sshrl.u32 s3, $0x3;
	[sflag:s30] =	ssyncadd.s32 $0xFFFFC000  }
0x70: {  	[spmem:s2] =	stream.indirect.scatter.add.f32 [tilespmem:s23], [sflag:$0x2], $0x80, s31, s26, $0xb8;
	[tilespmem:$0x1C400] =	vst v63  }
0x71: {  	s17 =	sadd.s32 s5, s17  }
0x72: {  	[tilespmem:s25], [sflag:$0x3] =	stream.linear.gather [hbm4b:s17+s4], $0x100, $0x38;
	[tilespmem:$0x1C400] =	vst v63  }
.Ltmp2:
0x73: {  	_ =	swait.ge [sflag:s24], $0x100;
	(pc) =	sbr.rel @p0 .LBB2_6-.Ltmp2, $4  }
0x74: {  	[sflag:s24] =	ssyncset.done $0x0  }
0x75: {  	[sflag:s24] =	ssyncadd.s32 $0xFFFFFF00  }
0x76: {  	_ =	swait.ge [sflag:s30], $0x4000  }
0x77: {  	[sflag:s30] =	ssyncset.done $0x0  }
0x78: {  	[sflag:s30] =	ssyncadd.s32 $0xFFFFC000  }
0x79: {  	[spmem:s2] =	stream.indirect.scatter.add.f32 [tilespmem:s23], [sflag:$0x2], $0x80, s28, s26, $0xb8;
	[tilespmem:$0x1C400] =	vst v63  }
0x7a: {  	s0 =	simm.s32 $0x0  }
0x7b: {  	[tilespmem:s29], [sflag:$0x3] =	stream.linear.gather [hbm4b:s16+s0], $0x100, $0x38;
	[tilespmem:$0x1C400] =	vst v63  }
0x7c: {  	_ =	swait.ge [sflag:s24], $0x100  }
0x7d: {  	[sflag:s24] =	ssyncset.done $0x0  }
0x7e: {  	[sflag:s24] =	ssyncadd.s32 $0xFFFFFF00  }
0x7f: {  	_ =	swait.ge [sflag:s30], $0x4000  }
0x80: {  	[sflag:s30] =	ssyncset.done $0x0  }
0x81: {  	[sflag:s30] =	ssyncadd.s32 $0xFFFFC000  }
0x82: {  	[spmem:s2] =	stream.indirect.scatter.add.f32 [tilespmem:s23], [sflag:$0x2], $0x80, s31, s26, $0xb8;
	[tilespmem:$0x1C400] =	vst v63  }
0x83: {  	_ = 	snop  }
0x84: {  	[tilespmem:s25], [sflag:$0x3] =	stream.linear.gather [hbm4b:s16+s0], $0x100, $0x38;
	[tilespmem:$0x1C400] =	vst v63  }
0x85: {  	_ =	swait.ge [sflag:s24], $0x100  }
0x86: {  	[sflag:s24] =	ssyncset.done $0x0  }
0x87: {  	[sflag:s24] =	ssyncadd.s32 $0xFFFFFF00  }
0x88: {  	_ =	swait.ge [sflag:s30], $0x4000  }
0x89: {  	[sflag:s30] =	ssyncset.done $0x0  }
0x8a: {  	[sflag:s30] =	ssyncadd.s32 $0xFFFFC000  }
0x8b: {  	[tilespmem:s7], [sflag:$0x3] =	stream.linear.gather [hbm4b:s21+s0], $0x100, $0x38;
	[tilespmem:$0x1C400] =	vst v63  }
0x8c: {  	_ =	swait.ge [sflag:s24], $0x100  }
0x8d: {  	[sflag:s24] =	ssyncset.done $0x0  }
0x8e: {  	s17 =	simm.s32 $0x14380;
	[sflag:s24] =	ssyncadd.s32 $0xFFFFFF00  }
0x8f: {  	[spmem:s2] =	stream.indirect.scatter.add.f32 [tilespmem:s23], [sflag:$0x3], $0x80, s17, s6, $0xb8;
	[tilespmem:$0x1C400] =	vst v63  }
0x90: {  	_ =	swait.ge [sflag:s24], $0x800  }
0x91: {  	[sflag:s24] =	ssyncset.done $0x0  }
0x92: {  	s11 =	smov.u32 s21;
	s21 =	stileid.u32;
	[sflag:s24] =	ssyncadd.s32 $0xFFFFF800  }
0x93: {  	s0 =	sshll.u32 s21, $0x6;
	[bflag:$0x0] =	sbarrier.arrive $0xFFFF  }
0x94: {  	s17 =	sor.u32 $0x1C03, s0;
	s0 =	sshrl.u32 s10, $0x3;
	s3 =	rddreg [dreg:$0x7]  }
0x95: {  	[hbm:s3], [sflag:s17] =	dma.local [spmem:s0], $0x2800  }
0x96: {  	_ =	swait.ge [sflag:s24], $0x2800  }
0x97: {  	[sflag:s24] =	ssyncset.done $0x0  }
0x98: {  	s21 =	simm.s32 $0x200;
	s3 =	simm.s32 $0x0;
	[sflag:s24] =	ssyncadd.s32 $0xFFFFD800  }
.LBB2_8:
0x99: {  	p0 =	sne.s32 s21, $0xFE00;
	[tilespmem:s3+$0x14470] =	vst v0  }
0x9a: {  	[tilespmem:s3+$0x14400] =	vst v0  }
0x9b: {  	[tilespmem:s3+$0x14410] =	vst v0  }
.Ltmp3:
0x9c: {  	[tilespmem:s3+$0x14420] =	vst v0;
	(pc) =	sbr.rel @p0 .LBB2_8-.Ltmp3, $4  }
0x9d: {  	[tilespmem:s3+$0x14430] =	vst v0  }
0x9e: {  	[tilespmem:s3+$0x14440] =	vst v0  }
0x9f: {  	[tilespmem:s3+$0x14450] =	vst v0  }
0xa0: {  	[tilespmem:s3+$0x14460] =	vst v0;
	s3 =	sshra.s32 s21, $0x2;
	s21 =	sadd.s32 $0x200, s21  }
0xa1: {  	[tilespmem:s3+$0x14470] =	vst v0  }
0xa2: {  	[tilespmem:s3+$0x14400] =	vst v0  }
0xa3: {  	[tilespmem:s3+$0x14410] =	vst v0  }
0xa4: {  	[tilespmem:s3+$0x14420] =	vst v0  }
0xa5: {  	[tilespmem:s3+$0x14430] =	vst v0  }
0xa6: {  	[tilespmem:s3+$0x14440] =	vst v0  }
0xa7: {  	[tilespmem:s3+$0x14450] =	vst v0  }
0xa8: {  	[tilespmem:s3+$0x14460] =	vst v0  }
0xa9: {  	[spmem:s10] =	stream.linear.scatter [tilespmem:s23], [sflag:$0x3], $0x4000, $0x38;
	[tilespmem:$0x1C400] =	vst v63  }
0xaa: {  	_ =	swait.ge [sflag:s24], $0x4000  }
0xab: {  	[sflag:s24] =	ssyncset.done $0x0  }
0xac: {  	[sflag:s24] =	ssyncadd.s32 $0xFFFFC000  }
0xad: {  	[spmem:s8] =	stream.linear.scatter [tilespmem:s23], [sflag:$0x3], $0x4000, $0x38;
	[tilespmem:$0x1C400] =	vst v63  }
0xae: {  	_ =	swait.ge [sflag:s24], $0x4000  }
0xaf: {  	[sflag:s24] =	ssyncset.done $0x0  }
0xb0: {  	[sflag:s24] =	ssyncadd.s32 $0xFFFFC000  }
0xb1: {  	[spmem:s9] =	stream.linear.scatter [tilespmem:s23], [sflag:$0x3], $0x4000, $0x38;
	[tilespmem:$0x1C400] =	vst v63  }
0xb2: {  	_ =	swait.ge [sflag:s24], $0x4000  }
0xb3: {  	[sflag:s24] =	ssyncset.done $0x0  }
0xb4: {  	s10 =	smov.u32 s8;
	s8 =	rddreg [dreg:$0x4];
	[sflag:s24] =	ssyncadd.s32 $0xFFFFC000  }
0xb5: {  	[spmem:s8] =	stream.linear.scatter [tilespmem:s23], [sflag:$0x3], $0x4000, $0x38;
	[tilespmem:$0x1C400] =	vst v63  }
0xb6: {  	_ =	swait.ge [sflag:s24], $0x4000  }
0xb7: {  	[sflag:s24] =	ssyncset.done $0x0  }
0xb8: {  	s12 =	smov.u32 s9;
	s9 =	rddreg [dreg:$0x5];
	[sflag:s24] =	ssyncadd.s32 $0xFFFFC000  }
0xb9: {  	[spmem:s9] =	stream.linear.scatter [tilespmem:s23], [sflag:$0x3], $0x4000, $0x38;
	[tilespmem:$0x1C400] =	vst v63  }
0xba: {  	_ =	swait.ge [sflag:s24], $0x4000  }
0xbb: {  	[sflag:s24] =	ssyncset.done $0x0  }
0xbc: {  	[sflag:s24] =	ssyncadd.s32 $0xFFFFC000  }
0xbd: {  	[bflag:$0x0] =	sbarrier.arrive $0xFFFF  }
0xbe: {  	s21 =	simm.s32 $0x0;
	s6 =	rddreg [dreg:$0x6]  }
0xbf: {  	[tilespmem:s25], [sflag:$0x3] =	stream.linear.gather [hbm4b:s6+s21], $0x100, $0x38;
	[tilespmem:$0x1C400] =	vst v63  }
0xc0: {  	_ =	swait.ge [sflag:s24], $0x100  }
0xc1: {  	[sflag:s24] =	ssyncset.done $0x0  }
0xc2: {  	[sflag:s24] =	ssyncadd.s32 $0xFFFFFF00  }
0xc3: {  	[tilespmem:s23], [sflag:$0x1] =	stream.indirect.gather [hbm4b:s1+s26], $0x80, s25, s26, $0xb8;
	[tilespmem:$0x1C400] =	vst v63  }
0xc4: {  	s7 =	sadd.s32 $0x0, s19  }
0xc5: {  	[tilespmem:s29], [sflag:$0x3] =	stream.linear.gather [hbm4b:s7+s4], $0x100, $0x38;
	[tilespmem:$0x1C400] =	vst v63  }
0xc6: {  	_ =	swait.ge [sflag:s24], $0x100  }
0xc7: {  	[sflag:s24] =	ssyncset.done $0x0  }
0xc8: {  	[sflag:s24] =	ssyncadd.s32 $0xFFFFFF00  }
0xc9: {  	_ =	swait.ge [sflag:s14], $0x4000  }
0xca: {  	[sflag:s14] =	ssyncset.done $0x0  }
0xcb: {  	[sflag:s14] =	ssyncadd.s32 $0xFFFFC000  }
0xcc: {  	[tilespmem:s15], [sflag:$0x1] =	stream.indirect.gather [hbm4b:s1+s26], $0x80, s29, s26, $0xb8;
	[tilespmem:$0x1C400] =	vst v63  }
0xcd: {  	_ = 	snop  }
0xce: {  	[spmem:s2] =	stream.indirect.scatter.add.f32 [tilespmem:s23], [sflag:$0x2], $0x80, s28, s26, $0xb8;
	[tilespmem:$0x1C400] =	vst v63  }
0xcf: {  	s8 =	sadd.s32 $0x0, s22  }
0xd0: {  	[tilespmem:s18], [sflag:$0x3] =	stream.linear.gather [hbm4b:s8+s4], $0x100, $0x38;
	[tilespmem:$0x1C400] =	vst v63  }
0xd1: {  	_ =	swait.ge [sflag:s24], $0x100  }
0xd2: {  	[sflag:s24] =	ssyncset.done $0x0  }
0xd3: {  	[sflag:s24] =	ssyncadd.s32 $0xFFFFFF00  }
0xd4: {  	_ =	swait.ge [sflag:s14], $0x4000  }
0xd5: {  	[sflag:s14] =	ssyncset.done $0x0  }
0xd6: {  	[sflag:s14] =	ssyncadd.s32 $0xFFFFC000  }
0xd7: {  	_ =	swait.ge [sflag:s30], $0x4000  }
0xd8: {  	[sflag:s30] =	ssyncset.done $0x0  }
0xd9: {  	s21 =	rddreg [dreg:$0xd];
	[sflag:s30] =	ssyncadd.s32 $0xFFFFC000  }
0xda: {  	[tilespmem:s23], [sflag:$0x1] =	stream.indirect.gather [hbm4b:s1+s26], $0x80, s18, s26, $0xb8;
	[tilespmem:$0x1C400] =	vst v63  }
0xdb: {  	s9 =	sshrl.u32 s21, $0x3  }
0xdc: {  	[spmem:s2] =	stream.indirect.scatter.add.f32 [tilespmem:s15], [sflag:$0x2], $0x80, s31, s26, $0xb8;
	[tilespmem:$0x1C400] =	vst v63  }
0xdd: {  	s3 =	sadd.s32 s5, s9  }
0xde: {  	[tilespmem:s25], [sflag:$0x3] =	stream.linear.gather [hbm4b:s3+s4], $0x100, $0x38;
	[tilespmem:$0x1C400] =	vst v63  }
0xdf: {  	_ =	swait.ge [sflag:s24], $0x100  }
0xe0: {  	[sflag:s24] =	ssyncset.done $0x0  }
0xe1: {  	[sflag:s24] =	ssyncadd.s32 $0xFFFFFF00  }
0xe2: {  	_ =	swait.ge [sflag:s14], $0x4000  }
0xe3: {  	[sflag:s14] =	ssyncset.done $0x0  }
0xe4: {  	[sflag:s14] =	ssyncadd.s32 $0xFFFFC000  }
0xe5: {  	_ =	swait.ge [sflag:s30], $0x4000  }
0xe6: {  	[sflag:s30] =	ssyncset.done $0x0  }
0xe7: {  	[sflag:s30] =	ssyncadd.s32 $0xFFFFC000  }
0xe8: {  	[spmem:s2] =	stream.indirect.scatter.add.f32 [tilespmem:s23], [sflag:$0x2], $0x80, s13, s26, $0xb8;
	[tilespmem:$0x1C400] =	vst v63  }
0xe9: {  	_ =	swait.ge [sflag:s30], $0x4000  }
0xea: {  	s3 =	simm.s32 $0x60;
	[sflag:s30] =	ssyncset.done $0x0  }
.LBB2_10:
0xeb: {  	p0 =	sne.s32 s3, $0x900;
	[sflag:s30] =	ssyncadd.s32 $0xFFFFC000;
	s21 =	sadd.s32 $0x300, s21  }
0xec: {  	[tilespmem:s23], [sflag:$0x1] =	stream.indirect.gather [hbm4b:s1+s26], $0x80, s25, s26, $0xb8;
	[tilespmem:$0x1C400] =	vst v63  }
0xed: {  	s8 =	sadd.s32 s3, s19;
	s9 =	smov.u32 s3;
	s3 =	sadd.s32 $0x60, s3  }
0xee: {  	[tilespmem:s29], [sflag:$0x3] =	stream.linear.gather [hbm4b:s8+s4], $0x100, $0x38;
	[tilespmem:$0x1C400] =	vst v63  }
0xef: {  	_ =	swait.ge [sflag:s24], $0x100  }
0xf0: {  	[sflag:s24] =	ssyncset.done $0x0  }
0xf1: {  	[sflag:s24] =	ssyncadd.s32 $0xFFFFFF00  }
0xf2: {  	_ =	swait.ge [sflag:s14], $0x4000  }
0xf3: {  	[sflag:s14] =	ssyncset.done $0x0  }
0xf4: {  	[sflag:s14] =	ssyncadd.s32 $0xFFFFC000  }
0xf5: {  	[tilespmem:s15], [sflag:$0x1] =	stream.indirect.gather [hbm4b:s1+s26], $0x80, s29, s26, $0xb8;
	[tilespmem:$0x1C400] =	vst v63  }
0xf6: {  	_ = 	snop  }
0xf7: {  	[spmem:s2] =	stream.indirect.scatter.add.f32 [tilespmem:s23], [sflag:$0x2], $0x80, s28, s26, $0xb8;
	[tilespmem:$0x1C400] =	vst v63  }
0xf8: {  	s8 =	sadd.s32 s9, s22  }
0xf9: {  	[tilespmem:s18], [sflag:$0x3] =	stream.linear.gather [hbm4b:s8+s4], $0x100, $0x38;
	[tilespmem:$0x1C400] =	vst v63  }
0xfa: {  	_ =	swait.ge [sflag:s24], $0x100  }
0xfb: {  	[sflag:s24] =	ssyncset.done $0x0  }
0xfc: {  	[sflag:s24] =	ssyncadd.s32 $0xFFFFFF00  }
0xfd: {  	_ =	swait.ge [sflag:s14], $0x4000  }
0xfe: {  	[sflag:s14] =	ssyncset.done $0x0  }
0xff: {  	[sflag:s14] =	ssyncadd.s32 $0xFFFFC000  }
0x100: {  	_ =	swait.ge [sflag:s30], $0x4000  }
0x101: {  	[sflag:s30] =	ssyncset.done $0x0  }
0x102: {  	[sflag:s30] =	ssyncadd.s32 $0xFFFFC000  }
0x103: {  	[tilespmem:s23], [sflag:$0x1] =	stream.indirect.gather [hbm4b:s1+s26], $0x80, s18, s26, $0xb8;
	[tilespmem:$0x1C400] =	vst v63  }
0x104: {  	s8 =	sshrl.u32 s21, $0x3  }
0x105: {  	[spmem:s2] =	stream.indirect.scatter.add.f32 [tilespmem:s15], [sflag:$0x2], $0x80, s31, s26, $0xb8;
	[tilespmem:$0x1C400] =	vst v63  }
0x106: {  	s8 =	sadd.s32 s5, s8  }
0x107: {  	[tilespmem:s25], [sflag:$0x3] =	stream.linear.gather [hbm4b:s8+s4], $0x100, $0x38;
	[tilespmem:$0x1C400] =	vst v63  }
0x108: {  	_ =	swait.ge [sflag:s24], $0x100  }
0x109: {  	[sflag:s24] =	ssyncset.done $0x0  }
0x10a: {  	[sflag:s24] =	ssyncadd.s32 $0xFFFFFF00  }
0x10b: {  	_ =	swait.ge [sflag:s14], $0x4000  }
0x10c: {  	[sflag:s14] =	ssyncset.done $0x0  }
0x10d: {  	[sflag:s14] =	ssyncadd.s32 $0xFFFFC000  }
0x10e: {  	_ =	swait.ge [sflag:s30], $0x4000  }
.Ltmp4:
0x10f: {  	[sflag:s30] =	ssyncset.done $0x0;
	(pc) =	sbr.rel @p0 .LBB2_10-.Ltmp4, $4  }
0x110: {  	[sflag:s30] =	ssyncadd.s32 $0xFFFFC000  }
0x111: {  	[spmem:s2] =	stream.indirect.scatter.add.f32 [tilespmem:s23], [sflag:$0x2], $0x80, s13, s26, $0xb8;
	[tilespmem:$0x1C400] =	vst v63  }
0x112: {  	_ =	swait.ge [sflag:s30], $0x4000  }
0x113: {  	[sflag:s30] =	ssyncset.done $0x0  }
0x114: {  	[sflag:s30] =	ssyncadd.s32 $0xFFFFC000  }
0x115: {  	[tilespmem:s23], [sflag:$0x1] =	stream.indirect.gather [hbm4b:s1+s26], $0x80, s25, s26, $0xb8;
	[tilespmem:$0x1C400] =	vst v63  }
0x116: {  	s3 =	rddreg [dreg:$0xb]  }
0x117: {  	[tilespmem:s29], [sflag:$0x3] =	stream.linear.gather [hbm4b:s3+s4], $0x100, $0x38;
	[tilespmem:$0x1C400] =	vst v63  }
0x118: {  	_ =	swait.ge [sflag:s24], $0x100  }
0x119: {  	[sflag:s24] =	ssyncset.done $0x0  }
0x11a: {  	[sflag:s24] =	ssyncadd.s32 $0xFFFFFF00  }
0x11b: {  	_ =	swait.ge [sflag:s14], $0x4000  }
0x11c: {  	[sflag:s14] =	ssyncset.done $0x0  }
0x11d: {  	[sflag:s14] =	ssyncadd.s32 $0xFFFFC000  }
0x11e: {  	[tilespmem:s15], [sflag:$0x1] =	stream.indirect.gather [hbm4b:s1+s26], $0x80, s29, s26, $0xb8;
	[tilespmem:$0x1C400] =	vst v63  }
0x11f: {  	_ = 	snop  }
0x120: {  	[spmem:s2] =	stream.indirect.scatter.add.f32 [tilespmem:s23], [sflag:$0x2], $0x80, s28, s26, $0xb8;
	[tilespmem:$0x1C400] =	vst v63  }
0x121: {  	_ = 	snop  }
0x122: {  	[tilespmem:s18], [sflag:$0x3] =	stream.linear.gather [hbm4b:s16+s4], $0x100, $0x38;
	[tilespmem:$0x1C400] =	vst v63  }
0x123: {  	_ =	swait.ge [sflag:s24], $0x100  }
0x124: {  	[sflag:s24] =	ssyncset.done $0x0  }
0x125: {  	[sflag:s24] =	ssyncadd.s32 $0xFFFFFF00  }
0x126: {  	_ =	swait.ge [sflag:s14], $0x4000  }
0x127: {  	[sflag:s14] =	ssyncset.done $0x0  }
0x128: {  	[sflag:s14] =	ssyncadd.s32 $0xFFFFC000  }
0x129: {  	_ =	swait.ge [sflag:s30], $0x4000  }
0x12a: {  	[sflag:s30] =	ssyncset.done $0x0  }
0x12b: {  	[sflag:s30] =	ssyncadd.s32 $0xFFFFC000  }
0x12c: {  	[tilespmem:s23], [sflag:$0x1] =	stream.indirect.gather [hbm4b:s1+s26], $0x80, s18, s26, $0xb8;
	[tilespmem:$0x1C400] =	vst v63  }
0x12d: {  	_ = 	snop  }
0x12e: {  	[spmem:s2] =	stream.indirect.scatter.add.f32 [tilespmem:s15], [sflag:$0x2], $0x80, s31, s26, $0xb8;
	[tilespmem:$0x1C400] =	vst v63  }
0x12f: {  	_ = 	snop  }
0x130: {  	[tilespmem:s25], [sflag:$0x3] =	stream.linear.gather [hbm4b:s16+s4], $0x100, $0x38;
	[tilespmem:$0x1C400] =	vst v63  }
0x131: {  	_ =	swait.ge [sflag:s24], $0x100  }
0x132: {  	[sflag:s24] =	ssyncset.done $0x0  }
0x133: {  	[sflag:s24] =	ssyncadd.s32 $0xFFFFFF00  }
0x134: {  	_ =	swait.ge [sflag:s14], $0x4000  }
0x135: {  	[sflag:s14] =	ssyncset.done $0x0  }
0x136: {  	[sflag:s14] =	ssyncadd.s32 $0xFFFFC000  }
0x137: {  	_ =	swait.ge [sflag:s30], $0x4000  }
0x138: {  	[sflag:s30] =	ssyncset.done $0x0  }
0x139: {  	[sflag:s30] =	ssyncadd.s32 $0xFFFFC000  }
0x13a: {  	[spmem:s2] =	stream.indirect.scatter.add.f32 [tilespmem:s23], [sflag:$0x2], $0x80, s13, s26, $0xb8;
	[tilespmem:$0x1C400] =	vst v63  }
0x13b: {  	_ =	swait.ge [sflag:s30], $0x4000  }
0x13c: {  	[sflag:s30] =	ssyncset.done $0x0  }
0x13d: {  	s6 =	simm.s32 $0x14300;
	[sflag:s30] =	ssyncadd.s32 $0xFFFFC000  }
0x13e: {  	[tilespmem:s6], [sflag:$0x3] =	stream.linear.gather [hbm4b:s11+s4], $0x100, $0x38;
	[tilespmem:$0x1C400] =	vst v63  }
0x13f: {  	_ =	swait.ge [sflag:s24], $0x100  }
0x140: {  	[sflag:s24] =	ssyncset.done $0x0  }
0x141: {  	s8 =	simm.s32 $0x10;
	[sflag:s24] =	ssyncadd.s32 $0xFFFFFF00  }
0x142: {  	[tilespmem:s23], [sflag:$0x1] =	stream.indirect.gather [hbm4b:s1+s8], $0x80, s6, s8, $0xb8;
	[tilespmem:$0x1C400] =	vst v63  }
0x143: {  	_ =	swait.ge [sflag:s14], $0x800  }
0x144: {  	[sflag:s14] =	ssyncset.done $0x0  }
0x145: {  	s9 =	simm.s32 $0x14380;
	[sflag:s14] =	ssyncadd.s32 $0xFFFFF800  }
0x146: {  	[spmem:s2] =	stream.indirect.scatter.add.f32 [tilespmem:s23], [sflag:$0x3], $0x80, s9, s8, $0xb8;
	[tilespmem:$0x1C400] =	vst v63  }
0x147: {  	_ =	swait.ge [sflag:s24], $0x800  }
0x148: {  	[sflag:s24] =	ssyncset.done $0x0  }
0x149: {  	[sflag:s24] =	ssyncadd.s32 $0xFFFFF800  }
0x14a: {  	[bflag:$0x0] =	sbarrier.arrive $0xFFFF  }
0x14b: {  	s21 =	smov.u32 s11;
	s11 =	rddreg [dreg:$0x8]  }
0x14c: {  	[hbm:s11], [sflag:s17] =	dma.local [spmem:s0], $0x2800  }
0x14d: {  	_ =	swait.ge [sflag:s24], $0x2800  }
0x14e: {  	s20 =	sadd.s32 $0x1, s20;
	s17 =	rddreg [dreg:$0x9]  }
0x14f: {  	p0 =	sne.s32 s20, s17  }
.Ltmp5:
0x150: {  	_ = 	snop;
	(pc) =	sbr.rel @p0 .LBB2_1-.Ltmp5, $3  }
0x151: {  	_ =	sdelay $0x1  }
0x152: {  	s7 =	simm.s32 $0x14300;
	s6 =	simm.s32 $0x10;
	[sflag:s24] =	ssyncset.done $0x0  }
0x153: {  	s8 =	smov.u32 s10;
	s9 =	smov.u32 s12;
	[sflag:s24] =	ssyncadd.s32 $0xFFFFD800  }
0x154: {  	_ =	sfence.sel $0x180000  }
0x155: {  	[bflag:$0x0] =	sbarrier.arrive $0xFFFF  }
0x156: {  	_ =	strace $0x90000047  }
0x157: {  	s0 =	stileid.u32;
	[bflag:$0x2] =	sbarrier.arrive $0xFFFF  }
0x158: {  	p0 =	sne.s32 s0, $0x0;
	s0 =	rddreg [dreg:$0x3]  }
0x159: {  	s0 =	sadd.s32 @!p0 $0x100000, s0  }
0x15a: {  	[sflag:s0] =	ssyncadd.tile.s32 @!p0 $0x1;
	_ =	shalt  }
.Lfunc_end2:
_tile_overlayer_lowered:
.L_overlay_start_2:
0x15b: {  	(tag) =	ssettag $0x2  }
0x15c: {  	s0 =	rddreg [dreg:$0x0];
	s2 =	stileid.u32  }
0x15d: {  	s1 =	rddreg [dreg:$0x1];
	p0 =	sne.s32 s2, $0x0  }
0x15e: {  	s3 =	rddreg [dreg:$0x2];
	[bflag:$0x3] =	sbarrier.arrive $0xFFFF;
	s2 =	simm.s32 @!p0 $0x1C03  }
0x15f: {  	[timem:s3], [sflag:s2] =	dma.local @!p0 [hbm:s0], s1  }
0x160: {  	s0 =	simm.s32 @!p0 $0x3  }
0x161: {  	_ =	swait.ge @!p0 [sflag:s0], s1  }
0x162: {  	s1 =	ssub.s32 @!p0 $0x0, s1;
	[sflag:s0] =	ssyncset.done @!p0 $0x0  }
0x163: {  	[sflag:s0] =	ssyncadd.s32 @!p0 s1  }
0x164: {  	[bflag:$0x3] =	sbarrier.arrive $0xFFFF  }
0x165: {  	_ =	shalt  }

// kernel: kernel.9.cloned.1.call-start
scs
__scs_entry_jumppad:
0x0: {  	(pc) =	sbr.rel $0x88, $3  }
0x1: {  	(tag) =	ssettag $0x0;
	lr =	simm.s32 $0x1  }
0x2: {  	[smem:$0x3F99] =	sst lr;
	_ =	strace $0xD0000000  }
0x3: {  	_ = 	snop  }
0x4: {  	_ = 	snop  }
0x5: {  	_ = 	snop  }
0x6: {  	_ = 	snop  }
0x7: {  	_ = 	snop  }
__scs_overlays_trampoline_lowered:
0x8: {  	[smem:$0x3FA8] =	sst s0  }
0x9: {  	[smem:$0x3FA9] =	sst s1  }
0xa: {  	[smem:$0x3FAA] =	sst s2  }
0xb: {  	[smem:$0x3FAB] =	sst s3  }
0xc: {  	[smem:$0x3FAC] =	sst s4  }
0xd: {  	[smem:$0x3FAD] =	sst s5  }
0xe: {  	[smem:$0x3FAE] =	sst s6  }
0xf: {  	[smem:$0x3FAF] =	sst s7  }
0x10: {  	[smem:$0x3FB0] =	sst s8  }
0x11: {  	[smem:$0x3FB1] =	sst s9;
	s0 =	simm.s32 @!p0 $0x0  }
0x12: {  	s1 =	sld [smem:$0x3F97];
	s0 =	simm.s32 @p0 $0x1  }
0x13: {  	[smem:$0x3FB2] =	sst s0;
	s0 =	simm.s32 @!p1 $0x0  }
0x14: {  	s2 =	sld [smem:$0x3F96];
	s0 =	simm.s32 @p1 $0x1  }
0x15: {  	[smem:$0x3FB3] =	sst s0;
	s0 =	simm.s32 @!p2 $0x0  }
0x16: {  	s3 =	sld [smem:$0x3FDB];
	s0 =	simm.s32 @p2 $0x1  }
0x17: {  	s4 =	simm.s32 $0x1BF5;
	[smem:$0x3FB5] =	sst s0  }
0x18: {  	s0 =	sld [smem:$0x3F98];
	_ =	swait.ge [sflag:s4], $0x0  }
0x19: {  	s7 =	sld [smem:$0x3F99]  }
0x1a: {  	s8 =	sadd.s32 $0xFFFFE003, lr  }
0x1b: {  	s9 =	sadd.s32 $0xFFFFFEF7, lr;
	s5 =	simm.s32 $0xFFFFFFFF;
	p2 =	slt.u32 s8, $0xFFFFF086  }
0x1c: {  	p1 =	slt.u32 s9, $0xF7A;
	s5 =	simm.s32 @!p2 $0x0  }
0x1d: {  	s5 =	simm.s32 @p1 $0x1;
	p0 =	seq.s32 s7, s2  }
0x1e: {  	s7 =	smul.u32 @!p0 $0xF7A, s2;
	p2 =	seq.s32 @!p0 s5, $0x0  }
0x1f: {  	s9 =	smul.u32 $0xF7A, s1;
	s8 =	simm.s32 @!p0 $0x1BF5;
	p2 =	por !p2, p0  }
0x20: {  	[sflag:s8] =	ssyncset.s32 @!p0 $0xFFFFF086;
	s6 =	sadd.s32 @!p0 s3, s7;
	s7 =	simm.s32 @!p0 $0x108  }
0x21: {  	s3 =	sadd.s32 s3, s9;
	s6 =	sadd.s32 @!p0 $0x88, s6;
	s7 =	simm.s32 @p2 $0x1082  }
0x22: {  	[simem:s7], [sflag:s8] =	dma.local @!p0 [hbm:s6], $0xF7A  }
0x23: {  	s9 =	sor.u32 $0xD0000000, s2;
	s6 =	simm.s32 $0x108;
	_ =	swait.ge @!p0 [sflag:s8], $0x0  }
0x24: {  	s3 =	sadd.s32 $0x88, s3;
	s6 =	simm.s32 @!p1 $0x1082;
	[sflag:s4] =	ssyncset.s32 $0xFFFFF086  }
0x25: {  	[simem:s6], [sflag:s4] =	dma.local [hbm:s3], $0xF7A  }
0x26: {  	[smem:$0x3F99] =	sst s1;
	(tag) =	ssettag s2;
	_ =	strace s9  }
0x27: {  	s1 =	sld [smem:$0x3FA9]  }
0x28: {  	s2 =	sld [smem:$0x3FAA]  }
0x29: {  	s4 =	sld [smem:$0x3FAC]  }
0x2a: {  	p0 =	seq.s32 s5, $0x0;
	s5 =	sld [smem:$0x3FAD]  }
0x2b: {  	s6 =	sld [smem:$0x3FAE]  }
0x2c: {  	s7 =	sld [smem:$0x3FAF]  }
0x2d: {  	s3 =	simm.s32 $0x108;
	s8 =	sld [smem:$0x3FB0]  }
0x2e: {  	s3 =	simm.s32 @!p0 $0x1082;
	s9 =	sld [smem:$0x3FB1]  }
0x2f: {  	lr =	sadd.s32 s0, s3;
	s0 =	sld [smem:$0x3FA8]  }
0x30: {  	s3 =	sld [smem:$0x3FAB]  }
0x31: {  	[smem:$0x3FB4] =	sst s10  }
0x32: {  	s10 =	sld [smem:$0x3FB2];
	_ =	sdelay $0x3  }
0x33: {  	p0 =	seq.s32 s10, $0x1;
	s10 =	sld [smem:$0x3FB4];
	_ =	sdelay $0x3  }
0x34: {  	[smem:$0x3FB4] =	sst s10  }
0x35: {  	s10 =	sld [smem:$0x3FB3];
	_ =	sdelay $0x3  }
0x36: {  	p1 =	seq.s32 s10, $0x1;
	s10 =	sld [smem:$0x3FB4];
	_ =	sdelay $0x3  }
0x37: {  	[smem:$0x3FB4] =	sst s10  }
0x38: {  	s10 =	sld [smem:$0x3FB5]  }
0x39: {  	_ = 	snop;
	(pc) =	sbr.ind lr, $3  }
0x3a: {  	_ = 	snop  }
0x3b: {  	_ = 	snop  }
0x3c: {  	p2 =	seq.s32 s10, $0x1;
	s10 =	sld [smem:$0x3FB4]  }
0x3d: {  	_ =	shalt  }
0x3e: {  	_ =	shalt  }
0x3f: {  	_ =	shalt  }
0x40: {  	_ =	shalt  }
0x41: {  	_ =	shalt  }
0x42: {  	_ =	shalt  }
0x43: {  	_ =	shalt  }
0x44: {  	_ =	shalt  }
0x45: {  	_ =	shalt  }
0x46: {  	_ =	shalt  }
0x47: {  	_ =	shalt  }
0x48: {  	_ =	shalt  }
0x49: {  	_ =	shalt  }
0x4a: {  	_ =	shalt  }
0x4b: {  	_ =	shalt  }
0x4c: {  	_ =	shalt  }
0x4d: {  	_ =	shalt  }
0x4e: {  	_ =	shalt  }
0x4f: {  	_ =	shalt  }
0x50: {  	_ =	shalt  }
0x51: {  	_ =	shalt  }
0x52: {  	_ =	shalt  }
0x53: {  	_ =	shalt  }
0x54: {  	_ =	shalt  }
0x55: {  	_ =	shalt  }
0x56: {  	_ =	shalt  }
0x57: {  	_ =	shalt  }
0x58: {  	_ =	shalt  }
0x59: {  	_ =	shalt  }
0x5a: {  	_ =	shalt  }
0x5b: {  	_ =	shalt  }
0x5c: {  	_ =	shalt  }
0x5d: {  	_ =	shalt  }
0x5e: {  	_ =	shalt  }
0x5f: {  	_ =	shalt  }
0x60: {  	_ =	shalt  }
0x61: {  	_ =	shalt  }
0x62: {  	_ =	shalt  }
0x63: {  	_ =	shalt  }
0x64: {  	_ =	shalt  }
0x65: {  	_ =	shalt  }
0x66: {  	_ =	shalt  }
0x67: {  	_ =	shalt  }
0x68: {  	_ =	shalt  }
0x69: {  	_ =	shalt  }
0x6a: {  	_ =	shalt  }
0x6b: {  	_ =	shalt  }
0x6c: {  	_ =	shalt  }
0x6d: {  	_ =	shalt  }
0x6e: {  	_ =	shalt  }
0x6f: {  	_ =	shalt  }
0x70: {  	_ =	shalt  }
0x71: {  	_ =	shalt  }
0x72: {  	_ =	shalt  }
0x73: {  	_ =	shalt  }
0x74: {  	_ =	shalt  }
0x75: {  	_ =	shalt  }
0x76: {  	_ =	shalt  }
0x77: {  	_ =	shalt  }
0x78: {  	_ =	shalt  }
0x79: {  	_ =	shalt  }
0x7a: {  	_ =	shalt  }
0x7b: {  	_ =	shalt  }
0x7c: {  	_ =	shalt  }
0x7d: {  	_ =	shalt  }
0x7e: {  	_ =	shalt  }
0x7f: {  	_ =	shalt  }
0x80: {  	_ =	shalt  }
0x81: {  	_ =	shalt  }
0x82: {  	_ =	shalt  }
0x83: {  	_ =	shalt  }
0x84: {  	_ =	shalt  }
0x85: {  	_ =	shalt  }
0x86: {  	_ =	shalt  }
0x87: {  	_ =	shalt  }
.Lfunc_end0:
.L_simem_size_0:
called_computation.1_lowered:
.L_overlay_start_0:
0x88: {  	s2 =	sld [smem:$0x3FD9]  }
0x89: {  	s3 =	sld [smem:$0x3FFE];
	_ =	sdelay $0x1  }
0x8a: {  	s1 =	srdreg.scid  }
0x8b: {  	s0 =	sand.u32 $0x1, s1  }
0x8c: {  	s17 =	sshll.u32 s0, $0xA;
	s2 =	sadd.s32 s3, s2  }
0x8d: {  	s2 =	sadd.s32 s2, s17  }
0x8e: {  	[smem:$0x3FC0] =	sst s2  }
0x8f: {  	_ = 	snop  }
0x90: {  	s2 =	sld [smem:$0x3FD0];
	(tm) =	ssettm $0x1  }
0x91: {  	s18 =	sld [smem:$0x3FFB];
	_ =	sdelay $0x3  }
0x92: {  	_ =	strace s18  }
0x93: {  	s3 =	sld [smem:$0x3FFC];
	_ =	sdelay $0x3  }
0x94: {  	_ =	strace s3  }
0x95: {  	s3 =	sld [smem:$0x3FFD];
	_ =	sdelay $0x3  }
0x96: {  	_ =	strace s3  }
0x97: {  	_ =	strace $0x8FFFFFFF  }
0x98: {  	s19 =	sld [smem:$0x3FDB];
	_ =	sdelay $0x1  }
0x99: {  	s4 =	simm.s32 $_scs_section_size  }
0x9a: {  	s5 =	simm.s32 $_size__tile_overlayer_lowered;
	s6 =	simm.s32 $_tile_overlayer_lowered  }
0x9b: {  	s22 =	simm.s32 $0x1BFF;
	s21 =	sshll.u32 s6, $0x1;
	s3 =	sadd.s32 s4, s19  }
0x9c: {  	s7 =	simm.s32 $0x0;
	s20 =	sshll.u32 s5, $0x1;
	s5 =	sadd.s32 s21, s3  }
0x9d: {  	[timem:s7], [sflag:s22] =	dma.local [hbm:s5], s20  }
0x9e: {  	_ =	swait.ge [sflag:s22], s20  }
0x9f: {  	s4 =	ssub.s32 $0x0, s20;
	[sflag:s22] =	ssyncset.done $0x0  }
0xa0: {  	[sflag:s22] =	ssyncadd.s32 s4;
	_ =	sdelay $0x1  }
0xa1: {  	s23 =	simm.s32 $0x1B8B  }
0xa2: {  	_ =	swait.ge [sflag:s23], $0x1  }
0xa3: {  	[sflag:s23] =	ssyncset.done $0x0  }
0xa4: {  	s25 =	simm.s32 $0x1B8E;
	s24 =	sld [smem:$0x3FFE];
	[sflag:s23] =	ssyncadd.s32 $0xFFFFFFFF  }
0xa5: {  	s26 =	simm.s32 $execute0_lowered;
	[smem:$0x3FD2] =	sst s25  }
0xa6: {  	s5 =	sshll.u32 s26, $0x1;
	_ =	strace $0x80000049;
	[dreg:$0x1] =	wrdreg $0xFFFFFFFF  }
0xa7: {  	s28 =	simm.s32 $_size_execute0_lowered;
	s3 =	sadd.s32 s3, s5;
	[dreg:$0x0] =	wrdreg $0x0  }
0xa8: {  	s5 =	sshll.u32 s28, $0x1;
	[dreg:$0x2] =	wrdreg s3  }
0xa9: {  	[dreg:$0x3] =	wrdreg s5  }
0xaa: {  	[dreg:$0x4] =	wrdreg $0xC0  }
0xab: {  	_ =	task [dreg:s7], $0x5FFFF  }
0xac: {  	[dreg:$0x1] =	wrdreg $0xFFFFFFFF  }
0xad: {  	[dreg:$0x0] =	wrdreg $0x60  }
0xae: {  	[dreg:$0x2] =	wrdreg s2  }
0xaf: {  	[dreg:$0x3] =	wrdreg s24  }
0xb0: {  	[dreg:$0x4] =	wrdreg $0x0  }
0xb1: {  	[dreg:$0x5] =	wrdreg $0x9  }
0xb2: {  	_ =	task.clear_ibuf [dreg:s7], $0x6FFFF;
	_ =	strace $0x90000049  }
0xb3: {  	s29 =	simm.s32 $0x9;
	_ =	strace $0x8000004B  }
0xb4: {  	_ =	swait.ge [sflag:s29], $0x1  }
0xb5: {  	[sflag:s29] =	ssyncadd.s32 $0xFFFFFFFF  }
0xb6: {  	_ =	strace $0x9000004B  }
0xb7: {  	_ =	sfence  }
0xb8: {  	s30 =	sld [smem:$0x0];
	_ =	sdelay $0x2  }
0xb9: {  	s31 =	sshll.u32 s1, $0xD;
	s1 =	sshrl.u32 s1, $0x2  }
0xba: {  	s3 =	sand.u32 $0x4000, s31;
	s1 =	sadd.s32 s1, s30  }
0xbb: {  	s0 =	sor.u32 s3, s0;
	s1 =	sshll.u32 s1, $0x11  }
0xbc: {  	s0 =	sor.u32 s1, s0  }
0xbd: {  	s0 =	sadd.s32 $0x8F2B, s0  }
0xbe: {  	[sflag:s0] =	ssyncadd.remote.s32 $0x1  }
0xbf: {  	_ =	sfence.sel $0xFFFF  }
0xc0: {  	[dreg:$0x0] =	wrdreg $0xFFFFFFFF;
	(pc) =	sbr.abs _section_cstart, $3  }
0xc1: {  	[dreg:$0x1] =	wrdreg $0xFFFFFFFF  }
0xc2: {  	_ =	task.clear_ibuf [dreg:s7], $0x2FFFF;
	_ =	strace $0x9FFFFFFF  }
0xc3: {  	(tm) =	ssettm $0x7FFFFFFF  }
tec
execute0_lowered:
.L_overlay_start_1:
0x0: {  	(tag) =	ssettag $0x1  }
0x1: {  	s1 =	rddreg [dreg:$0x0]  }
0x2: {  	s0 =	rddreg [dreg:$0x1]  }
0x3: {  	s3 =	rddreg [dreg:$0x2]  }
0x4: {  	s2 =	srdreg.scid;
	s12 =	stileid.u32  }
0x5: {  	s4 =	simm.s32 $0x0;
	s28 =	simm.s32 $0x14080;
	s8 =	smul.u32 $0x14000, s12  }
0x6: {  	s29 =	simm.s32 $0x14200;
	s30 =	simm.s32 $0x2;
	s10 =	smul.u32 $0x50000, s12  }
0x7: {  	s31 =	simm.s32 $0x14180;
	s2 =	sand.u32 $0x1, s2;
	s20 =	smul.u32 $0x9C00, s12  }
0x8: {  	s5 =	sshll.u32 s12, $0x1;
	[smem:$0x7FF] =	sst s4;
	s6 =	smul.u32 $0x140000, s2  }
0x9: {  	s7 =	sor.u32 s2, s5;
	_ =	strace $0x8000004A;
	s5 =	sadd.s32 $0x2E00, s0  }
0xa: {  	s17 =	ssub.s32 $0x2, s2;
	s2 =	smul.u32 $0x4E00, s2;
	s9 =	sshll.u32 s7, $0x5  }
0xb: {  	s10 =	sshrl.u32 s10, $0x2;
	s11 =	sshrl.u32 s17, $0x1;
	s7 =	smul.u32 $0x4E00, s7  }
0xc: {  	s9 =	sadd.s32 s9, s0;
	s6 =	sadd.s32 s8, s6;
	s8 =	ssub.s32 s17, s11  }
0xd: {  	s23 =	sadd.s32 s2, s20;
	s20 =	simm.s32 $0x14400;
	s6 =	sshrl.u32 s6, $0x3  }
0xe: {  	s7 =	sshrl.u32 s7, $0x3;
	s22 =	sadd.s32 $0x2A00, s9;
	s14 =	smax.u32 s8, $0x1  }
0xf: {  	s2 =	sadd.s32 $0x200, s23;
	s24 =	sor.u32 $0x100, s23;
	s8 =	simm.s32 $0x0  }
0x10: {  	s0 =	sadd.s32 s6, s0;
	s6 =	sadd.s32 s10, s3;
	s11 =	sadd.s32 s5, s7  }
0x11: {  	[dreg:$0x8] =	wrdreg s22;
	s25 =	sshrl.u32 s2, $0x3;
	s26 =	sshrl.u32 s24, $0x3  }
0x12: {  	s22 =	simm.s32 $0x14000;
	s24 =	simm.s32 $0x14100;
	s10 =	sadd.s32 $0x4000, s6  }
0x13: {  	s2 =	simm.s32 $0x14300;
	s18 =	sadd.s32 $0x8000, s6;
	[dreg:$0x4] =	wrdreg s10  }
0x14: {  	s7 =	simm.s32 $0x10;
	s19 =	sadd.s32 $0xC000, s6;
	[dreg:$0x5] =	wrdreg s18  }
0x15: {  	s21 =	sadd.s32 $0x10000, s6;
	s0 =	sadd.s32 $0x16600, s0;
	[dreg:$0x6] =	wrdreg s19  }
0x16: {  	s15 =	sadd.s32 $0x980, s11;
	s16 =	sadd.s32 $0x9A0, s11;
	[dreg:$0x7] =	wrdreg s21  }
0x17: {  	[dreg:$0x9] =	wrdreg s0;
	s10 =	sadd.s32 $0x300, s23;
	s18 =	sadd.s32 s25, s5  }
0x18: {  	s19 =	sadd.s32 s26, s5;
	s21 =	simm.s32 $0x3;
	s23 =	simm.s32 $0x80  }
0x19: {  	v0 =	vimm.f32 $0.0e+00;
	s25 =	simm.s32 $0x1;
	s26 =	simm.s32 $0x18400;
	s0 =	simm.s32 $0x14280  }
.LBB2_1:
0x1a: {  	s9 =	simm.s32 $0x0;
	s17 =	simm.s32 $0x200  }
.LBB2_2:
0x1b: {  	p0 =	sne.s32 s17, $0xFE00;
	[tilespmem:s9+$0x14470] =	vst v0  }
0x1c: {  	[tilespmem:s9+$0x14400] =	vst v0  }
0x1d: {  	[tilespmem:s9+$0x14410] =	vst v0  }
.Ltmp0:
0x1e: {  	[tilespmem:s9+$0x14420] =	vst v0;
	(pc) =	sbr.rel @p0 .LBB2_2-.Ltmp0, $4  }
0x1f: {  	[tilespmem:s9+$0x14430] =	vst v0  }
0x20: {  	[tilespmem:s9+$0x14440] =	vst v0  }
0x21: {  	[tilespmem:s9+$0x14450] =	vst v0  }
0x22: {  	[tilespmem:s9+$0x14460] =	vst v0;
	s9 =	sshra.s32 s17, $0x2;
	s17 =	sadd.s32 $0x200, s17  }
0x23: {  	[tilespmem:s9+$0x14470] =	vst v0  }
0x24: {  	[tilespmem:s9+$0x14400] =	vst v0  }
0x25: {  	[tilespmem:s9+$0x14410] =	vst v0  }
0x26: {  	[tilespmem:s9+$0x14420] =	vst v0  }
0x27: {  	[tilespmem:s9+$0x14430] =	vst v0  }
0x28: {  	[tilespmem:s9+$0x14440] =	vst v0  }
0x29: {  	[tilespmem:s9+$0x14450] =	vst v0  }
0x2a: {  	[tilespmem:s9+$0x14460] =	vst v0  }
0x2b: {  	[spmem:s6] =	stream.linear.scatter [tilespmem:s20], [sflag:$0x3], $0x4000, $0x38;
	[tilespmem:$0x1C400] =	vst v63  }
0x2c: {  	_ =	swait.ge [sflag:s21], $0x4000  }
0x2d: {  	[sflag:s21] =	ssyncset.done $0x0  }
0x2e: {  	s13 =	rddreg [dreg:$0x4];
	[sflag:s21] =	ssyncadd.s32 $0xFFFFC000  }
0x2f: {  	[spmem:s13] =	stream.linear.scatter [tilespmem:s20], [sflag:$0x3], $0x4000, $0x38;
	[tilespmem:$0x1C400] =	vst v63  }
0x30: {  	_ =	swait.ge [sflag:s21], $0x4000  }
0x31: {  	[sflag:s21] =	ssyncset.done $0x0  }
0x32: {  	s17 =	rddreg [dreg:$0x5];
	[sflag:s21] =	ssyncadd.s32 $0xFFFFC000  }
0x33: {  	[spmem:s17] =	stream.linear.scatter [tilespmem:s20], [sflag:$0x3], $0x4000, $0x38;
	[tilespmem:$0x1C400] =	vst v63  }
0x34: {  	_ =	swait.ge [sflag:s21], $0x4000  }
0x35: {  	[sflag:s21] =	ssyncset.done $0x0  }
0x36: {  	s12 =	rddreg [dreg:$0x6];
	[sflag:s21] =	ssyncadd.s32 $0xFFFFC000  }
0x37: {  	[spmem:s12] =	stream.linear.scatter [tilespmem:s20], [sflag:$0x3], $0x4000, $0x38;
	[tilespmem:$0x1C400] =	vst v63  }
0x38: {  	_ =	swait.ge [sflag:s21], $0x4000  }
0x39: {  	[sflag:s21] =	ssyncset.done $0x0  }
0x3a: {  	s13 =	rddreg [dreg:$0x7];
	[sflag:s21] =	ssyncadd.s32 $0xFFFFC000  }
0x3b: {  	[spmem:s13] =	stream.linear.scatter [tilespmem:s20], [sflag:$0x3], $0x4000, $0x38;
	[tilespmem:$0x1C400] =	vst v63  }
0x3c: {  	_ =	swait.ge [sflag:s21], $0x4000  }
0x3d: {  	[sflag:s21] =	ssyncset.done $0x0  }
0x3e: {  	[sflag:s21] =	ssyncadd.s32 $0xFFFFC000  }
0x3f: {  	s17 =	simm.s32 $0x0;
	[bflag:$0x0] =	sbarrier.arrive $0xFFFF  }
0x40: {  	[tilespmem:s22], [sflag:$0x3] =	stream.linear.gather [hbm4b:s11+s17], $0x100, $0x38;
	[tilespmem:$0x1C400] =	vst v63  }
0x41: {  	_ =	swait.ge [sflag:s21], $0x100  }
0x42: {  	[sflag:s21] =	ssyncset.done $0x0  }
0x43: {  	[sflag:s21] =	ssyncadd.s32 $0xFFFFFF00  }
0x44: {  	[tilespmem:s20], [sflag:$0x1] =	stream.indirect.gather [hbm4b:s1+s23], $0x80, s22, s23, $0xb8;
	[tilespmem:$0x1C400] =	vst v63  }
0x45: {  	s12 =	sadd.s32 $0x0, s19  }
0x46: {  	[tilespmem:s24], [sflag:$0x3] =	stream.linear.gather [hbm4b:s12+s4], $0x100, $0x38;
	[tilespmem:$0x1C400] =	vst v63  }
0x47: {  	_ =	swait.ge [sflag:s21], $0x100  }
0x48: {  	[sflag:s21] =	ssyncset.done $0x0  }
0x49: {  	[sflag:s21] =	ssyncadd.s32 $0xFFFFFF00  }
0x4a: {  	_ =	swait.ge [sflag:s25], $0x4000  }
0x4b: {  	[sflag:s25] =	ssyncset.done $0x0  }
0x4c: {  	[sflag:s25] =	ssyncadd.s32 $0xFFFFC000  }
0x4d: {  	[tilespmem:s26], [sflag:$0x1] =	stream.indirect.gather [hbm4b:s1+s23], $0x80, s24, s23, $0xb8;
	[tilespmem:$0x1C400] =	vst v63  }
0x4e: {  	_ = 	snop  }
0x4f: {  	[spmem:s3] =	stream.indirect.scatter.add.f32 [tilespmem:s20], [sflag:$0x2], $0x80, s28, s23, $0xb8;
	[tilespmem:$0x1C400] =	vst v63  }
0x50: {  	s13 =	sadd.s32 $0x0, s18  }
0x51: {  	[tilespmem:s29], [sflag:$0x3] =	stream.linear.gather [hbm4b:s13+s4], $0x100, $0x38;
	[tilespmem:$0x1C400] =	vst v63  }
0x52: {  	_ =	swait.ge [sflag:s21], $0x100  }
0x53: {  	[sflag:s21] =	ssyncset.done $0x0  }
0x54: {  	[sflag:s21] =	ssyncadd.s32 $0xFFFFFF00  }
0x55: {  	_ =	swait.ge [sflag:s25], $0x4000  }
0x56: {  	[sflag:s25] =	ssyncset.done $0x0  }
0x57: {  	[sflag:s25] =	ssyncadd.s32 $0xFFFFC000  }
0x58: {  	_ =	swait.ge [sflag:s30], $0x4000  }
0x59: {  	[sflag:s30] =	ssyncset.done $0x0  }
0x5a: {  	[sflag:s30] =	ssyncadd.s32 $0xFFFFC000  }
0x5b: {  	[tilespmem:s20], [sflag:$0x1] =	stream.indirect.gather [hbm4b:s1+s23], $0x80, s29, s23, $0xb8;
	[tilespmem:$0x1C400] =	vst v63  }
0x5c: {  	s17 =	sshrl.u32 s10, $0x3  }
0x5d: {  	[spmem:s3] =	stream.indirect.scatter.add.f32 [tilespmem:s26], [sflag:$0x2], $0x80, s31, s23, $0xb8;
	[tilespmem:$0x1C400] =	vst v63  }
0x5e: {  	s9 =	sadd.s32 s5, s17  }
0x5f: {  	[tilespmem:s22], [sflag:$0x3] =	stream.linear.gather [hbm4b:s9+s4], $0x100, $0x38;
	[tilespmem:$0x1C400] =	vst v63  }
0x60: {  	_ =	swait.ge [sflag:s21], $0x100  }
0x61: {  	[sflag:s21] =	ssyncset.done $0x0  }
0x62: {  	[sflag:s21] =	ssyncadd.s32 $0xFFFFFF00  }
0x63: {  	_ =	swait.ge [sflag:s25], $0x4000  }
0x64: {  	[sflag:s25] =	ssyncset.done $0x0  }
0x65: {  	[sflag:s25] =	ssyncadd.s32 $0xFFFFC000  }
0x66: {  	_ =	swait.ge [sflag:s30], $0x4000  }
0x67: {  	[sflag:s30] =	ssyncset.done $0x0  }
0x68: {  	[sflag:s30] =	ssyncadd.s32 $0xFFFFC000  }
0x69: {  	[spmem:s3] =	stream.indirect.scatter.add.f32 [tilespmem:s20], [sflag:$0x2], $0x80, s0, s23, $0xb8;
	[tilespmem:$0x1C400] =	vst v63  }
0x6a: {  	_ =	swait.ge [sflag:s30], $0x4000  }
0x6b: {  	s17 =	smov.u32 s10;
	s9 =	simm.s32 $0x60;
	[sflag:s30] =	ssyncset.done $0x0  }
.LBB2_4:
0x6c: {  	p0 =	sne.s32 s9, $0x900;
	[sflag:s30] =	ssyncadd.s32 $0xFFFFC000;
	s17 =	sadd.s32 $0x300, s17  }
0x6d: {  	[tilespmem:s20], [sflag:$0x1] =	stream.indirect.gather [hbm4b:s1+s23], $0x80, s22, s23, $0xb8;
	[tilespmem:$0x1C400] =	vst v63  }
0x6e: {  	s12 =	sadd.s32 s9, s19;
	s13 =	smov.u32 s9;
	s9 =	sadd.s32 $0x60, s9  }
0x6f: {  	[tilespmem:s24], [sflag:$0x3] =	stream.linear.gather [hbm4b:s12+s4], $0x100, $0x38;
	[tilespmem:$0x1C400] =	vst v63  }
0x70: {  	_ =	swait.ge [sflag:s21], $0x100  }
0x71: {  	[sflag:s21] =	ssyncset.done $0x0  }
0x72: {  	[sflag:s21] =	ssyncadd.s32 $0xFFFFFF00  }
0x73: {  	_ =	swait.ge [sflag:s25], $0x4000  }
0x74: {  	[sflag:s25] =	ssyncset.done $0x0  }
0x75: {  	[sflag:s25] =	ssyncadd.s32 $0xFFFFC000  }
0x76: {  	[tilespmem:s26], [sflag:$0x1] =	stream.indirect.gather [hbm4b:s1+s23], $0x80, s24, s23, $0xb8;
	[tilespmem:$0x1C400] =	vst v63  }
0x77: {  	_ = 	snop  }
0x78: {  	[spmem:s3] =	stream.indirect.scatter.add.f32 [tilespmem:s20], [sflag:$0x2], $0x80, s28, s23, $0xb8;
	[tilespmem:$0x1C400] =	vst v63  }
0x79: {  	s12 =	sadd.s32 s13, s18  }
0x7a: {  	[tilespmem:s29], [sflag:$0x3] =	stream.linear.gather [hbm4b:s12+s4], $0x100, $0x38;
	[tilespmem:$0x1C400] =	vst v63  }
0x7b: {  	_ =	swait.ge [sflag:s21], $0x100  }
0x7c: {  	[sflag:s21] =	ssyncset.done $0x0  }
0x7d: {  	[sflag:s21] =	ssyncadd.s32 $0xFFFFFF00  }
0x7e: {  	_ =	swait.ge [sflag:s25], $0x4000  }
0x7f: {  	[sflag:s25] =	ssyncset.done $0x0  }
0x80: {  	[sflag:s25] =	ssyncadd.s32 $0xFFFFC000  }
0x81: {  	_ =	swait.ge [sflag:s30], $0x4000  }
0x82: {  	[sflag:s30] =	ssyncset.done $0x0  }
0x83: {  	[sflag:s30] =	ssyncadd.s32 $0xFFFFC000  }
0x84: {  	[tilespmem:s20], [sflag:$0x1] =	stream.indirect.gather [hbm4b:s1+s23], $0x80, s29, s23, $0xb8;
	[tilespmem:$0x1C400] =	vst v63  }
0x85: {  	s12 =	sshrl.u32 s17, $0x3  }
0x86: {  	[spmem:s3] =	stream.indirect.scatter.add.f32 [tilespmem:s26], [sflag:$0x2], $0x80, s31, s23, $0xb8;
	[tilespmem:$0x1C400] =	vst v63  }
0x87: {  	s12 =	sadd.s32 s5, s12  }
0x88: {  	[tilespmem:s22], [sflag:$0x3] =	stream.linear.gather [hbm4b:s12+s4], $0x100, $0x38;
	[tilespmem:$0x1C400] =	vst v63  }
0x89: {  	_ =	swait.ge [sflag:s21], $0x100  }
0x8a: {  	[sflag:s21] =	ssyncset.done $0x0  }
0x8b: {  	[sflag:s21] =	ssyncadd.s32 $0xFFFFFF00  }
0x8c: {  	_ =	swait.ge [sflag:s25], $0x4000  }
0x8d: {  	[sflag:s25] =	ssyncset.done $0x0  }
0x8e: {  	[sflag:s25] =	ssyncadd.s32 $0xFFFFC000  }
0x8f: {  	_ =	swait.ge [sflag:s30], $0x4000  }
.Ltmp1:
0x90: {  	[sflag:s30] =	ssyncset.done $0x0;
	(pc) =	sbr.rel @p0 .LBB2_4-.Ltmp1, $4  }
0x91: {  	[sflag:s30] =	ssyncadd.s32 $0xFFFFC000  }
0x92: {  	[spmem:s3] =	stream.indirect.scatter.add.f32 [tilespmem:s20], [sflag:$0x2], $0x80, s0, s23, $0xb8;
	[tilespmem:$0x1C400] =	vst v63  }
0x93: {  	_ =	swait.ge [sflag:s30], $0x4000  }
0x94: {  	[sflag:s30] =	ssyncset.done $0x0  }
0x95: {  	[sflag:s30] =	ssyncadd.s32 $0xFFFFC000  }
0x96: {  	[tilespmem:s20], [sflag:$0x1] =	stream.indirect.gather [hbm4b:s1+s23], $0x80, s22, s23, $0xb8;
	[tilespmem:$0x1C400] =	vst v63  }
0x97: {  	_ = 	snop  }
0x98: {  	[tilespmem:s24], [sflag:$0x3] =	stream.linear.gather [hbm4b:s15+s4], $0x100, $0x38;
	[tilespmem:$0x1C400] =	vst v63  }
0x99: {  	_ =	swait.ge [sflag:s21], $0x100  }
0x9a: {  	[sflag:s21] =	ssyncset.done $0x0  }
0x9b: {  	[sflag:s21] =	ssyncadd.s32 $0xFFFFFF00  }
0x9c: {  	_ =	swait.ge [sflag:s25], $0x4000  }
0x9d: {  	[sflag:s25] =	ssyncset.done $0x0  }
0x9e: {  	[sflag:s25] =	ssyncadd.s32 $0xFFFFC000  }
0x9f: {  	[tilespmem:s26], [sflag:$0x1] =	stream.indirect.gather [hbm4b:s1+s23], $0x80, s24, s23, $0xb8;
	[tilespmem:$0x1C400] =	vst v63  }
0xa0: {  	_ = 	snop  }
0xa1: {  	[spmem:s3] =	stream.indirect.scatter.add.f32 [tilespmem:s20], [sflag:$0x2], $0x80, s28, s23, $0xb8;
	[tilespmem:$0x1C400] =	vst v63  }
0xa2: {  	_ = 	snop  }
0xa3: {  	[tilespmem:s29], [sflag:$0x3] =	stream.linear.gather [hbm4b:s16+s4], $0x100, $0x38;
	[tilespmem:$0x1C400] =	vst v63  }
0xa4: {  	_ =	swait.ge [sflag:s21], $0x100  }
0xa5: {  	[sflag:s21] =	ssyncset.done $0x0  }
0xa6: {  	[sflag:s21] =	ssyncadd.s32 $0xFFFFFF00  }
0xa7: {  	_ =	swait.ge [sflag:s25], $0x4000  }
0xa8: {  	[sflag:s25] =	ssyncset.done $0x0  }
0xa9: {  	[sflag:s25] =	ssyncadd.s32 $0xFFFFC000  }
0xaa: {  	_ =	swait.ge [sflag:s30], $0x4000  }
0xab: {  	[sflag:s30] =	ssyncset.done $0x0  }
0xac: {  	[sflag:s30] =	ssyncadd.s32 $0xFFFFC000  }
0xad: {  	[tilespmem:s20], [sflag:$0x1] =	stream.indirect.gather [hbm4b:s1+s23], $0x80, s29, s23, $0xb8;
	[tilespmem:$0x1C400] =	vst v63  }
0xae: {  	_ = 	snop  }
0xaf: {  	[spmem:s3] =	stream.indirect.scatter.add.f32 [tilespmem:s26], [sflag:$0x2], $0x80, s31, s23, $0xb8;
	[tilespmem:$0x1C400] =	vst v63  }
0xb0: {  	_ = 	snop  }
0xb1: {  	[tilespmem:s22], [sflag:$0x3] =	stream.linear.gather [hbm4b:s16+s4], $0x100, $0x38;
	[tilespmem:$0x1C400] =	vst v63  }
0xb2: {  	_ =	swait.ge [sflag:s21], $0x100  }
0xb3: {  	[sflag:s21] =	ssyncset.done $0x0  }
0xb4: {  	[sflag:s21] =	ssyncadd.s32 $0xFFFFFF00  }
0xb5: {  	_ =	swait.ge [sflag:s25], $0x4000  }
0xb6: {  	[sflag:s25] =	ssyncset.done $0x0  }
0xb7: {  	[sflag:s25] =	ssyncadd.s32 $0xFFFFC000  }
0xb8: {  	_ =	swait.ge [sflag:s30], $0x4000  }
0xb9: {  	[sflag:s30] =	ssyncset.done $0x0  }
0xba: {  	[sflag:s30] =	ssyncadd.s32 $0xFFFFC000  }
0xbb: {  	[spmem:s3] =	stream.indirect.scatter.add.f32 [tilespmem:s20], [sflag:$0x2], $0x80, s0, s23, $0xb8;
	[tilespmem:$0x1C400] =	vst v63  }
0xbc: {  	_ =	swait.ge [sflag:s30], $0x4000  }
0xbd: {  	[sflag:s30] =	ssyncset.done $0x0  }
0xbe: {  	s9 =	rddreg [dreg:$0x8];
	[sflag:s30] =	ssyncadd.s32 $0xFFFFC000  }
0xbf: {  	[tilespmem:s2], [sflag:$0x3] =	stream.linear.gather [hbm4b:s9+s4], $0x100, $0x38;
	[tilespmem:$0x1C400] =	vst v63  }
0xc0: {  	_ =	swait.ge [sflag:s21], $0x100  }
0xc1: {  	[sflag:s21] =	ssyncset.done $0x0  }
0xc2: {  	[sflag:s21] =	ssyncadd.s32 $0xFFFFFF00  }
0xc3: {  	[tilespmem:s20], [sflag:$0x1] =	stream.indirect.gather [hbm4b:s1+s7], $0x80, s2, s7, $0xb8;
	[tilespmem:$0x1C400] =	vst v63  }
0xc4: {  	_ =	swait.ge [sflag:s25], $0x800  }
0xc5: {  	[sflag:s25] =	ssyncset.done $0x0  }
0xc6: {  	s13 =	simm.s32 $0x14380;
	[sflag:s25] =	ssyncadd.s32 $0xFFFFF800  }
0xc7: {  	[spmem:s3] =	stream.indirect.scatter.add.f32 [tilespmem:s20], [sflag:$0x3], $0x80, s13, s7, $0xb8;
	[tilespmem:$0x1C400] =	vst v63  }
0xc8: {  	_ =	swait.ge [sflag:s21], $0x800  }
0xc9: {  	s17 =	stileid.u32;
	[sflag:s21] =	ssyncset.done $0x0  }
0xca: {  	s12 =	sshrl.u32 s6, $0x3;
	s8 =	sadd.s32 $0x1, s8;
	[sflag:s21] =	ssyncadd.s32 $0xFFFFF800  }
0xcb: {  	p0 =	sne.s32 s8, s14;
	s9 =	sshll.u32 s17, $0x6;
	[bflag:$0x0] =	sbarrier.arrive $0xFFFF  }
.Ltmp2:
0xcc: {  	s9 =	sor.u32 $0x1C03, s9;
	s13 =	rddreg [dreg:$0x9];
	(pc) =	sbr.rel @p0 .LBB2_1-.Ltmp2, $4  }
0xcd: {  	[hbm:s13], [sflag:s9] =	dma.local [spmem:s12], $0x2800  }
0xce: {  	_ =	swait.ge [sflag:s21], $0x2800  }
0xcf: {  	[sflag:s21] =	ssyncset.done $0x0  }
0xd0: {  	[sflag:s21] =	ssyncadd.s32 $0xFFFFD800  }
0xd1: {  	_ =	sfence.sel $0x180000  }
0xd2: {  	[bflag:$0x0] =	sbarrier.arrive $0xFFFF  }
0xd3: {  	_ =	strace $0x9000004A  }
0xd4: {  	s0 =	stileid.u32;
	[bflag:$0x2] =	sbarrier.arrive $0xFFFF  }
0xd5: {  	p0 =	sne.s32 s0, $0x0;
	s0 =	rddreg [dreg:$0x3]  }
0xd6: {  	s0 =	sadd.s32 @!p0 $0x100000, s0  }
0xd7: {  	[sflag:s0] =	ssyncadd.tile.s32 @!p0 $0x1;
	_ =	shalt  }
.Lfunc_end2:
_tile_overlayer_lowered:
.L_overlay_start_2:
0xd8: {  	(tag) =	ssettag $0x2  }
0xd9: {  	s0 =	rddreg [dreg:$0x0];
	s2 =	stileid.u32  }
0xda: {  	s1 =	rddreg [dreg:$0x1];
	p0 =	sne.s32 s2, $0x0  }
0xdb: {  	s3 =	rddreg [dreg:$0x2];
	[bflag:$0x3] =	sbarrier.arrive $0xFFFF;
	s2 =	simm.s32 @!p0 $0x1C03  }
0xdc: {  	[timem:s3], [sflag:s2] =	dma.local @!p0 [hbm:s0], s1  }
0xdd: {  	s0 =	simm.s32 @!p0 $0x3  }
0xde: {  	_ =	swait.ge @!p0 [sflag:s0], s1  }
0xdf: {  	s1 =	ssub.s32 @!p0 $0x0, s1;
	[sflag:s0] =	ssyncset.done @!p0 $0x0  }
0xe0: {  	[sflag:s0] =	ssyncadd.s32 @!p0 s1  }
0xe1: {  	[bflag:$0x3] =	sbarrier.arrive $0xFFFF  }
0xe2: {  	_ =	shalt  }

</sc_bundles>
